<compile_context>
chip_gen: v7x
topology: tpu7x:2x2x1
jax: 0.10.2.dev20260603
libtpu: 0.0.44.dev20260713+nightly
codegen_flags: <defaults>
</compile_context>

<pallas_src>
import functools

import jax
import jax.numpy as jnp
from jax import lax
from jax.experimental import pallas as pl
from jax.experimental.pallas import tpu as pltpu
from jax.experimental.pallas import tpu_sc as plsc

_NC, _NS, _L = 2, 16, 16
_NW = _NC * _NS
NP = 100352
R_BLK = 3200



def _edge_mlp_body(gd_ref, gs_ref, c_ref, w1a, w1b, w1c, b1, w2, b2, w3, b3,
                   o_ref, *, final):
    def nt(w, x):
        return lax.dot_general(w[...], x[...], (((1,), (1,)), ((), ())),
                               preferred_element_type=jnp.float32)

    h = nt(w1a, gd_ref) + nt(w1b, gs_ref) + nt(w1c, c_ref) + b1[...]
    h = jnp.maximum(h, 0.0)
    h = jnp.dot(w2[...], h, preferred_element_type=jnp.float32) + b2[...]
    h = jnp.maximum(h, 0.0)
    o = jnp.dot(w3[...], h, preferred_element_type=jnp.float32) + b3[...]
    if final:
        o_ref[...] = jax.nn.sigmoid(o)
    else:
        o_ref[...] = o.T


def _bd(w, slots_in, slots_out):
    wp = jnp.zeros((slots_in, slots_out), jnp.float32)
    wp = wp.at[:w.shape[0], :w.shape[1]].set(w)
    return jnp.kron(jnp.eye(16, dtype=jnp.float32), wp.T)


def _edge_mlp(gd, gs, c, params, da, dc, dout, *, final=False):
    W1, b1, W2, b2, W3, b3 = params
    G = gd.shape[0]
    H = W1.shape[1]
    grid = G // R_BLK
    w1a = _bd(W1[:da], 8, H)
    w1b = _bd(W1[da:2 * da], 8, H)
    w1c = _bd(W1[2 * da:], 8, H)
    w2 = jnp.kron(jnp.eye(16, dtype=jnp.float32), W2.T)
    mo = 16 if final else 128
    if final:
        w3 = jnp.kron(jnp.eye(16, dtype=jnp.float32), W3.T)
        b3v = jnp.tile(b3, 16)[:, None]
    else:
        w3 = _bd(W3, H, 8)
        b3v = jnp.tile(jnp.pad(b3, (0, 8 - dout)), 16)[:, None]
    b1v = jnp.tile(b1, 16)[:, None]
    b2v = jnp.tile(b2, 16)[:, None]

    def gm(d1):
        return pl.BlockSpec((R_BLK, d1), lambda i: (i, 0))

    def wm(shape):
        return pl.BlockSpec(shape, lambda i: (0, 0))

    if final:
        out_spec = pl.BlockSpec((16, R_BLK), lambda i: (0, i))
        out_shape = jax.ShapeDtypeStruct((16, G), jnp.float32)
    else:
        out_spec = gm(128)
        out_shape = jax.ShapeDtypeStruct((G, 128), jnp.float32)

    return pl.pallas_call(
        functools.partial(_edge_mlp_body, final=final),
        grid=(grid,),
        in_specs=[
            gm(128), gm(128), gm(128),
            wm((16 * H, 128)), wm((16 * H, 128)), wm((16 * H, 128)),
            wm((16 * H, 1)),
            wm((16 * H, 16 * H)), wm((16 * H, 1)),
            wm((mo, 16 * H)), wm((mo, 1)),
        ],
        out_specs=out_spec,
        out_shape=out_shape,
    )(gd, gs, c, w1a, w1b, w1c, b1v, w2, b2v, w3, b3v)


def _node_mlp_body(x_ref, p0_ref, p1_ref, w1a, w1b, b1, w2, b2, w3, b3,
                   o_ref, *, din_x, d_aggr, dout):
    a = x_ref[...][:, :din_x]
    g = (p0_ref[...] + p1_ref[...])[:, :d_aggr]
    h = (jnp.dot(a, w1a[...], preferred_element_type=jnp.float32)
         + jnp.dot(g, w1b[...], preferred_element_type=jnp.float32)
         + b1[...])
    h = jnp.maximum(h, 0.0)
    h = jnp.dot(h, w2[...], preferred_element_type=jnp.float32) + b2[...]
    h = jnp.maximum(h, 0.0)
    o = jnp.dot(h, w3[...], preferred_element_type=jnp.float32) + b3[...]
    o_ref[...] = jnp.concatenate(
        [o, jnp.zeros((o.shape[0], 8 - dout), jnp.float32)], axis=1)


def _node_mlp(xprev, p0, p1, params, din_x, d_aggr, dout):
    W1, b1, W2, b2, W3, b3 = params
    H = W1.shape[1]
    BN = 6272
    grid = NP // BN

    def rm(d1):
        return pl.BlockSpec((BN, d1), lambda i: (i, 0))

    def wm(shape):
        return pl.BlockSpec(shape, lambda i: (0, 0))

    return pl.pallas_call(
        functools.partial(_node_mlp_body, din_x=din_x, d_aggr=d_aggr,
                          dout=dout),
        grid=(grid,),
        in_specs=[
            rm(8), rm(8), rm(8),
            wm((din_x, H)), wm((d_aggr, H)), wm((1, H)),
            wm((H, H)), wm((1, H)),
            wm((H, dout)), wm((1, dout)),
        ],
        out_specs=rm(8),
        out_shape=jax.ShapeDtypeStruct((NP, 8), jnp.float32),
    )(xprev, p0, p1, W1[:din_x], W1[din_x:], b1[None, :],
      W2, b2[None, :], W3, b3[None, :])



def _sc_gather(table, src, dst, ea_t=None, zeros_flat=None):
    E = src.shape[0]
    Dp = table.shape[1]
    K = 2048
    n_chunks = E // K
    n_iter = (n_chunks + 2 * _NW - 1) // (2 * _NW)
    has_ea = ea_t is not None
    mesh = plsc.VectorSubcoreMesh(core_axis_name="c", subcore_axis_name="s")
    out_type = [jax.ShapeDtypeStruct((E // K, K, Dp), jnp.float32),
                jax.ShapeDtypeStruct((E // K, K, Dp), jnp.float32)]
    scratch = ([pltpu.VMEM((K,), jnp.int32)] * 4
               + [pltpu.VMEM((K, Dp), jnp.float32)] * 4
               + [pltpu.SemaphoreType.DMA] * 12)
    if has_ea:
        dea = ea_t.shape[0]
        out_type.append(jax.ShapeDtypeStruct((E // K, K * 8), jnp.float32))
        scratch += [pltpu.VMEM((dea, K), jnp.float32),
                    pltpu.VMEM((K * 8,), jnp.float32)]

    def body(*refs):
        if has_ea:
            (table_h, src_h, dst_h, ea_h, z_h, gd_h, gs_h, ea8_h,
             dv0, sv0, dv1, sv1, rd0, rs0, rd1, rs1, *rest) = refs
            sems, fa, eab = rest[:12], rest[12], rest[13]
        else:
            (table_h, src_h, dst_h, gd_h, gs_h,
             dv0, sv0, dv1, sv1, rd0, rs0, rd1, rs1, *sems) = refs
        wid = lax.axis_index("s") * _NC + lax.axis_index("c")
        iota = lax.broadcasted_iota(jnp.int32, (_L,), 0)
        bufs = ((dv0, sv0, rd0, rs0, sems[0:4]),
                (dv1, sv1, rd1, rs1, sems[4:8]))
        wsems = (sems[8:10], sems[10:12])
        if has_ea:
            pltpu.sync_copy(z_h, eab)

        def chunk(i, carry):
            cs = [(2 * i + b) * _NW + wid for b in range(2)]
            idx_cps = [None, None]
            g_cps = [None, None]
            w_cps = [None, None]
            for b in range(2):
                dv, sv, rd, rs, ss = bufs[b]

                @pl.when(cs[b] < n_chunks)
                def _(b=b, dv=dv, sv=sv, ss=ss):
                    idx_cps[b] = (
                        pltpu.async_copy(dst_h.at[cs[b]], dv, ss[0]),
                        pltpu.async_copy(src_h.at[cs[b]], sv, ss[1]))
            for b in range(2):
                dv, sv, rd, rs, ss = bufs[b]

                @pl.when(cs[b] < n_chunks)
                def _(b=b, dv=dv, sv=sv, rd=rd, rs=rs, ss=ss):
                    idx_cps[b][0].wait()
                    idx_cps[b][1].wait()
                    g_cps[b] = (
                        pltpu.async_copy(table_h.at[dv], rd, ss[2]),
                        pltpu.async_copy(table_h.at[sv], rs, ss[3]))
            if has_ea:
                for b in range(2):
                    @pl.when(cs[b] < n_chunks)
                    def _(b=b):
                        pltpu.sync_copy(ea_h.at[:, cs[b]], fa)

                        def ilv(j, c2):
                            pos = (j * _L + iota) * 8
                            for f in range(dea):
                                v = fa[f, pl.ds(j * _L, _L)]
                                plsc.store_scatter(eab, [pos + f], v)
                            return c2

                        lax.fori_loop(0, K // _L, ilv, 0)
                        pltpu.sync_copy(eab, ea8_h.at[cs[b]])
            for b in range(2):
                dv, sv, rd, rs, ss = bufs[b]

                @pl.when(cs[b] < n_chunks)
                def _(b=b, rd=rd, rs=rs):
                    g_cps[b][0].wait()
                    g_cps[b][1].wait()
                    w_cps[b] = (
                        pltpu.async_copy(rd, gd_h.at[cs[b]], wsems[b][0]),
                        pltpu.async_copy(rs, gs_h.at[cs[b]], wsems[b][1]))
            for b in range(2):
                @pl.when(cs[b] < n_chunks)
                def _(b=b):
                    w_cps[b][0].wait()
                    w_cps[b][1].wait()
            return carry

        lax.fori_loop(0, n_iter, chunk, 0)

    C = n_chunks
    args = [table, src.reshape(C, K), dst.reshape(C, K)]
    if has_ea:
        args += [ea_t.reshape(dea, C, K), zeros_flat]
    return pl.kernel(
        body, out_type=tuple(out_type), mesh=mesh, scratch_types=scratch,
        compiler_params=pltpu.CompilerParams(use_tc_tiling_on_sc=False,
                                             needs_layout_passes=False),
    )(*args)


def _sc_scatter(evals, dst, zeros_nd):
    E, D = evals.shape
    NPt = zeros_nd.shape[0]
    K = 2048
    n_chunks = E // K
    n_iter = (n_chunks + 2 * _NW - 1) // (2 * _NW)
    NPS = NPt // _NS
    mesh = plsc.VectorSubcoreMesh(core_axis_name="c", subcore_axis_name="s")
    scratch = ([pltpu.VMEM((K,), jnp.int32)] * 2
               + [pltpu.VMEM((K, D), jnp.float32)] * 2
               + [pltpu.VMEM_SHARED((NPt, D), jnp.float32)]
               + [pltpu.SemaphoreType.DMA] * 4)

    def body(ev_h, dst_h, z_h, out_h, dv0, dv1, rw0, rw1, shared, *sems):
        cid = lax.axis_index("c")
        sid = lax.axis_index("s")
        wid = sid * _NC + cid
        pltpu.sync_copy(z_h.at[pl.ds(sid * NPS, NPS)],
                        shared.at[pl.ds(sid * NPS, NPS)])
        plsc.subcore_barrier()

        bufs = ((dv0, rw0, sems[0:2]), (dv1, rw1, sems[2:4]))

        def chunk(i, carry):
            cs = [(2 * i + b) * _NW + wid for b in range(2)]
            cps = [None, None]
            for b in range(2):
                dv, rw, ss = bufs[b]

                @pl.when(cs[b] < n_chunks)
                def _(b=b, dv=dv, rw=rw, ss=ss):
                    cps[b] = (
                        pltpu.async_copy(dst_h.at[cs[b]], dv, ss[0]),
                        pltpu.async_copy(ev_h.at[cs[b]], rw, ss[1]))
            for b in range(2):
                dv, rw, ss = bufs[b]

                @pl.when(cs[b] < n_chunks)
                def _(b=b, dv=dv, rw=rw):
                    cps[b][0].wait()
                    cps[b][1].wait()
                    pltpu.sync_copy(rw, shared.at[dv], add=True)
            return carry

        lax.fori_loop(0, n_iter, chunk, 0)
        plsc.subcore_barrier()
        pltpu.sync_copy(shared.at[pl.ds(sid * NPS, NPS)],
                        out_h.at[cid, pl.ds(sid * NPS, NPS)])

    return pl.kernel(
        body,
        out_type=jax.ShapeDtypeStruct((_NC, NPt, D), jnp.float32),
        mesh=mesh, scratch_types=scratch,
        compiler_params=pltpu.CompilerParams(use_tc_tiling_on_sc=False),
    )(evals.reshape(E // K, K, D), dst.reshape(E // K, K), zeros_nd)



def kernel(x, edge_index, edge_attr,
           in1_r1_0, in1_r1_1, in1_r1_2, in1_r1_3, in1_r1_4, in1_r1_5,
           in1_o_0, in1_o_1, in1_o_2, in1_o_3, in1_o_4, in1_o_5,
           in2_r1_0, in2_r1_1, in2_r1_2, in2_r1_3, in2_r1_4, in2_r1_5,
           in2_o_0, in2_o_1, in2_o_2, in2_o_3, in2_o_4, in2_o_5,
           r2_0, r2_1, r2_2, r2_3, r2_4, r2_5):
    in1_r1 = [in1_r1_0, in1_r1_1, in1_r1_2, in1_r1_3, in1_r1_4, in1_r1_5]
    in1_o = [in1_o_0, in1_o_1, in1_o_2, in1_o_3, in1_o_4, in1_o_5]
    in2_r1 = [in2_r1_0, in2_r1_1, in2_r1_2, in2_r1_3, in2_r1_4, in2_r1_5]
    in2_o = [in2_o_0, in2_o_1, in2_o_2, in2_o_3, in2_o_4, in2_o_5]
    r2 = [r2_0, r2_1, r2_2, r2_3, r2_4, r2_5]
    src = edge_index[0]
    dst = edge_index[1]
    N = x.shape[0]
    E = src.shape[0]

    xp = jnp.zeros((NP, 8), jnp.float32).at[:N, :3].set(x)
    z8 = jnp.zeros((NP, 8), jnp.float32)

    def g(a):
        return a.reshape(E // 16, 128)

    one = 1.0 + 0.0 * in1_r1_1[0]

    gd, gs, ea8 = _sc_gather(xp, src, dst, edge_attr.T,
                             jnp.zeros((2048 * 8,), jnp.float32))
    ea_g = ea8.reshape(E // 16, 128)
    e1 = _edge_mlp(g(gd), g(gs), ea_g, in1_r1, 3, 3, 5)
    P1 = _sc_scatter(e1.reshape(E, 8), dst, z8)
    x1p = _node_mlp(xp, P1[0], P1[1], in1_o, 3, 5, 5)

    gd, gs = _sc_gather(x1p, src, dst)
    e2 = _edge_mlp(g(gd), g(gs), e1, in2_r1, 5, 5, 7)
    P2 = _sc_scatter(e2.reshape(E, 8), dst, z8)
    x2p = _node_mlp(x1p, P2[0], P2[1], in2_o, 5, 7, 7)

    gd, gs = _sc_gather(x2p, src, dst)
    o16 = _edge_mlp(g(gd), g(gs), e2, r2, 7, 7, 1, final=True)
    return o16.T.reshape(E, 1) * one

# --- scband reference (transcript-rebuilt; emitter-appended) ---
"""Pipeline reference for scband-my-in-89601607729703 (READ-ONLY COPY).

The authoritative reference and input builder live on the scoring server;
editing this copy changes nothing except your own understanding.
"""

import jax, jax.numpy as jnp
import numpy as np

N = 100000
E = 6400000
H = 16

def _mk_linear(key, fan_in, fan_out):
    k1, k2 = jax.random.split(key)
    bound = 1.0 / np.sqrt(fan_in)
    W = jax.random.uniform(k1, (fan_in, fan_out), minval=-bound, maxval=bound, dtype=jnp.float32)
    b = jax.random.uniform(k2, (fan_out,), minval=-bound, maxval=bound, dtype=jnp.float32)
    return W, b

def _mk_mlp(key, din, dout, h):
    k1, k2, k3 = jax.random.split(key, 3)
    W1, b1 = _mk_linear(k1, din, h)
    W2, b2 = _mk_linear(k2, h, h)
    W3, b3 = _mk_linear(k3, h, dout)
    return [W1, b1, W2, b2, W3, b3]

def setup_inputs(seed: int = 0):
    key = jax.random.key(seed)
    ks = jax.random.split(key, 8)
    x = jax.random.normal(ks[0], (N, 3), dtype=jnp.float32)
    edge_index = jax.random.randint(ks[1], (2, E), 0, N, dtype=jnp.int32)
    edge_attr = jax.random.normal(ks[2], (E, 3), dtype=jnp.float32)
    inp = {"x": x, "edge_index": edge_index, "edge_attr": edge_attr}
    mlps = {
        "in1_r1": _mk_mlp(ks[3], 9, 5, H),
        "in1_o": _mk_mlp(ks[4], 8, 5, H),
        "in2_r1": _mk_mlp(ks[5], 15, 7, H),
        "in2_o": _mk_mlp(ks[6], 12, 7, H),
        "r2": _mk_mlp(ks[7], 21, 1, H),
    }
    for name, ps in mlps.items():
        for i, arr in enumerate(ps):
            inp[name + "_" + str(i)] = arr
    return inp

def _mlp(h, p):
    W1, b1, W2, b2, W3, b3 = p
    h = jax.nn.relu(h @ W1 + b1)
    h = jax.nn.relu(h @ W2 + b2)
    return h @ W3 + b3

def _in_layer(x, src, dst, edge_attr, r1, o):
    # message: m1 = cat([x_i (dst), x_j (src), edge_attr]); E = R1(m1)
    m1 = jnp.concatenate([x[dst], x[src], edge_attr], axis=1)
    e_out = _mlp(m1, r1)
    # aggr='add', flow source_to_target -> scatter-add into dst nodes
    aggr = jax.ops.segment_sum(e_out, dst, num_segments=x.shape[0])
    # update: O(cat([x, aggr]))
    x_new = _mlp(jnp.concatenate([x, aggr], axis=1), o)
    return x_new, e_out

def reference(x, edge_index, edge_attr,
              in1_r1_0, in1_r1_1, in1_r1_2, in1_r1_3, in1_r1_4, in1_r1_5,
              in1_o_0, in1_o_1, in1_o_2, in1_o_3, in1_o_4, in1_o_5,
              in2_r1_0, in2_r1_1, in2_r1_2, in2_r1_3, in2_r1_4, in2_r1_5,
              in2_o_0, in2_o_1, in2_o_2, in2_o_3, in2_o_4, in2_o_5,
              r2_0, r2_1, r2_2, r2_3, r2_4, r2_5):
    in1_r1 = [in1_r1_0, in1_r1_1, in1_r1_2, in1_r1_3, in1_r1_4, in1_r1_5]
    in1_o = [in1_o_0, in1_o_1, in1_o_2, in1_o_3, in1_o_4, in1_o_5]
    in2_r1 = [in2_r1_0, in2_r1_1, in2_r1_2, in2_r1_3, in2_r1_4, in2_r1_5]
    in2_o = [in2_o_0, in2_o_1, in2_o_2, in2_o_3, in2_o_4, in2_o_5]
    r2 = [r2_0, r2_1, r2_2, r2_3, r2_4, r2_5]
    src = edge_index[0]
    dst = edge_index[1]
    x1, e1 = _in_layer(x, src, dst, edge_attr, in1_r1, in1_o)
    x2, e2 = _in_layer(x1, src, dst, e1, in2_r1, in2_o)
    edge_final = jnp.concatenate([x2[dst], x2[src], e2], axis=1)
    return jax.nn.sigmoid(_mlp(edge_final, r2))

if __name__ == "__main__":
    import jax
    _d = setup_inputs()
    print(jax.jit(kernel)(*tuple(_d.values())))

</pallas_src>

<mosaic_0001>
#map = affine_map<(d0, d1) -> (0, 0, 0)>
#map1 = affine_map<(d0, d1) -> (0, 0)>
module attributes {stable_mosaic.version = 14 : i64} {
  func.func @body(%arg0: i32, %arg1: i32, %arg2: memref<3125x2048x8xf32, #tpu.memory_space<hbm>>, %arg3: memref<3125x2048xi32, #tpu.memory_space<hbm>>, %arg4: memref<100352x8xf32, #tpu.memory_space<hbm>>, %arg5: memref<2x100352x8xf32, #tpu.memory_space<hbm>>, %arg6: memref<2048xi32, #tpu.memory_space<vmem>>, %arg7: memref<2048xi32, #tpu.memory_space<vmem>>, %arg8: memref<2048x8xf32, #tpu.memory_space<vmem>>, %arg9: memref<2048x8xf32, #tpu.memory_space<vmem>>, %arg10: memref<100352x8xf32, #tpu.memory_space<vmem_shared>>, %arg11: memref<!tpu.dma_semaphore, #tpu.memory_space<semaphore_mem>>, %arg12: memref<!tpu.dma_semaphore, #tpu.memory_space<semaphore_mem>>, %arg13: memref<!tpu.dma_semaphore, #tpu.memory_space<semaphore_mem>>, %arg14: memref<!tpu.dma_semaphore, #tpu.memory_space<semaphore_mem>>) attributes {dimension_semantics = [#tpu.dimension_semantics<core_parallel>, #tpu.dimension_semantics<subcore_parallel>], iteration_bounds = array<i64: 2, 16>, scalar_prefetch = 0 : i64, scratch_operands = 9 : i64, tpu.core_type = #tpu.core_type<sc_vector_subcore>, window_params = [{transform_indices = #map}, {transform_indices = #map1}, {transform_indices = #map1}, {transform_indices = #map}]} {
    %mul3A = arith.constant 2 : i32
    %mul3A_0 = arith.muli %arg1, %mul3A : i32
    %add3A = arith.addi %mul3A_0, %arg0 : i32
    %mul3A_1 = arith.constant 6272 : i32
    %mul3A_2 = arith.muli %arg1, %mul3A_1 : i32
    %mul3A_3 = arith.constant 6272 : i32
    %mul3A_4 = arith.muli %arg1, %mul3A_3 : i32
    "tpu.region"() ({
      %run_scoped3A = tpu.sem_alloc : memref<!tpu.dma_semaphore, #tpu.memory_space<semaphore_mem>>
      %dma_start3A = arith.constant 0 : i32
      %dma_start3A_15 = tpu.memref_slice %arg10[%mul3A_4, %dma_start3A] : memref<100352x8xf32, #tpu.memory_space<vmem_shared>> -> memref<6272x8xf32, #tpu.memory_space<vmem_shared>>
      %dma_start3A_16 = arith.constant 0 : i32
      %dma_start3A_17 = tpu.memref_slice %arg4[%mul3A_2, %dma_start3A_16] : memref<100352x8xf32, #tpu.memory_space<hbm>> -> memref<6272x8xf32, #tpu.memory_space<hbm>>
      tpu.enqueue_dma source(%dma_start3A_17 : memref<6272x8xf32, #tpu.memory_space<hbm>>) target(%dma_start3A_15 : memref<6272x8xf32, #tpu.memory_space<vmem_shared>>) target_semaphore(%run_scoped3A : memref<!tpu.dma_semaphore, #tpu.memory_space<semaphore_mem>>)
      %dma_wait3A = arith.constant 0 : i32
      %dma_wait3A_18 = tpu.memref_slice %arg10[%mul3A_4, %dma_wait3A] : memref<100352x8xf32, #tpu.memory_space<vmem_shared>> -> memref<6272x8xf32, #tpu.memory_space<vmem_shared>>
      %dma_wait3A_19 = arith.constant 0 : i32
      %dma_wait3A_20 = tpu.memref_slice %arg4[%mul3A_2, %dma_wait3A_19] : memref<100352x8xf32, #tpu.memory_space<hbm>> -> memref<6272x8xf32, #tpu.memory_space<hbm>>
      tpu.wait_dma2 semaphore(%run_scoped3A : memref<!tpu.dma_semaphore, #tpu.memory_space<semaphore_mem>>) src(%dma_wait3A_20 : memref<6272x8xf32, #tpu.memory_space<hbm>>) dst(%dma_wait3A_18 : memref<6272x8xf32, #tpu.memory_space<vmem_shared>>)
      tpu.yield
    }) : () -> ()
    %barrier3A = arith.constant 0 : index
    tpu.barrier barrier_id(%barrier3A)
    %scan3A = arith.constant 0 : i32
    %scan3A_5 = arith.constant 0 : i32
    %scan3A_6 = arith.constant 49 : i32
    %scan3A_7 = arith.addi %scan3A_5, %scan3A_6 : i32
    %scan3A_8 = arith.constant 1 : i32
    scf.for %scan3A_15 = %scan3A_5 to %scan3A_7 step %scan3A_8  : i32 {
      %mul3A_16 = arith.constant 2 : i32
      %mul3A_17 = arith.muli %mul3A_16, %scan3A_15 : i32
      %add3A_18 = arith.constant 0 : i32
      %add3A_19 = arith.addi %mul3A_17, %add3A_18 : i32
      %mul3A_20 = arith.constant 32 : i32
      %mul3A_21 = arith.muli %add3A_19, %mul3A_20 : i32
      %add3A_22 = arith.addi %mul3A_21, %add3A : i32
      %mul3A_23 = arith.constant 2 : i32
      %mul3A_24 = arith.muli %mul3A_23, %scan3A_15 : i32
      %add3A_25 = arith.constant 1 : i32
      %add3A_26 = arith.addi %mul3A_24, %add3A_25 : i32
      %mul3A_27 = arith.constant 32 : i32
      %mul3A_28 = arith.muli %add3A_26, %mul3A_27 : i32
      %add3A_29 = arith.addi %mul3A_28, %add3A : i32
      %lt3A = arith.constant 3125 : i32
      %lt3A_30 = arith.cmpi slt, %add3A_22, %lt3A : i32
      %convert_element_type3A = arith.extui %lt3A_30 : i1 to i32
      %cond3A = arith.constant 0 : i32
      %cond3A_31 = arith.cmpi ne, %convert_element_type3A, %cond3A : i32
      scf.if %cond3A_31 {
        %dma_start3A = arith.constant 0 : i32
        %dma_start3A_47 = tpu.memref_slice %arg3[%add3A_22, %dma_start3A] : memref<3125x2048xi32, #tpu.memory_space<hbm>> -> memref<1x2048xi32, #tpu.memory_space<hbm>>
        %dma_start3A_48 = tpu.memref_squeeze %dma_start3A_47 : memref<1x2048xi32, #tpu.memory_space<hbm>> -> memref<2048xi32, #tpu.memory_space<hbm>>
        %dma_start3A_49 = arith.constant 0 : i32
        %dma_start3A_50 = tpu.memref_slice %arg3[%add3A_22, %dma_start3A_49] : memref<3125x2048xi32, #tpu.memory_space<hbm>> -> memref<1x2048xi32, #tpu.memory_space<hbm>>
        %dma_start3A_51 = tpu.memref_squeeze %dma_start3A_50 : memref<1x2048xi32, #tpu.memory_space<hbm>> -> memref<2048xi32, #tpu.memory_space<hbm>>
        tpu.enqueue_dma source(%dma_start3A_51 : memref<2048xi32, #tpu.memory_space<hbm>>) target(%arg6 : memref<2048xi32, #tpu.memory_space<vmem>>) target_semaphore(%arg11 : memref<!tpu.dma_semaphore, #tpu.memory_space<semaphore_mem>>)
        %dma_start3A_52 = arith.constant 0 : i32
        %dma_start3A_53 = arith.constant 0 : i32
        %dma_start3A_54 = tpu.memref_slice %arg2[%add3A_22, %dma_start3A_52, %dma_start3A_53] : memref<3125x2048x8xf32, #tpu.memory_space<hbm>> -> memref<1x2048x8xf32, #tpu.memory_space<hbm>>
        %dma_start3A_55 = tpu.memref_squeeze %dma_start3A_54 : memref<1x2048x8xf32, #tpu.memory_space<hbm>> -> memref<2048x8xf32, #tpu.memory_space<hbm>>
        %dma_start3A_56 = arith.constant 0 : i32
        %dma_start3A_57 = arith.constant 0 : i32
        %dma_start3A_58 = tpu.memref_slice %arg2[%add3A_22, %dma_start3A_56, %dma_start3A_57] : memref<3125x2048x8xf32, #tpu.memory_space<hbm>> -> memref<1x2048x8xf32, #tpu.memory_space<hbm>>
        %dma_start3A_59 = tpu.memref_squeeze %dma_start3A_58 : memref<1x2048x8xf32, #tpu.memory_space<hbm>> -> memref<2048x8xf32, #tpu.memory_space<hbm>>
        tpu.enqueue_dma source(%dma_start3A_59 : memref<2048x8xf32, #tpu.memory_space<hbm>>) target(%arg8 : memref<2048x8xf32, #tpu.memory_space<vmem>>) target_semaphore(%arg12 : memref<!tpu.dma_semaphore, #tpu.memory_space<semaphore_mem>>)
      } else {
      }
      %lt3A_32 = arith.constant 3125 : i32
      %lt3A_33 = arith.cmpi slt, %add3A_29, %lt3A_32 : i32
      %convert_element_type3A_34 = arith.extui %lt3A_33 : i1 to i32
      %cond3A_35 = arith.constant 0 : i32
      %cond3A_36 = arith.cmpi ne, %convert_element_type3A_34, %cond3A_35 : i32
      scf.if %cond3A_36 {
        %dma_start3A = arith.constant 0 : i32
        %dma_start3A_47 = tpu.memref_slice %arg3[%add3A_29, %dma_start3A] : memref<3125x2048xi32, #tpu.memory_space<hbm>> -> memref<1x2048xi32, #tpu.memory_space<hbm>>
        %dma_start3A_48 = tpu.memref_squeeze %dma_start3A_47 : memref<1x2048xi32, #tpu.memory_space<hbm>> -> memref<2048xi32, #tpu.memory_space<hbm>>
        %dma_start3A_49 = arith.constant 0 : i32
        %dma_start3A_50 = tpu.memref_slice %arg3[%add3A_29, %dma_start3A_49] : memref<3125x2048xi32, #tpu.memory_space<hbm>> -> memref<1x2048xi32, #tpu.memory_space<hbm>>
        %dma_start3A_51 = tpu.memref_squeeze %dma_start3A_50 : memref<1x2048xi32, #tpu.memory_space<hbm>> -> memref<2048xi32, #tpu.memory_space<hbm>>
        tpu.enqueue_dma source(%dma_start3A_51 : memref<2048xi32, #tpu.memory_space<hbm>>) target(%arg7 : memref<2048xi32, #tpu.memory_space<vmem>>) target_semaphore(%arg13 : memref<!tpu.dma_semaphore, #tpu.memory_space<semaphore_mem>>)
        %dma_start3A_52 = arith.constant 0 : i32
        %dma_start3A_53 = arith.constant 0 : i32
        %dma_start3A_54 = tpu.memref_slice %arg2[%add3A_29, %dma_start3A_52, %dma_start3A_53] : memref<3125x2048x8xf32, #tpu.memory_space<hbm>> -> memref<1x2048x8xf32, #tpu.memory_space<hbm>>
        %dma_start3A_55 = tpu.memref_squeeze %dma_start3A_54 : memref<1x2048x8xf32, #tpu.memory_space<hbm>> -> memref<2048x8xf32, #tpu.memory_space<hbm>>
        %dma_start3A_56 = arith.constant 0 : i32
        %dma_start3A_57 = arith.constant 0 : i32
        %dma_start3A_58 = tpu.memref_slice %arg2[%add3A_29, %dma_start3A_56, %dma_start3A_57] : memref<3125x2048x8xf32, #tpu.memory_space<hbm>> -> memref<1x2048x8xf32, #tpu.memory_space<hbm>>
        %dma_start3A_59 = tpu.memref_squeeze %dma_start3A_58 : memref<1x2048x8xf32, #tpu.memory_space<hbm>> -> memref<2048x8xf32, #tpu.memory_space<hbm>>
        tpu.enqueue_dma source(%dma_start3A_59 : memref<2048x8xf32, #tpu.memory_space<hbm>>) target(%arg9 : memref<2048x8xf32, #tpu.memory_space<vmem>>) target_semaphore(%arg14 : memref<!tpu.dma_semaphore, #tpu.memory_space<semaphore_mem>>)
      } else {
      }
      %lt3A_37 = arith.constant 3125 : i32
      %lt3A_38 = arith.cmpi slt, %add3A_22, %lt3A_37 : i32
      %convert_element_type3A_39 = arith.extui %lt3A_38 : i1 to i32
      %cond3A_40 = arith.constant 0 : i32
      %cond3A_41 = arith.cmpi ne, %convert_element_type3A_39, %cond3A_40 : i32
      scf.if %cond3A_41 {
        %dma_wait3A = arith.constant 0 : i32
        %dma_wait3A_47 = tpu.memref_slice %arg3[%add3A_22, %dma_wait3A] : memref<3125x2048xi32, #tpu.memory_space<hbm>> -> memref<1x2048xi32, #tpu.memory_space<hbm>>
        %dma_wait3A_48 = tpu.memref_squeeze %dma_wait3A_47 : memref<1x2048xi32, #tpu.memory_space<hbm>> -> memref<2048xi32, #tpu.memory_space<hbm>>
        %dma_wait3A_49 = arith.constant 0 : i32
        %dma_wait3A_50 = tpu.memref_slice %arg3[%add3A_22, %dma_wait3A_49] : memref<3125x2048xi32, #tpu.memory_space<hbm>> -> memref<1x2048xi32, #tpu.memory_space<hbm>>
        %dma_wait3A_51 = tpu.memref_squeeze %dma_wait3A_50 : memref<1x2048xi32, #tpu.memory_space<hbm>> -> memref<2048xi32, #tpu.memory_space<hbm>>
        tpu.wait_dma2 semaphore(%arg11 : memref<!tpu.dma_semaphore, #tpu.memory_space<semaphore_mem>>) src(%dma_wait3A_51 : memref<2048xi32, #tpu.memory_space<hbm>>) dst(%arg6 : memref<2048xi32, #tpu.memory_space<vmem>>)
        %dma_wait3A_52 = arith.constant 0 : i32
        %dma_wait3A_53 = arith.constant 0 : i32
        %dma_wait3A_54 = tpu.memref_slice %arg2[%add3A_22, %dma_wait3A_52, %dma_wait3A_53] : memref<3125x2048x8xf32, #tpu.memory_space<hbm>> -> memref<1x2048x8xf32, #tpu.memory_space<hbm>>
        %dma_wait3A_55 = tpu.memref_squeeze %dma_wait3A_54 : memref<1x2048x8xf32, #tpu.memory_space<hbm>> -> memref<2048x8xf32, #tpu.memory_space<hbm>>
        %dma_wait3A_56 = arith.constant 0 : i32
        %dma_wait3A_57 = arith.constant 0 : i32
        %dma_wait3A_58 = tpu.memref_slice %arg2[%add3A_22, %dma_wait3A_56, %dma_wait3A_57] : memref<3125x2048x8xf32, #tpu.memory_space<hbm>> -> memref<1x2048x8xf32, #tpu.memory_space<hbm>>
        %dma_wait3A_59 = tpu.memref_squeeze %dma_wait3A_58 : memref<1x2048x8xf32, #tpu.memory_space<hbm>> -> memref<2048x8xf32, #tpu.memory_space<hbm>>
        tpu.wait_dma2 semaphore(%arg12 : memref<!tpu.dma_semaphore, #tpu.memory_space<semaphore_mem>>) src(%dma_wait3A_59 : memref<2048x8xf32, #tpu.memory_space<hbm>>) dst(%arg8 : memref<2048x8xf32, #tpu.memory_space<vmem>>)
        "tpu.region"() ({
          %run_scoped3A = tpu.sem_alloc : memref<!tpu.dma_semaphore, #tpu.memory_space<semaphore_mem>>
          %dma_start3A = arith.constant 0 : i32
          %dma_start3A_60 = arith.constant 0 : i32
          %dma_start3A_61 = tpu.memref_slice %arg10[%dma_start3A, %dma_start3A_60] : memref<100352x8xf32, #tpu.memory_space<vmem_shared>> -> memref<100352x8xf32, #tpu.memory_space<vmem_shared>>
          tpu.enqueue_indirect_dma source(%arg8 : memref<2048x8xf32, #tpu.memory_space<vmem>>) target(%dma_start3A_61 : memref<100352x8xf32, #tpu.memory_space<vmem_shared>>) offsets(%arg6 : memref<2048xi32, #tpu.memory_space<vmem>>) semaphore(%run_scoped3A : memref<!tpu.dma_semaphore, #tpu.memory_space<semaphore_mem>>) {add = true}
          %dma_wait3A_62 = arith.constant 0 : i32
          %dma_wait3A_63 = arith.constant 0 : i32
          %dma_wait3A_64 = tpu.memref_slice %arg10[%dma_wait3A_62, %dma_wait3A_63] : memref<100352x8xf32, #tpu.memory_space<vmem_shared>> -> memref<100352x8xf32, #tpu.memory_space<vmem_shared>>
          tpu.wait_indirect_dma semaphore(%run_scoped3A : memref<!tpu.dma_semaphore, #tpu.memory_space<semaphore_mem>>) src(%arg8 : memref<2048x8xf32, #tpu.memory_space<vmem>>) dst(%dma_wait3A_64 : memref<100352x8xf32, #tpu.memory_space<vmem_shared>>)
          tpu.yield
        }) : () -> ()
      } else {
      }
      %lt3A_42 = arith.constant 3125 : i32
      %lt3A_43 = arith.cmpi slt, %add3A_29, %lt3A_42 : i32
      %convert_element_type3A_44 = arith.extui %lt3A_43 : i1 to i32
      %cond3A_45 = arith.constant 0 : i32
      %cond3A_46 = arith.cmpi ne, %convert_element_type3A_44, %cond3A_45 : i32
      scf.if %cond3A_46 {
        %dma_wait3A = arith.constant 0 : i32
        %dma_wait3A_47 = tpu.memref_slice %arg3[%add3A_29, %dma_wait3A] : memref<3125x2048xi32, #tpu.memory_space<hbm>> -> memref<1x2048xi32, #tpu.memory_space<hbm>>
        %dma_wait3A_48 = tpu.memref_squeeze %dma_wait3A_47 : memref<1x2048xi32, #tpu.memory_space<hbm>> -> memref<2048xi32, #tpu.memory_space<hbm>>
        %dma_wait3A_49 = arith.constant 0 : i32
        %dma_wait3A_50 = tpu.memref_slice %arg3[%add3A_29, %dma_wait3A_49] : memref<3125x2048xi32, #tpu.memory_space<hbm>> -> memref<1x2048xi32, #tpu.memory_space<hbm>>
        %dma_wait3A_51 = tpu.memref_squeeze %dma_wait3A_50 : memref<1x2048xi32, #tpu.memory_space<hbm>> -> memref<2048xi32, #tpu.memory_space<hbm>>
        tpu.wait_dma2 semaphore(%arg13 : memref<!tpu.dma_semaphore, #tpu.memory_space<semaphore_mem>>) src(%dma_wait3A_51 : memref<2048xi32, #tpu.memory_space<hbm>>) dst(%arg7 : memref<2048xi32, #tpu.memory_space<vmem>>)
        %dma_wait3A_52 = arith.constant 0 : i32
        %dma_wait3A_53 = arith.constant 0 : i32
        %dma_wait3A_54 = tpu.memref_slice %arg2[%add3A_29, %dma_wait3A_52, %dma_wait3A_53] : memref<3125x2048x8xf32, #tpu.memory_space<hbm>> -> memref<1x2048x8xf32, #tpu.memory_space<hbm>>
        %dma_wait3A_55 = tpu.memref_squeeze %dma_wait3A_54 : memref<1x2048x8xf32, #tpu.memory_space<hbm>> -> memref<2048x8xf32, #tpu.memory_space<hbm>>
        %dma_wait3A_56 = arith.constant 0 : i32
        %dma_wait3A_57 = arith.constant 0 : i32
        %dma_wait3A_58 = tpu.memref_slice %arg2[%add3A_29, %dma_wait3A_56, %dma_wait3A_57] : memref<3125x2048x8xf32, #tpu.memory_space<hbm>> -> memref<1x2048x8xf32, #tpu.memory_space<hbm>>
        %dma_wait3A_59 = tpu.memref_squeeze %dma_wait3A_58 : memref<1x2048x8xf32, #tpu.memory_space<hbm>> -> memref<2048x8xf32, #tpu.memory_space<hbm>>
        tpu.wait_dma2 semaphore(%arg14 : memref<!tpu.dma_semaphore, #tpu.memory_space<semaphore_mem>>) src(%dma_wait3A_59 : memref<2048x8xf32, #tpu.memory_space<hbm>>) dst(%arg9 : memref<2048x8xf32, #tpu.memory_space<vmem>>)
        "tpu.region"() ({
          %run_scoped3A = tpu.sem_alloc : memref<!tpu.dma_semaphore, #tpu.memory_space<semaphore_mem>>
          %dma_start3A = arith.constant 0 : i32
          %dma_start3A_60 = arith.constant 0 : i32
          %dma_start3A_61 = tpu.memref_slice %arg10[%dma_start3A, %dma_start3A_60] : memref<100352x8xf32, #tpu.memory_space<vmem_shared>> -> memref<100352x8xf32, #tpu.memory_space<vmem_shared>>
          tpu.enqueue_indirect_dma source(%arg9 : memref<2048x8xf32, #tpu.memory_space<vmem>>) target(%dma_start3A_61 : memref<100352x8xf32, #tpu.memory_space<vmem_shared>>) offsets(%arg7 : memref<2048xi32, #tpu.memory_space<vmem>>) semaphore(%run_scoped3A : memref<!tpu.dma_semaphore, #tpu.memory_space<semaphore_mem>>) {add = true}
          %dma_wait3A_62 = arith.constant 0 : i32
          %dma_wait3A_63 = arith.constant 0 : i32
          %dma_wait3A_64 = tpu.memref_slice %arg10[%dma_wait3A_62, %dma_wait3A_63] : memref<100352x8xf32, #tpu.memory_space<vmem_shared>> -> memref<100352x8xf32, #tpu.memory_space<vmem_shared>>
          tpu.wait_indirect_dma semaphore(%run_scoped3A : memref<!tpu.dma_semaphore, #tpu.memory_space<semaphore_mem>>) src(%arg9 : memref<2048x8xf32, #tpu.memory_space<vmem>>) dst(%dma_wait3A_64 : memref<100352x8xf32, #tpu.memory_space<vmem_shared>>)
          tpu.yield
        }) : () -> ()
      } else {
      }
    }
    %scan3A_9 = arith.constant 49 : i32
    %barrier3A_10 = arith.constant 0 : index
    tpu.barrier barrier_id(%barrier3A_10)
    %mul3A_11 = arith.constant 6272 : i32
    %mul3A_12 = arith.muli %arg1, %mul3A_11 : i32
    %mul3A_13 = arith.constant 6272 : i32
    %mul3A_14 = arith.muli %arg1, %mul3A_13 : i32
    "tpu.region"() ({
      %run_scoped3A = tpu.sem_alloc : memref<!tpu.dma_semaphore, #tpu.memory_space<semaphore_mem>>
      %dma_start3A = arith.constant 0 : i32
      %dma_start3A_15 = tpu.memref_slice %arg5[%arg0, %mul3A_14, %dma_start3A] : memref<2x100352x8xf32, #tpu.memory_space<hbm>> -> memref<1x6272x8xf32, #tpu.memory_space<hbm>>
      %dma_start3A_16 = tpu.memref_squeeze %dma_start3A_15 : memref<1x6272x8xf32, #tpu.memory_space<hbm>> -> memref<6272x8xf32, #tpu.memory_space<hbm>>
      %dma_start3A_17 = arith.constant 0 : i32
      %dma_start3A_18 = tpu.memref_slice %arg10[%mul3A_12, %dma_start3A_17] : memref<100352x8xf32, #tpu.memory_space<vmem_shared>> -> memref<6272x8xf32, #tpu.memory_space<vmem_shared>>
      tpu.enqueue_dma source(%dma_start3A_18 : memref<6272x8xf32, #tpu.memory_space<vmem_shared>>) target(%dma_start3A_16 : memref<6272x8xf32, #tpu.memory_space<hbm>>) target_semaphore(%run_scoped3A : memref<!tpu.dma_semaphore, #tpu.memory_space<semaphore_mem>>)
      %dma_wait3A = arith.constant 0 : i32
      %dma_wait3A_19 = tpu.memref_slice %arg5[%arg0, %mul3A_14, %dma_wait3A] : memref<2x100352x8xf32, #tpu.memory_space<hbm>> -> memref<1x6272x8xf32, #tpu.memory_space<hbm>>
      %dma_wait3A_20 = tpu.memref_squeeze %dma_wait3A_19 : memref<1x6272x8xf32, #tpu.memory_space<hbm>> -> memref<6272x8xf32, #tpu.memory_space<hbm>>
      %dma_wait3A_21 = arith.constant 0 : i32
      %dma_wait3A_22 = tpu.memref_slice %arg10[%mul3A_12, %dma_wait3A_21] : memref<100352x8xf32, #tpu.memory_space<vmem_shared>> -> memref<6272x8xf32, #tpu.memory_space<vmem_shared>>
      tpu.wait_dma2 semaphore(%run_scoped3A : memref<!tpu.dma_semaphore, #tpu.memory_space<semaphore_mem>>) src(%dma_wait3A_22 : memref<6272x8xf32, #tpu.memory_space<vmem_shared>>) dst(%dma_wait3A_20 : memref<6272x8xf32, #tpu.memory_space<hbm>>)
      tpu.yield
    }) : () -> ()
    return
  }
}

#map = affine_map<(d0, d1) -> (0, 0, 0)>
#map1 = affine_map<(d0, d1) -> (0, 0)>
module attributes {stable_mosaic.version = 14 : i64} {
  func.func @body(%arg0: i32, %arg1: i32, %arg2: memref<3125x2048x8xf32, #tpu.memory_space<hbm>>, %arg3: memref<3125x2048xi32, #tpu.memory_space<hbm>>, %arg4: memref<100352x8xf32, #tpu.memory_space<hbm>>, %arg5: memref<2x100352x8xf32, #tpu.memory_space<hbm>>, %arg6: memref<2048xi32, #tpu.memory_space<vmem>>, %arg7: memref<2048xi32, #tpu.memory_space<vmem>>, %arg8: memref<2048x8xf32, #tpu.memory_space<vmem>>, %arg9: memref<2048x8xf32, #tpu.memory_space<vmem>>, %arg10: memref<100352x8xf32, #tpu.memory_space<vmem_shared>>, %arg11: memref<!tpu.dma_semaphore, #tpu.memory_space<semaphore_mem>>, %arg12: memref<!tpu.dma_semaphore, #tpu.memory_space<semaphore_mem>>, %arg13: memref<!tpu.dma_semaphore, #tpu.memory_space<semaphore_mem>>, %arg14: memref<!tpu.dma_semaphore, #tpu.memory_space<semaphore_mem>>) attributes {dimension_semantics = [#tpu.dimension_semantics<core_parallel>, #tpu.dimension_semantics<subcore_parallel>], iteration_bounds = array<i64: 2, 16>, scalar_prefetch = 0 : i64, scratch_operands = 9 : i64, tpu.core_type = #tpu.core_type<sc_vector_subcore>, window_params = [{transform_indices = #map}, {transform_indices = #map1}, {transform_indices = #map1}, {transform_indices = #map}]} {
    %mul3A = arith.constant 2 : i32
    %mul3A_0 = arith.muli %arg1, %mul3A : i32
    %add3A = arith.addi %mul3A_0, %arg0 : i32
    %mul3A_1 = arith.constant 6272 : i32
    %mul3A_2 = arith.muli %arg1, %mul3A_1 : i32
    %mul3A_3 = arith.constant 6272 : i32
    %mul3A_4 = arith.muli %arg1, %mul3A_3 : i32
    "tpu.region"() ({
      %run_scoped3A = tpu.sem_alloc : memref<!tpu.dma_semaphore, #tpu.memory_space<semaphore_mem>>
      %dma_start3A = arith.constant 0 : i32
      %dma_start3A_15 = tpu.memref_slice %arg10[%mul3A_4, %dma_start3A] : memref<100352x8xf32, #tpu.memory_space<vmem_shared>> -> memref<6272x8xf32, #tpu.memory_space<vmem_shared>>
      %dma_start3A_16 = arith.constant 0 : i32
      %dma_start3A_17 = tpu.memref_slice %arg4[%mul3A_2, %dma_start3A_16] : memref<100352x8xf32, #tpu.memory_space<hbm>> -> memref<6272x8xf32, #tpu.memory_space<hbm>>
      tpu.enqueue_dma source(%dma_start3A_17 : memref<6272x8xf32, #tpu.memory_space<hbm>>) target(%dma_start3A_15 : memref<6272x8xf32, #tpu.memory_space<vmem_shared>>) target_semaphore(%run_scoped3A : memref<!tpu.dma_semaphore, #tpu.memory_space<semaphore_mem>>)
      %dma_wait3A = arith.constant 0 : i32
      %dma_wait3A_18 = tpu.memref_slice %arg10[%mul3A_4, %dma_wait3A] : memref<100352x8xf32, #tpu.memory_space<vmem_shared>> -> memref<6272x8xf32, #tpu.memory_space<vmem_shared>>
      %dma_wait3A_19 = arith.constant 0 : i32
      %dma_wait3A_20 = tpu.memref_slice %arg4[%mul3A_2, %dma_wait3A_19] : memref<100352x8xf32, #tpu.memory_space<hbm>> -> memref<6272x8xf32, #tpu.memory_space<hbm>>
      tpu.wait_dma2 semaphore(%run_scoped3A : memref<!tpu.dma_semaphore, #tpu.memory_space<semaphore_mem>>) src(%dma_wait3A_20 : memref<6272x8xf32, #tpu.memory_space<hbm>>) dst(%dma_wait3A_18 : memref<6272x8xf32, #tpu.memory_space<vmem_shared>>)
      tpu.yield
    }) : () -> ()
    %barrier3A = arith.constant 0 : index
    tpu.barrier barrier_id(%barrier3A)
    %scan3A = arith.constant 0 : i32
    %scan3A_5 = arith.constant 0 : i32
    %scan3A_6 = arith.constant 49 : i32
    %scan3A_7 = arith.addi %scan3A_5, %scan3A_6 : i32
    %scan3A_8 = arith.constant 1 : i32
    scf.for %scan3A_15 = %scan3A_5 to %scan3A_7 step %scan3A_8  : i32 {
      %mul3A_16 = arith.constant 2 : i32
      %mul3A_17 = arith.muli %mul3A_16, %scan3A_15 : i32
      %add3A_18 = arith.constant 0 : i32
      %add3A_19 = arith.addi %mul3A_17, %add3A_18 : i32
      %mul3A_20 = arith.constant 32 : i32
      %mul3A_21 = arith.muli %add3A_19, %mul3A_20 : i32
      %add3A_22 = arith.addi %mul3A_21, %add3A : i32
      %mul3A_23 = arith.constant 2 : i32
      %mul3A_24 = arith.muli %mul3A_23, %scan3A_15 : i32
      %add3A_25 = arith.constant 1 : i32
      %add3A_26 = arith.addi %mul3A_24, %add3A_25 : i32
      %mul3A_27 = arith.constant 32 : i32
      %mul3A_28 = arith.muli %add3A_26, %mul3A_27 : i32
      %add3A_29 = arith.addi %mul3A_28, %add3A : i32
      %lt3A = arith.constant 3125 : i32
      %lt3A_30 = arith.cmpi slt, %add3A_22, %lt3A : i32
      %convert_element_type3A = arith.extui %lt3A_30 : i1 to i32
      %cond3A = arith.constant 0 : i32
      %cond3A_31 = arith.cmpi ne, %convert_element_type3A, %cond3A : i32
      scf.if %cond3A_31 {
        %dma_start3A = arith.constant 0 : i32
        %dma_start3A_47 = tpu.memref_slice %arg3[%add3A_22, %dma_start3A] : memref<3125x2048xi32, #tpu.memory_space<hbm>> -> memref<1x2048xi32, #tpu.memory_space<hbm>>
        %dma_start3A_48 = tpu.memref_squeeze %dma_start3A_47 : memref<1x2048xi32, #tpu.memory_space<hbm>> -> memref<2048xi32, #tpu.memory_space<hbm>>
        %dma_start3A_49 = arith.constant 0 : i32
        %dma_start3A_50 = tpu.memref_slice %arg3[%add3A_22, %dma_start3A_49] : memref<3125x2048xi32, #tpu.memory_space<hbm>> -> memref<1x2048xi32, #tpu.memory_space<hbm>>
        %dma_start3A_51 = tpu.memref_squeeze %dma_start3A_50 : memref<1x2048xi32, #tpu.memory_space<hbm>> -> memref<2048xi32, #tpu.memory_space<hbm>>
        tpu.enqueue_dma source(%dma_start3A_51 : memref<2048xi32, #tpu.memory_space<hbm>>) target(%arg6 : memref<2048xi32, #tpu.memory_space<vmem>>) target_semaphore(%arg11 : memref<!tpu.dma_semaphore, #tpu.memory_space<semaphore_mem>>)
        %dma_start3A_52 = arith.constant 0 : i32
        %dma_start3A_53 = arith.constant 0 : i32
        %dma_start3A_54 = tpu.memref_slice %arg2[%add3A_22, %dma_start3A_52, %dma_start3A_53] : memref<3125x2048x8xf32, #tpu.memory_space<hbm>> -> memref<1x2048x8xf32, #tpu.memory_space<hbm>>
        %dma_start3A_55 = tpu.memref_squeeze %dma_start3A_54 : memref<1x2048x8xf32, #tpu.memory_space<hbm>> -> memref<2048x8xf32, #tpu.memory_space<hbm>>
        %dma_start3A_56 = arith.constant 0 : i32
        %dma_start3A_57 = arith.constant 0 : i32
        %dma_start3A_58 = tpu.memref_slice %arg2[%add3A_22, %dma_start3A_56, %dma_start3A_57] : memref<3125x2048x8xf32, #tpu.memory_space<hbm>> -> memref<1x2048x8xf32, #tpu.memory_space<hbm>>
        %dma_start3A_59 = tpu.memref_squeeze %dma_start3A_58 : memref<1x2048x8xf32, #tpu.memory_space<hbm>> -> memref<2048x8xf32, #tpu.memory_space<hbm>>
        tpu.enqueue_dma source(%dma_start3A_59 : memref<2048x8xf32, #tpu.memory_space<hbm>>) target(%arg8 : memref<2048x8xf32, #tpu.memory_space<vmem>>) target_semaphore(%arg12 : memref<!tpu.dma_semaphore, #tpu.memory_space<semaphore_mem>>)
      } else {
      }
      %lt3A_32 = arith.constant 3125 : i32
      %lt3A_33 = arith.cmpi slt, %add3A_29, %lt3A_32 : i32
      %convert_element_type3A_34 = arith.extui %lt3A_33 : i1 to i32
      %cond3A_35 = arith.constant 0 : i32
      %cond3A_36 = arith.cmpi ne, %convert_element_type3A_34, %cond3A_35 : i32
      scf.if %cond3A_36 {
        %dma_start3A = arith.constant 0 : i32
        %dma_start3A_47 = tpu.memref_slice %arg3[%add3A_29, %dma_start3A] : memref<3125x2048xi32, #tpu.memory_space<hbm>> -> memref<1x2048xi32, #tpu.memory_space<hbm>>
        %dma_start3A_48 = tpu.memref_squeeze %dma_start3A_47 : memref<1x2048xi32, #tpu.memory_space<hbm>> -> memref<2048xi32, #tpu.memory_space<hbm>>
        %dma_start3A_49 = arith.constant 0 : i32
        %dma_start3A_50 = tpu.memref_slice %arg3[%add3A_29, %dma_start3A_49] : memref<3125x2048xi32, #tpu.memory_space<hbm>> -> memref<1x2048xi32, #tpu.memory_space<hbm>>
        %dma_start3A_51 = tpu.memref_squeeze %dma_start3A_50 : memref<1x2048xi32, #tpu.memory_space<hbm>> -> memref<2048xi32, #tpu.memory_space<hbm>>
        tpu.enqueue_dma source(%dma_start3A_51 : memref<2048xi32, #tpu.memory_space<hbm>>) target(%arg7 : memref<2048xi32, #tpu.memory_space<vmem>>) target_semaphore(%arg13 : memref<!tpu.dma_semaphore, #tpu.memory_space<semaphore_mem>>)
        %dma_start3A_52 = arith.constant 0 : i32
        %dma_start3A_53 = arith.constant 0 : i32
        %dma_start3A_54 = tpu.memref_slice %arg2[%add3A_29, %dma_start3A_52, %dma_start3A_53] : memref<3125x2048x8xf32, #tpu.memory_space<hbm>> -> memref<1x2048x8xf32, #tpu.memory_space<hbm>>
        %dma_start3A_55 = tpu.memref_squeeze %dma_start3A_54 : memref<1x2048x8xf32, #tpu.memory_space<hbm>> -> memref<2048x8xf32, #tpu.memory_space<hbm>>
        %dma_start3A_56 = arith.constant 0 : i32
        %dma_start3A_57 = arith.constant 0 : i32
        %dma_start3A_58 = tpu.memref_slice %arg2[%add3A_29, %dma_start3A_56, %dma_start3A_57] : memref<3125x2048x8xf32, #tpu.memory_space<hbm>> -> memref<1x2048x8xf32, #tpu.memory_space<hbm>>
        %dma_start3A_59 = tpu.memref_squeeze %dma_start3A_58 : memref<1x2048x8xf32, #tpu.memory_space<hbm>> -> memref<2048x8xf32, #tpu.memory_space<hbm>>
        tpu.enqueue_dma source(%dma_start3A_59 : memref<2048x8xf32, #tpu.memory_space<hbm>>) target(%arg9 : memref<2048x8xf32, #tpu.memory_space<vmem>>) target_semaphore(%arg14 : memref<!tpu.dma_semaphore, #tpu.memory_space<semaphore_mem>>)
      } else {
      }
      %lt3A_37 = arith.constant 3125 : i32
      %lt3A_38 = arith.cmpi slt, %add3A_22, %lt3A_37 : i32
      %convert_element_type3A_39 = arith.extui %lt3A_38 : i1 to i32
      %cond3A_40 = arith.constant 0 : i32
      %cond3A_41 = arith.cmpi ne, %convert_element_type3A_39, %cond3A_40 : i32
      scf.if %cond3A_41 {
        %dma_wait3A = arith.constant 0 : i32
        %dma_wait3A_47 = tpu.memref_slice %arg3[%add3A_22, %dma_wait3A] : memref<3125x2048xi32, #tpu.memory_space<hbm>> -> memref<1x2048xi32, #tpu.memory_space<hbm>>
        %dma_wait3A_48 = tpu.memref_squeeze %dma_wait3A_47 : memref<1x2048xi32, #tpu.memory_space<hbm>> -> memref<2048xi32, #tpu.memory_space<hbm>>
        %dma_wait3A_49 = arith.constant 0 : i32
        %dma_wait3A_50 = tpu.memref_slice %arg3[%add3A_22, %dma_wait3A_49] : memref<3125x2048xi32, #tpu.memory_space<hbm>> -> memref<1x2048xi32, #tpu.memory_space<hbm>>
        %dma_wait3A_51 = tpu.memref_squeeze %dma_wait3A_50 : memref<1x2048xi32, #tpu.memory_space<hbm>> -> memref<2048xi32, #tpu.memory_space<hbm>>
        tpu.wait_dma2 semaphore(%arg11 : memref<!tpu.dma_semaphore, #tpu.memory_space<semaphore_mem>>) src(%dma_wait3A_51 : memref<2048xi32, #tpu.memory_space<hbm>>) dst(%arg6 : memref<2048xi32, #tpu.memory_space<vmem>>)
        %dma_wait3A_52 = arith.constant 0 : i32
        %dma_wait3A_53 = arith.constant 0 : i32
        %dma_wait3A_54 = tpu.memref_slice %arg2[%add3A_22, %dma_wait3A_52, %dma_wait3A_53] : memref<3125x2048x8xf32, #tpu.memory_space<hbm>> -> memref<1x2048x8xf32, #tpu.memory_space<hbm>>
        %dma_wait3A_55 = tpu.memref_squeeze %dma_wait3A_54 : memref<1x2048x8xf32, #tpu.memory_space<hbm>> -> memref<2048x8xf32, #tpu.memory_space<hbm>>
        %dma_wait3A_56 = arith.constant 0 : i32
        %dma_wait3A_57 = arith.constant 0 : i32
        %dma_wait3A_58 = tpu.memref_slice %arg2[%add3A_22, %dma_wait3A_56, %dma_wait3A_57] : memref<3125x2048x8xf32, #tpu.memory_space<hbm>> -> memref<1x2048x8xf32, #tpu.memory_space<hbm>>
        %dma_wait3A_59 = tpu.memref_squeeze %dma_wait3A_58 : memref<1x2048x8xf32, #tpu.memory_space<hbm>> -> memref<2048x8xf32, #tpu.memory_space<hbm>>
        tpu.wait_dma2 semaphore(%arg12 : memref<!tpu.dma_semaphore, #tpu.memory_space<semaphore_mem>>) src(%dma_wait3A_59 : memref<2048x8xf32, #tpu.memory_space<hbm>>) dst(%arg8 : memref<2048x8xf32, #tpu.memory_space<vmem>>)
        "tpu.region"() ({
          %run_scoped3A = tpu.sem_alloc : memref<!tpu.dma_semaphore, #tpu.memory_space<semaphore_mem>>
          %dma_start3A = arith.constant 0 : i32
          %dma_start3A_60 = arith.constant 0 : i32
          %dma_start3A_61 = tpu.memref_slice %arg10[%dma_start3A, %dma_start3A_60] : memref<100352x8xf32, #tpu.memory_space<vmem_shared>> -> memref<100352x8xf32, #tpu.memory_space<vmem_shared>>
          tpu.enqueue_indirect_dma source(%arg8 : memref<2048x8xf32, #tpu.memory_space<vmem>>) target(%dma_start3A_61 : memref<100352x8xf32, #tpu.memory_space<vmem_shared>>) offsets(%arg6 : memref<2048xi32, #tpu.memory_space<vmem>>) semaphore(%run_scoped3A : memref<!tpu.dma_semaphore, #tpu.memory_space<semaphore_mem>>) {add = true}
          %dma_wait3A_62 = arith.constant 0 : i32
          %dma_wait3A_63 = arith.constant 0 : i32
          %dma_wait3A_64 = tpu.memref_slice %arg10[%dma_wait3A_62, %dma_wait3A_63] : memref<100352x8xf32, #tpu.memory_space<vmem_shared>> -> memref<100352x8xf32, #tpu.memory_space<vmem_shared>>
          tpu.wait_indirect_dma semaphore(%run_scoped3A : memref<!tpu.dma_semaphore, #tpu.memory_space<semaphore_mem>>) src(%arg8 : memref<2048x8xf32, #tpu.memory_space<vmem>>) dst(%dma_wait3A_64 : memref<100352x8xf32, #tpu.memory_space<vmem_shared>>)
          tpu.yield
        }) : () -> ()
      } else {
      }
      %lt3A_42 = arith.constant 3125 : i32
      %lt3A_43 = arith.cmpi slt, %add3A_29, %lt3A_42 : i32
      %convert_element_type3A_44 = arith.extui %lt3A_43 : i1 to i32
      %cond3A_45 = arith.constant 0 : i32
      %cond3A_46 = arith.cmpi ne, %convert_element_type3A_44, %cond3A_45 : i32
      scf.if %cond3A_46 {
        %dma_wait3A = arith.constant 0 : i32
        %dma_wait3A_47 = tpu.memref_slice %arg3[%add3A_29, %dma_wait3A] : memref<3125x2048xi32, #tpu.memory_space<hbm>> -> memref<1x2048xi32, #tpu.memory_space<hbm>>
        %dma_wait3A_48 = tpu.memref_squeeze %dma_wait3A_47 : memref<1x2048xi32, #tpu.memory_space<hbm>> -> memref<2048xi32, #tpu.memory_space<hbm>>
        %dma_wait3A_49 = arith.constant 0 : i32
        %dma_wait3A_50 = tpu.memref_slice %arg3[%add3A_29, %dma_wait3A_49] : memref<3125x2048xi32, #tpu.memory_space<hbm>> -> memref<1x2048xi32, #tpu.memory_space<hbm>>
        %dma_wait3A_51 = tpu.memref_squeeze %dma_wait3A_50 : memref<1x2048xi32, #tpu.memory_space<hbm>> -> memref<2048xi32, #tpu.memory_space<hbm>>
        tpu.wait_dma2 semaphore(%arg13 : memref<!tpu.dma_semaphore, #tpu.memory_space<semaphore_mem>>) src(%dma_wait3A_51 : memref<2048xi32, #tpu.memory_space<hbm>>) dst(%arg7 : memref<2048xi32, #tpu.memory_space<vmem>>)
        %dma_wait3A_52 = arith.constant 0 : i32
        %dma_wait3A_53 = arith.constant 0 : i32
        %dma_wait3A_54 = tpu.memref_slice %arg2[%add3A_29, %dma_wait3A_52, %dma_wait3A_53] : memref<3125x2048x8xf32, #tpu.memory_space<hbm>> -> memref<1x2048x8xf32, #tpu.memory_space<hbm>>
        %dma_wait3A_55 = tpu.memref_squeeze %dma_wait3A_54 : memref<1x2048x8xf32, #tpu.memory_space<hbm>> -> memref<2048x8xf32, #tpu.memory_space<hbm>>
        %dma_wait3A_56 = arith.constant 0 : i32
        %dma_wait3A_57 = arith.constant 0 : i32
        %dma_wait3A_58 = tpu.memref_slice %arg2[%add3A_29, %dma_wait3A_56, %dma_wait3A_57] : memref<3125x2048x8xf32, #tpu.memory_space<hbm>> -> memref<1x2048x8xf32, #tpu.memory_space<hbm>>
        %dma_wait3A_59 = tpu.memref_squeeze %dma_wait3A_58 : memref<1x2048x8xf32, #tpu.memory_space<hbm>> -> memref<2048x8xf32, #tpu.memory_space<hbm>>
        tpu.wait_dma2 semaphore(%arg14 : memref<!tpu.dma_semaphore, #tpu.memory_space<semaphore_mem>>) src(%dma_wait3A_59 : memref<2048x8xf32, #tpu.memory_space<hbm>>) dst(%arg9 : memref<2048x8xf32, #tpu.memory_space<vmem>>)
        "tpu.region"() ({
          %run_scoped3A = tpu.sem_alloc : memref<!tpu.dma_semaphore, #tpu.memory_space<semaphore_mem>>
          %dma_start3A = arith.constant 0 : i32
          %dma_start3A_60 = arith.constant 0 : i32
          %dma_start3A_61 = tpu.memref_slice %arg10[%dma_start3A, %dma_start3A_60] : memref<100352x8xf32, #tpu.memory_space<vmem_shared>> -> memref<100352x8xf32, #tpu.memory_space<vmem_shared>>
          tpu.enqueue_indirect_dma source(%arg9 : memref<2048x8xf32, #tpu.memory_space<vmem>>) target(%dma_start3A_61 : memref<100352x8xf32, #tpu.memory_space<vmem_shared>>) offsets(%arg7 : memref<2048xi32, #tpu.memory_space<vmem>>) semaphore(%run_scoped3A : memref<!tpu.dma_semaphore, #tpu.memory_space<semaphore_mem>>) {add = true}
          %dma_wait3A_62 = arith.constant 0 : i32
          %dma_wait3A_63 = arith.constant 0 : i32
          %dma_wait3A_64 = tpu.memref_slice %arg10[%dma_wait3A_62, %dma_wait3A_63] : memref<100352x8xf32, #tpu.memory_space<vmem_shared>> -> memref<100352x8xf32, #tpu.memory_space<vmem_shared>>
          tpu.wait_indirect_dma semaphore(%run_scoped3A : memref<!tpu.dma_semaphore, #tpu.memory_space<semaphore_mem>>) src(%arg9 : memref<2048x8xf32, #tpu.memory_space<vmem>>) dst(%dma_wait3A_64 : memref<100352x8xf32, #tpu.memory_space<vmem_shared>>)
          tpu.yield
        }) : () -> ()
      } else {
      }
    }
    %scan3A_9 = arith.constant 49 : i32
    %barrier3A_10 = arith.constant 0 : index
    tpu.barrier barrier_id(%barrier3A_10)
    %mul3A_11 = arith.constant 6272 : i32
    %mul3A_12 = arith.muli %arg1, %mul3A_11 : i32
    %mul3A_13 = arith.constant 6272 : i32
    %mul3A_14 = arith.muli %arg1, %mul3A_13 : i32
    "tpu.region"() ({
      %run_scoped3A = tpu.sem_alloc : memref<!tpu.dma_semaphore, #tpu.memory_space<semaphore_mem>>
      %dma_start3A = arith.constant 0 : i32
      %dma_start3A_15 = tpu.memref_slice %arg5[%arg0, %mul3A_14, %dma_start3A] : memref<2x100352x8xf32, #tpu.memory_space<hbm>> -> memref<1x6272x8xf32, #tpu.memory_space<hbm>>
      %dma_start3A_16 = tpu.memref_squeeze %dma_start3A_15 : memref<1x6272x8xf32, #tpu.memory_space<hbm>> -> memref<6272x8xf32, #tpu.memory_space<hbm>>
      %dma_start3A_17 = arith.constant 0 : i32
      %dma_start3A_18 = tpu.memref_slice %arg10[%mul3A_12, %dma_start3A_17] : memref<100352x8xf32, #tpu.memory_space<vmem_shared>> -> memref<6272x8xf32, #tpu.memory_space<vmem_shared>>
      tpu.enqueue_dma source(%dma_start3A_18 : memref<6272x8xf32, #tpu.memory_space<vmem_shared>>) target(%dma_start3A_16 : memref<6272x8xf32, #tpu.memory_space<hbm>>) target_semaphore(%run_scoped3A : memref<!tpu.dma_semaphore, #tpu.memory_space<semaphore_mem>>)
      %dma_wait3A = arith.constant 0 : i32
      %dma_wait3A_19 = tpu.memref_slice %arg5[%arg0, %mul3A_14, %dma_wait3A] : memref<2x100352x8xf32, #tpu.memory_space<hbm>> -> memref<1x6272x8xf32, #tpu.memory_space<hbm>>
      %dma_wait3A_20 = tpu.memref_squeeze %dma_wait3A_19 : memref<1x6272x8xf32, #tpu.memory_space<hbm>> -> memref<6272x8xf32, #tpu.memory_space<hbm>>
      %dma_wait3A_21 = arith.constant 0 : i32
      %dma_wait3A_22 = tpu.memref_slice %arg10[%mul3A_12, %dma_wait3A_21] : memref<100352x8xf32, #tpu.memory_space<vmem_shared>> -> memref<6272x8xf32, #tpu.memory_space<vmem_shared>>
      tpu.wait_dma2 semaphore(%run_scoped3A : memref<!tpu.dma_semaphore, #tpu.memory_space<semaphore_mem>>) src(%dma_wait3A_22 : memref<6272x8xf32, #tpu.memory_space<vmem_shared>>) dst(%dma_wait3A_20 : memref<6272x8xf32, #tpu.memory_space<hbm>>)
      tpu.yield
    }) : () -> ()
    return
  }
}

#map = affine_map<(d0, d1) -> (0, 0)>
#map1 = affine_map<(d0, d1) -> (0, 0, 0)>
#map2 = affine_map<(d0, d1) -> (0)>
module attributes {stable_mosaic.version = 14 : i64} {
  func.func @body(%arg0: i32, %arg1: i32, %arg2: memref<100352x8xf32, #tpu.memory_space<hbm>>, %arg3: memref<3125x2048xi32, #tpu.memory_space<hbm>>, %arg4: memref<3125x2048xi32, #tpu.memory_space<hbm>>, %arg5: memref<3x3125x2048xf32, #tpu.memory_space<hbm>>, %arg6: memref<16384xf32, #tpu.memory_space<hbm>>, %arg7: memref<3125x2048x8xf32, #tpu.memory_space<hbm>>, %arg8: memref<3125x2048x8xf32, #tpu.memory_space<hbm>>, %arg9: memref<3125x16384xf32, #tpu.memory_space<hbm>>, %arg10: memref<2048xi32, #tpu.memory_space<vmem>>, %arg11: memref<2048xi32, #tpu.memory_space<vmem>>, %arg12: memref<2048xi32, #tpu.memory_space<vmem>>, %arg13: memref<2048xi32, #tpu.memory_space<vmem>>, %arg14: memref<2048x8xf32, #tpu.memory_space<vmem>>, %arg15: memref<2048x8xf32, #tpu.memory_space<vmem>>, %arg16: memref<2048x8xf32, #tpu.memory_space<vmem>>, %arg17: memref<2048x8xf32, #tpu.memory_space<vmem>>, %arg18: memref<!tpu.dma_semaphore, #tpu.memory_space<semaphore_mem>>, %arg19: memref<!tpu.dma_semaphore, #tpu.memory_space<semaphore_mem>>, %arg20: memref<!tpu.dma_semaphore, #tpu.memory_space<semaphore_mem>>, %arg21: memref<!tpu.dma_semaphore, #tpu.memory_space<semaphore_mem>>, %arg22: memref<!tpu.dma_semaphore, #tpu.memory_space<semaphore_mem>>, %arg23: memref<!tpu.dma_semaphore, #tpu.memory_space<semaphore_mem>>, %arg24: memref<!tpu.dma_semaphore, #tpu.memory_space<semaphore_mem>>, %arg25: memref<!tpu.dma_semaphore, #tpu.memory_space<semaphore_mem>>, %arg26: memref<!tpu.dma_semaphore, #tpu.memory_space<semaphore_mem>>, %arg27: memref<!tpu.dma_semaphore, #tpu.memory_space<semaphore_mem>>, %arg28: memref<!tpu.dma_semaphore, #tpu.memory_space<semaphore_mem>>, %arg29: memref<!tpu.dma_semaphore, #tpu.memory_space<semaphore_mem>>, %arg30: memref<3x2048xf32, #tpu.memory_space<vmem>>, %arg31: memref<16384xf32, #tpu.memory_space<vmem>>) attributes {dimension_semantics = [#tpu.dimension_semantics<core_parallel>, #tpu.dimension_semantics<subcore_parallel>], iteration_bounds = array<i64: 2, 16>, scalar_prefetch = 0 : i64, scratch_operands = 22 : i64, tpu.core_type = #tpu.core_type<sc_vector_subcore>, window_params = [{transform_indices = #map}, {transform_indices = #map}, {transform_indices = #map}, {transform_indices = #map1}, {transform_indices = #map2}, {transform_indices = #map1}, {transform_indices = #map1}, {transform_indices = #map}]} {
    %mul3A = arith.constant 2 : i32
    %mul3A_0 = arith.muli %arg1, %mul3A : i32
    %add3A = arith.addi %mul3A_0, %arg0 : i32
    %iota3A = tpu.iota {dimensions = array<i32: 0>} : vector<16xi32>
    "tpu.region"() ({
      %run_scoped3A = tpu.sem_alloc : memref<!tpu.dma_semaphore, #tpu.memory_space<semaphore_mem>>
      tpu.enqueue_dma source(%arg6 : memref<16384xf32, #tpu.memory_space<hbm>>) target(%arg31 : memref<16384xf32, #tpu.memory_space<vmem>>) target_semaphore(%run_scoped3A : memref<!tpu.dma_semaphore, #tpu.memory_space<semaphore_mem>>)
      tpu.wait_dma2 semaphore(%run_scoped3A : memref<!tpu.dma_semaphore, #tpu.memory_space<semaphore_mem>>) src(%arg6 : memref<16384xf32, #tpu.memory_space<hbm>>) dst(%arg31 : memref<16384xf32, #tpu.memory_space<vmem>>)
      tpu.yield
    }) : () -> ()
    %scan3A = arith.constant 0 : i32
    %scan3A_1 = arith.constant 0 : i32
    %scan3A_2 = arith.constant 49 : i32
    %scan3A_3 = arith.addi %scan3A_1, %scan3A_2 : i32
    %scan3A_4 = arith.constant 1 : i32
    scf.for %scan3A_6 = %scan3A_1 to %scan3A_3 step %scan3A_4  : i32 {
      %mul3A_7 = arith.constant 2 : i32
      %mul3A_8 = arith.muli %mul3A_7, %scan3A_6 : i32
      %add3A_9 = arith.constant 0 : i32
      %add3A_10 = arith.addi %mul3A_8, %add3A_9 : i32
      %mul3A_11 = arith.constant 32 : i32
      %mul3A_12 = arith.muli %add3A_10, %mul3A_11 : i32
      %add3A_13 = arith.addi %mul3A_12, %add3A : i32
      %mul3A_14 = arith.constant 2 : i32
      %mul3A_15 = arith.muli %mul3A_14, %scan3A_6 : i32
      %add3A_16 = arith.constant 1 : i32
      %add3A_17 = arith.addi %mul3A_15, %add3A_16 : i32
      %mul3A_18 = arith.constant 32 : i32
      %mul3A_19 = arith.muli %add3A_17, %mul3A_18 : i32
      %add3A_20 = arith.addi %mul3A_19, %add3A : i32
      %lt3A = arith.constant 3125 : i32
      %lt3A_21 = arith.cmpi slt, %add3A_13, %lt3A : i32
      %convert_element_type3A = arith.extui %lt3A_21 : i1 to i32
      %cond3A = arith.constant 0 : i32
      %cond3A_22 = arith.cmpi ne, %convert_element_type3A, %cond3A : i32
      scf.if %cond3A_22 {
        %dma_start3A = arith.constant 0 : i32
        %dma_start3A_68 = tpu.memref_slice %arg4[%add3A_13, %dma_start3A] : memref<3125x2048xi32, #tpu.memory_space<hbm>> -> memref<1x2048xi32, #tpu.memory_space<hbm>>
        %dma_start3A_69 = tpu.memref_squeeze %dma_start3A_68 : memref<1x2048xi32, #tpu.memory_space<hbm>> -> memref<2048xi32, #tpu.memory_space<hbm>>
        %dma_start3A_70 = arith.constant 0 : i32
        %dma_start3A_71 = tpu.memref_slice %arg4[%add3A_13, %dma_start3A_70] : memref<3125x2048xi32, #tpu.memory_space<hbm>> -> memref<1x2048xi32, #tpu.memory_space<hbm>>
        %dma_start3A_72 = tpu.memref_squeeze %dma_start3A_71 : memref<1x2048xi32, #tpu.memory_space<hbm>> -> memref<2048xi32, #tpu.memory_space<hbm>>
        tpu.enqueue_dma source(%dma_start3A_72 : memref<2048xi32, #tpu.memory_space<hbm>>) target(%arg10 : memref<2048xi32, #tpu.memory_space<vmem>>) target_semaphore(%arg18 : memref<!tpu.dma_semaphore, #tpu.memory_space<semaphore_mem>>)
        %dma_start3A_73 = arith.constant 0 : i32
        %dma_start3A_74 = tpu.memref_slice %arg3[%add3A_13, %dma_start3A_73] : memref<3125x2048xi32, #tpu.memory_space<hbm>> -> memref<1x2048xi32, #tpu.memory_space<hbm>>
        %dma_start3A_75 = tpu.memref_squeeze %dma_start3A_74 : memref<1x2048xi32, #tpu.memory_space<hbm>> -> memref<2048xi32, #tpu.memory_space<hbm>>
        %dma_start3A_76 = arith.constant 0 : i32
        %dma_start3A_77 = tpu.memref_slice %arg3[%add3A_13, %dma_start3A_76] : memref<3125x2048xi32, #tpu.memory_space<hbm>> -> memref<1x2048xi32, #tpu.memory_space<hbm>>
        %dma_start3A_78 = tpu.memref_squeeze %dma_start3A_77 : memref<1x2048xi32, #tpu.memory_space<hbm>> -> memref<2048xi32, #tpu.memory_space<hbm>>
        tpu.enqueue_dma source(%dma_start3A_78 : memref<2048xi32, #tpu.memory_space<hbm>>) target(%arg11 : memref<2048xi32, #tpu.memory_space<vmem>>) target_semaphore(%arg19 : memref<!tpu.dma_semaphore, #tpu.memory_space<semaphore_mem>>)
      } else {
      }
      %lt3A_23 = arith.constant 3125 : i32
      %lt3A_24 = arith.cmpi slt, %add3A_20, %lt3A_23 : i32
      %convert_element_type3A_25 = arith.extui %lt3A_24 : i1 to i32
      %cond3A_26 = arith.constant 0 : i32
      %cond3A_27 = arith.cmpi ne, %convert_element_type3A_25, %cond3A_26 : i32
      scf.if %cond3A_27 {
        %dma_start3A = arith.constant 0 : i32
        %dma_start3A_68 = tpu.memref_slice %arg4[%add3A_20, %dma_start3A] : memref<3125x2048xi32, #tpu.memory_space<hbm>> -> memref<1x2048xi32, #tpu.memory_space<hbm>>
        %dma_start3A_69 = tpu.memref_squeeze %dma_start3A_68 : memref<1x2048xi32, #tpu.memory_space<hbm>> -> memref<2048xi32, #tpu.memory_space<hbm>>
        %dma_start3A_70 = arith.constant 0 : i32
        %dma_start3A_71 = tpu.memref_slice %arg4[%add3A_20, %dma_start3A_70] : memref<3125x2048xi32, #tpu.memory_space<hbm>> -> memref<1x2048xi32, #tpu.memory_space<hbm>>
        %dma_start3A_72 = tpu.memref_squeeze %dma_start3A_71 : memref<1x2048xi32, #tpu.memory_space<hbm>> -> memref<2048xi32, #tpu.memory_space<hbm>>
        tpu.enqueue_dma source(%dma_start3A_72 : memref<2048xi32, #tpu.memory_space<hbm>>) target(%arg12 : memref<2048xi32, #tpu.memory_space<vmem>>) target_semaphore(%arg22 : memref<!tpu.dma_semaphore, #tpu.memory_space<semaphore_mem>>)
        %dma_start3A_73 = arith.constant 0 : i32
        %dma_start3A_74 = tpu.memref_slice %arg3[%add3A_20, %dma_start3A_73] : memref<3125x2048xi32, #tpu.memory_space<hbm>> -> memref<1x2048xi32, #tpu.memory_space<hbm>>
        %dma_start3A_75 = tpu.memref_squeeze %dma_start3A_74 : memref<1x2048xi32, #tpu.memory_space<hbm>> -> memref<2048xi32, #tpu.memory_space<hbm>>
        %dma_start3A_76 = arith.constant 0 : i32
        %dma_start3A_77 = tpu.memref_slice %arg3[%add3A_20, %dma_start3A_76] : memref<3125x2048xi32, #tpu.memory_space<hbm>> -> memref<1x2048xi32, #tpu.memory_space<hbm>>
        %dma_start3A_78 = tpu.memref_squeeze %dma_start3A_77 : memref<1x2048xi32, #tpu.memory_space<hbm>> -> memref<2048xi32, #tpu.memory_space<hbm>>
        tpu.enqueue_dma source(%dma_start3A_78 : memref<2048xi32, #tpu.memory_space<hbm>>) target(%arg13 : memref<2048xi32, #tpu.memory_space<vmem>>) target_semaphore(%arg23 : memref<!tpu.dma_semaphore, #tpu.memory_space<semaphore_mem>>)
      } else {
      }
      %lt3A_28 = arith.constant 3125 : i32
      %lt3A_29 = arith.cmpi slt, %add3A_13, %lt3A_28 : i32
      %convert_element_type3A_30 = arith.extui %lt3A_29 : i1 to i32
      %cond3A_31 = arith.constant 0 : i32
      %cond3A_32 = arith.cmpi ne, %convert_element_type3A_30, %cond3A_31 : i32
      scf.if %cond3A_32 {
        %dma_wait3A = arith.constant 0 : i32
        %dma_wait3A_68 = tpu.memref_slice %arg4[%add3A_13, %dma_wait3A] : memref<3125x2048xi32, #tpu.memory_space<hbm>> -> memref<1x2048xi32, #tpu.memory_space<hbm>>
        %dma_wait3A_69 = tpu.memref_squeeze %dma_wait3A_68 : memref<1x2048xi32, #tpu.memory_space<hbm>> -> memref<2048xi32, #tpu.memory_space<hbm>>
        %dma_wait3A_70 = arith.constant 0 : i32
        %dma_wait3A_71 = tpu.memref_slice %arg4[%add3A_13, %dma_wait3A_70] : memref<3125x2048xi32, #tpu.memory_space<hbm>> -> memref<1x2048xi32, #tpu.memory_space<hbm>>
        %dma_wait3A_72 = tpu.memref_squeeze %dma_wait3A_71 : memref<1x2048xi32, #tpu.memory_space<hbm>> -> memref<2048xi32, #tpu.memory_space<hbm>>
        tpu.wait_dma2 semaphore(%arg18 : memref<!tpu.dma_semaphore, #tpu.memory_space<semaphore_mem>>) src(%dma_wait3A_72 : memref<2048xi32, #tpu.memory_space<hbm>>) dst(%arg10 : memref<2048xi32, #tpu.memory_space<vmem>>)
        %dma_wait3A_73 = arith.constant 0 : i32
        %dma_wait3A_74 = tpu.memref_slice %arg3[%add3A_13, %dma_wait3A_73] : memref<3125x2048xi32, #tpu.memory_space<hbm>> -> memref<1x2048xi32, #tpu.memory_space<hbm>>
        %dma_wait3A_75 = tpu.memref_squeeze %dma_wait3A_74 : memref<1x2048xi32, #tpu.memory_space<hbm>> -> memref<2048xi32, #tpu.memory_space<hbm>>
        %dma_wait3A_76 = arith.constant 0 : i32
        %dma_wait3A_77 = tpu.memref_slice %arg3[%add3A_13, %dma_wait3A_76] : memref<3125x2048xi32, #tpu.memory_space<hbm>> -> memref<1x2048xi32, #tpu.memory_space<hbm>>
        %dma_wait3A_78 = tpu.memref_squeeze %dma_wait3A_77 : memref<1x2048xi32, #tpu.memory_space<hbm>> -> memref<2048xi32, #tpu.memory_space<hbm>>
        tpu.wait_dma2 semaphore(%arg19 : memref<!tpu.dma_semaphore, #tpu.memory_space<semaphore_mem>>) src(%dma_wait3A_78 : memref<2048xi32, #tpu.memory_space<hbm>>) dst(%arg11 : memref<2048xi32, #tpu.memory_space<vmem>>)
        %dma_start3A = arith.constant 0 : i32
        %dma_start3A_79 = arith.constant 0 : i32
        %dma_start3A_80 = tpu.memref_slice %arg2[%dma_start3A, %dma_start3A_79] : memref<100352x8xf32, #tpu.memory_space<hbm>> -> memref<100352x8xf32, #tpu.memory_space<hbm>>
        tpu.enqueue_indirect_dma source(%dma_start3A_80 : memref<100352x8xf32, #tpu.memory_space<hbm>>) target(%arg14 : memref<2048x8xf32, #tpu.memory_space<vmem>>) offsets(%arg10 : memref<2048xi32, #tpu.memory_space<vmem>>) semaphore(%arg20 : memref<!tpu.dma_semaphore, #tpu.memory_space<semaphore_mem>>)
        %dma_start3A_81 = arith.constant 0 : i32
        %dma_start3A_82 = arith.constant 0 : i32
        %dma_start3A_83 = tpu.memref_slice %arg2[%dma_start3A_81, %dma_start3A_82] : memref<100352x8xf32, #tpu.memory_space<hbm>> -> memref<100352x8xf32, #tpu.memory_space<hbm>>
        tpu.enqueue_indirect_dma source(%dma_start3A_83 : memref<100352x8xf32, #tpu.memory_space<hbm>>) target(%arg15 : memref<2048x8xf32, #tpu.memory_space<vmem>>) offsets(%arg11 : memref<2048xi32, #tpu.memory_space<vmem>>) semaphore(%arg21 : memref<!tpu.dma_semaphore, #tpu.memory_space<semaphore_mem>>)
      } else {
      }
      %lt3A_33 = arith.constant 3125 : i32
      %lt3A_34 = arith.cmpi slt, %add3A_20, %lt3A_33 : i32
      %convert_element_type3A_35 = arith.extui %lt3A_34 : i1 to i32
      %cond3A_36 = arith.constant 0 : i32
      %cond3A_37 = arith.cmpi ne, %convert_element_type3A_35, %cond3A_36 : i32
      scf.if %cond3A_37 {
        %dma_wait3A = arith.constant 0 : i32
        %dma_wait3A_68 = tpu.memref_slice %arg4[%add3A_20, %dma_wait3A] : memref<3125x2048xi32, #tpu.memory_space<hbm>> -> memref<1x2048xi32, #tpu.memory_space<hbm>>
        %dma_wait3A_69 = tpu.memref_squeeze %dma_wait3A_68 : memref<1x2048xi32, #tpu.memory_space<hbm>> -> memref<2048xi32, #tpu.memory_space<hbm>>
        %dma_wait3A_70 = arith.constant 0 : i32
        %dma_wait3A_71 = tpu.memref_slice %arg4[%add3A_20, %dma_wait3A_70] : memref<3125x2048xi32, #tpu.memory_space<hbm>> -> memref<1x2048xi32, #tpu.memory_space<hbm>>
        %dma_wait3A_72 = tpu.memref_squeeze %dma_wait3A_71 : memref<1x2048xi32, #tpu.memory_space<hbm>> -> memref<2048xi32, #tpu.memory_space<hbm>>
        tpu.wait_dma2 semaphore(%arg22 : memref<!tpu.dma_semaphore, #tpu.memory_space<semaphore_mem>>) src(%dma_wait3A_72 : memref<2048xi32, #tpu.memory_space<hbm>>) dst(%arg12 : memref<2048xi32, #tpu.memory_space<vmem>>)
        %dma_wait3A_73 = arith.constant 0 : i32
        %dma_wait3A_74 = tpu.memref_slice %arg3[%add3A_20, %dma_wait3A_73] : memref<3125x2048xi32, #tpu.memory_space<hbm>> -> memref<1x2048xi32, #tpu.memory_space<hbm>>
        %dma_wait3A_75 = tpu.memref_squeeze %dma_wait3A_74 : memref<1x2048xi32, #tpu.memory_space<hbm>> -> memref<2048xi32, #tpu.memory_space<hbm>>
        %dma_wait3A_76 = arith.constant 0 : i32
        %dma_wait3A_77 = tpu.memref_slice %arg3[%add3A_20, %dma_wait3A_76] : memref<3125x2048xi32, #tpu.memory_space<hbm>> -> memref<1x2048xi32, #tpu.memory_space<hbm>>
        %dma_wait3A_78 = tpu.memref_squeeze %dma_wait3A_77 : memref<1x2048xi32, #tpu.memory_space<hbm>> -> memref<2048xi32, #tpu.memory_space<hbm>>
        tpu.wait_dma2 semaphore(%arg23 : memref<!tpu.dma_semaphore, #tpu.memory_space<semaphore_mem>>) src(%dma_wait3A_78 : memref<2048xi32, #tpu.memory_space<hbm>>) dst(%arg13 : memref<2048xi32, #tpu.memory_space<vmem>>)
        %dma_start3A = arith.constant 0 : i32
        %dma_start3A_79 = arith.constant 0 : i32
        %dma_start3A_80 = tpu.memref_slice %arg2[%dma_start3A, %dma_start3A_79] : memref<100352x8xf32, #tpu.memory_space<hbm>> -> memref<100352x8xf32, #tpu.memory_space<hbm>>
        tpu.enqueue_indirect_dma source(%dma_start3A_80 : memref<100352x8xf32, #tpu.memory_space<hbm>>) target(%arg16 : memref<2048x8xf32, #tpu.memory_space<vmem>>) offsets(%arg12 : memref<2048xi32, #tpu.memory_space<vmem>>) semaphore(%arg24 : memref<!tpu.dma_semaphore, #tpu.memory_space<semaphore_mem>>)
        %dma_start3A_81 = arith.constant 0 : i32
        %dma_start3A_82 = arith.constant 0 : i32
        %dma_start3A_83 = tpu.memref_slice %arg2[%dma_start3A_81, %dma_start3A_82] : memref<100352x8xf32, #tpu.memory_space<hbm>> -> memref<100352x8xf32, #tpu.memory_space<hbm>>
        tpu.enqueue_indirect_dma source(%dma_start3A_83 : memref<100352x8xf32, #tpu.memory_space<hbm>>) target(%arg17 : memref<2048x8xf32, #tpu.memory_space<vmem>>) offsets(%arg13 : memref<2048xi32, #tpu.memory_space<vmem>>) semaphore(%arg25 : memref<!tpu.dma_semaphore, #tpu.memory_space<semaphore_mem>>)
      } else {
      }
      %lt3A_38 = arith.constant 3125 : i32
      %lt3A_39 = arith.cmpi slt, %add3A_13, %lt3A_38 : i32
      %convert_element_type3A_40 = arith.extui %lt3A_39 : i1 to i32
      %cond3A_41 = arith.constant 0 : i32
      %cond3A_42 = arith.cmpi ne, %convert_element_type3A_40, %cond3A_41 : i32
      scf.if %cond3A_42 {
        "tpu.region"() ({
          %run_scoped3A = tpu.sem_alloc : memref<!tpu.dma_semaphore, #tpu.memory_space<semaphore_mem>>
          %dma_start3A = arith.constant 0 : i32
          %dma_start3A_74 = arith.constant 0 : i32
          %dma_start3A_75 = tpu.memref_slice %arg5[%dma_start3A, %add3A_13, %dma_start3A_74] : memref<3x3125x2048xf32, #tpu.memory_space<hbm>> -> memref<3x1x2048xf32, #tpu.memory_space<hbm>>
          %dma_start3A_76 = tpu.memref_squeeze %dma_start3A_75 : memref<3x1x2048xf32, #tpu.memory_space<hbm>> -> memref<3x2048xf32, #tpu.memory_space<hbm>>
          %dma_start3A_77 = arith.constant 0 : i32
          %dma_start3A_78 = arith.constant 0 : i32
          %dma_start3A_79 = tpu.memref_slice %arg5[%dma_start3A_77, %add3A_13, %dma_start3A_78] : memref<3x3125x2048xf32, #tpu.memory_space<hbm>> -> memref<3x1x2048xf32, #tpu.memory_space<hbm>>
          %dma_start3A_80 = tpu.memref_squeeze %dma_start3A_79 : memref<3x1x2048xf32, #tpu.memory_space<hbm>> -> memref<3x2048xf32, #tpu.memory_space<hbm>>
          tpu.enqueue_dma source(%dma_start3A_80 : memref<3x2048xf32, #tpu.memory_space<hbm>>) target(%arg30 : memref<3x2048xf32, #tpu.memory_space<vmem>>) target_semaphore(%run_scoped3A : memref<!tpu.dma_semaphore, #tpu.memory_space<semaphore_mem>>)
          %dma_wait3A = arith.constant 0 : i32
          %dma_wait3A_81 = arith.constant 0 : i32
          %dma_wait3A_82 = tpu.memref_slice %arg5[%dma_wait3A, %add3A_13, %dma_wait3A_81] : memref<3x3125x2048xf32, #tpu.memory_space<hbm>> -> memref<3x1x2048xf32, #tpu.memory_space<hbm>>
          %dma_wait3A_83 = tpu.memref_squeeze %dma_wait3A_82 : memref<3x1x2048xf32, #tpu.memory_space<hbm>> -> memref<3x2048xf32, #tpu.memory_space<hbm>>
          %dma_wait3A_84 = arith.constant 0 : i32
          %dma_wait3A_85 = arith.constant 0 : i32
          %dma_wait3A_86 = tpu.memref_slice %arg5[%dma_wait3A_84, %add3A_13, %dma_wait3A_85] : memref<3x3125x2048xf32, #tpu.memory_space<hbm>> -> memref<3x1x2048xf32, #tpu.memory_space<hbm>>
          %dma_wait3A_87 = tpu.memref_squeeze %dma_wait3A_86 : memref<3x1x2048xf32, #tpu.memory_space<hbm>> -> memref<3x2048xf32, #tpu.memory_space<hbm>>
          tpu.wait_dma2 semaphore(%run_scoped3A : memref<!tpu.dma_semaphore, #tpu.memory_space<semaphore_mem>>) src(%dma_wait3A_87 : memref<3x2048xf32, #tpu.memory_space<hbm>>) dst(%arg30 : memref<3x2048xf32, #tpu.memory_space<vmem>>)
          tpu.yield
        }) : () -> ()
        %scan3A_68 = arith.constant 0 : i32
        %scan3A_69 = arith.constant 0 : i32
        %scan3A_70 = arith.constant 128 : i32
        %scan3A_71 = arith.addi %scan3A_69, %scan3A_70 : i32
        %scan3A_72 = arith.constant 1 : i32
        scf.for %scan3A_74 = %scan3A_69 to %scan3A_71 step %scan3A_72  : i32 {
          %mul3A_75 = arith.constant 16 : i32
          %mul3A_76 = arith.muli %scan3A_74, %mul3A_75 : i32
          %add3A_77 = vector.broadcast %mul3A_76 : i32 to vector<16xi32>
          %add3A_78 = arith.addi %add3A_77, %iota3A : vector<16xi32>
          %mul3A_79 = arith.constant 8 : i32
          %mul3A_80 = vector.broadcast %mul3A_79 : i32 to vector<16xi32>
          %mul3A_81 = arith.muli %add3A_78, %mul3A_80 : vector<16xi32>
          %mul3A_82 = arith.constant 16 : i32
          %mul3A_83 = arith.muli %scan3A_74, %mul3A_82 : i32
          %get3A = arith.constant 0 : i32
          %get3A_84 = arith.index_cast %get3A : i32 to index
          %get3A_85 = arith.index_cast %mul3A_83 : i32 to index
          %get3A_86 = tpu.vector_load %arg30[%get3A_84, %get3A_85] {strides = array<i32>} : memref<3x2048xf32, #tpu.memory_space<vmem>>, vector<16xf32>,
          %add3A_87 = arith.constant 0 : i32
          %add3A_88 = vector.broadcast %add3A_87 : i32 to vector<16xi32>
          %add3A_89 = arith.addi %mul3A_81, %add3A_88 : vector<16xi32>
          tpu.vector_store_idx %arg31[%add3A_89], %get3A_86 : memref<16384xf32, #tpu.memory_space<vmem>>[vector<16xi32>], vector<16xf32>,
          %mul3A_90 = arith.constant 16 : i32
          %mul3A_91 = arith.muli %scan3A_74, %mul3A_90 : i32
          %get3A_92 = arith.constant 1 : i32
          %get3A_93 = arith.index_cast %get3A_92 : i32 to index
          %get3A_94 = arith.index_cast %mul3A_91 : i32 to index
          %get3A_95 = tpu.vector_load %arg30[%get3A_93, %get3A_94] {strides = array<i32>} : memref<3x2048xf32, #tpu.memory_space<vmem>>, vector<16xf32>,
          %add3A_96 = arith.constant 1 : i32
          %add3A_97 = vector.broadcast %add3A_96 : i32 to vector<16xi32>
          %add3A_98 = arith.addi %mul3A_81, %add3A_97 : vector<16xi32>
          tpu.vector_store_idx %arg31[%add3A_98], %get3A_95 : memref<16384xf32, #tpu.memory_space<vmem>>[vector<16xi32>], vector<16xf32>,
          %mul3A_99 = arith.constant 16 : i32
          %mul3A_100 = arith.muli %scan3A_74, %mul3A_99 : i32
          %get3A_101 = arith.constant 2 : i32
          %get3A_102 = arith.index_cast %get3A_101 : i32 to index
          %get3A_103 = arith.index_cast %mul3A_100 : i32 to index
          %get3A_104 = tpu.vector_load %arg30[%get3A_102, %get3A_103] {strides = array<i32>} : memref<3x2048xf32, #tpu.memory_space<vmem>>, vector<16xf32>,
          %add3A_105 = arith.constant 2 : i32
          %add3A_106 = vector.broadcast %add3A_105 : i32 to vector<16xi32>
          %add3A_107 = arith.addi %mul3A_81, %add3A_106 : vector<16xi32>
          tpu.vector_store_idx %arg31[%add3A_107], %get3A_104 : memref<16384xf32, #tpu.memory_space<vmem>>[vector<16xi32>], vector<16xf32>,
        }
        %scan3A_73 = arith.constant 128 : i32
        "tpu.region"() ({
          %run_scoped3A = tpu.sem_alloc : memref<!tpu.dma_semaphore, #tpu.memory_space<semaphore_mem>>
          %dma_start3A = arith.constant 0 : i32
          %dma_start3A_74 = tpu.memref_slice %arg9[%add3A_13, %dma_start3A] : memref<3125x16384xf32, #tpu.memory_space<hbm>> -> memref<1x16384xf32, #tpu.memory_space<hbm>>
          %dma_start3A_75 = tpu.memref_squeeze %dma_start3A_74 : memref<1x16384xf32, #tpu.memory_space<hbm>> -> memref<16384xf32, #tpu.memory_space<hbm>>
          %dma_start3A_76 = arith.constant 0 : i32
          %dma_start3A_77 = tpu.memref_slice %arg9[%add3A_13, %dma_start3A_76] : memref<3125x16384xf32, #tpu.memory_space<hbm>> -> memref<1x16384xf32, #tpu.memory_space<hbm>>
          %dma_start3A_78 = tpu.memref_squeeze %dma_start3A_77 : memref<1x16384xf32, #tpu.memory_space<hbm>> -> memref<16384xf32, #tpu.memory_space<hbm>>
          tpu.enqueue_dma source(%arg31 : memref<16384xf32, #tpu.memory_space<vmem>>) target(%dma_start3A_78 : memref<16384xf32, #tpu.memory_space<hbm>>) target_semaphore(%run_scoped3A : memref<!tpu.dma_semaphore, #tpu.memory_space<semaphore_mem>>)
          %dma_wait3A = arith.constant 0 : i32
          %dma_wait3A_79 = tpu.memref_slice %arg9[%add3A_13, %dma_wait3A] : memref<3125x16384xf32, #tpu.memory_space<hbm>> -> memref<1x16384xf32, #tpu.memory_space<hbm>>
          %dma_wait3A_80 = tpu.memref_squeeze %dma_wait3A_79 : memref<1x16384xf32, #tpu.memory_space<hbm>> -> memref<16384xf32, #tpu.memory_space<hbm>>
          %dma_wait3A_81 = arith.constant 0 : i32
          %dma_wait3A_82 = tpu.memref_slice %arg9[%add3A_13, %dma_wait3A_81] : memref<3125x16384xf32, #tpu.memory_space<hbm>> -> memref<1x16384xf32, #tpu.memory_space<hbm>>
          %dma_wait3A_83 = tpu.memref_squeeze %dma_wait3A_82 : memref<1x16384xf32, #tpu.memory_space<hbm>> -> memref<16384xf32, #tpu.memory_space<hbm>>
          tpu.wait_dma2 semaphore(%run_scoped3A : memref<!tpu.dma_semaphore, #tpu.memory_space<semaphore_mem>>) src(%arg31 : memref<16384xf32, #tpu.memory_space<vmem>>) dst(%dma_wait3A_83 : memref<16384xf32, #tpu.memory_space<hbm>>)
          tpu.yield
        }) : () -> ()
      } else {
      }
      %lt3A_43 = arith.constant 3125 : i32
      %lt3A_44 = arith.cmpi slt, %add3A_20, %lt3A_43 : i32
      %convert_element_type3A_45 = arith.extui %lt3A_44 : i1 to i32
      %cond3A_46 = arith.constant 0 : i32
      %cond3A_47 = arith.cmpi ne, %convert_element_type3A_45, %cond3A_46 : i32
      scf.if %cond3A_47 {
        "tpu.region"() ({
          %run_scoped3A = tpu.sem_alloc : memref<!tpu.dma_semaphore, #tpu.memory_space<semaphore_mem>>
          %dma_start3A = arith.constant 0 : i32
          %dma_start3A_74 = arith.constant 0 : i32
          %dma_start3A_75 = tpu.memref_slice %arg5[%dma_start3A, %add3A_20, %dma_start3A_74] : memref<3x3125x2048xf32, #tpu.memory_space<hbm>> -> memref<3x1x2048xf32, #tpu.memory_space<hbm>>
          %dma_start3A_76 = tpu.memref_squeeze %dma_start3A_75 : memref<3x1x2048xf32, #tpu.memory_space<hbm>> -> memref<3x2048xf32, #tpu.memory_space<hbm>>
          %dma_start3A_77 = arith.constant 0 : i32
          %dma_start3A_78 = arith.constant 0 : i32
          %dma_start3A_79 = tpu.memref_slice %arg5[%dma_start3A_77, %add3A_20, %dma_start3A_78] : memref<3x3125x2048xf32, #tpu.memory_space<hbm>> -> memref<3x1x2048xf32, #tpu.memory_space<hbm>>
          %dma_start3A_80 = tpu.memref_squeeze %dma_start3A_79 : memref<3x1x2048xf32, #tpu.memory_space<hbm>> -> memref<3x2048xf32, #tpu.memory_space<hbm>>
          tpu.enqueue_dma source(%dma_start3A_80 : memref<3x2048xf32, #tpu.memory_space<hbm>>) target(%arg30 : memref<3x2048xf32, #tpu.memory_space<vmem>>) target_semaphore(%run_scoped3A : memref<!tpu.dma_semaphore, #tpu.memory_space<semaphore_mem>>)
          %dma_wait3A = arith.constant 0 : i32
          %dma_wait3A_81 = arith.constant 0 : i32
          %dma_wait3A_82 = tpu.memref_slice %arg5[%dma_wait3A, %add3A_20, %dma_wait3A_81] : memref<3x3125x2048xf32, #tpu.memory_space<hbm>> -> memref<3x1x2048xf32, #tpu.memory_space<hbm>>
          %dma_wait3A_83 = tpu.memref_squeeze %dma_wait3A_82 : memref<3x1x2048xf32, #tpu.memory_space<hbm>> -> memref<3x2048xf32, #tpu.memory_space<hbm>>
          %dma_wait3A_84 = arith.constant 0 : i32
          %dma_wait3A_85 = arith.constant 0 : i32
          %dma_wait3A_86 = tpu.memref_slice %arg5[%dma_wait3A_84, %add3A_20, %dma_wait3A_85] : memref<3x3125x2048xf32, #tpu.memory_space<hbm>> -> memref<3x1x2048xf32, #tpu.memory_space<hbm>>
          %dma_wait3A_87 = tpu.memref_squeeze %dma_wait3A_86 : memref<3x1x2048xf32, #tpu.memory_space<hbm>> -> memref<3x2048xf32, #tpu.memory_space<hbm>>
          tpu.wait_dma2 semaphore(%run_scoped3A : memref<!tpu.dma_semaphore, #tpu.memory_space<semaphore_mem>>) src(%dma_wait3A_87 : memref<3x2048xf32, #tpu.memory_space<hbm>>) dst(%arg30 : memref<3x2048xf32, #tpu.memory_space<vmem>>)
          tpu.yield
        }) : () -> ()
        %scan3A_68 = arith.constant 0 : i32
        %scan3A_69 = arith.constant 0 : i32
        %scan3A_70 = arith.constant 128 : i32
        %scan3A_71 = arith.addi %scan3A_69, %scan3A_70 : i32
        %scan3A_72 = arith.constant 1 : i32
        scf.for %scan3A_74 = %scan3A_69 to %scan3A_71 step %scan3A_72  : i32 {
          %mul3A_75 = arith.constant 16 : i32
          %mul3A_76 = arith.muli %scan3A_74, %mul3A_75 : i32
          %add3A_77 = vector.broadcast %mul3A_76 : i32 to vector<16xi32>
          %add3A_78 = arith.addi %add3A_77, %iota3A : vector<16xi32>
          %mul3A_79 = arith.constant 8 : i32
          %mul3A_80 = vector.broadcast %mul3A_79 : i32 to vector<16xi32>
          %mul3A_81 = arith.muli %add3A_78, %mul3A_80 : vector<16xi32>
          %mul3A_82 = arith.constant 16 : i32
          %mul3A_83 = arith.muli %scan3A_74, %mul3A_82 : i32
          %get3A = arith.constant 0 : i32
          %get3A_84 = arith.index_cast %get3A : i32 to index
          %get3A_85 = arith.index_cast %mul3A_83 : i32 to index
          %get3A_86 = tpu.vector_load %arg30[%get3A_84, %get3A_85] {strides = array<i32>} : memref<3x2048xf32, #tpu.memory_space<vmem>>, vector<16xf32>,
          %add3A_87 = arith.constant 0 : i32
          %add3A_88 = vector.broadcast %add3A_87 : i32 to vector<16xi32>
          %add3A_89 = arith.addi %mul3A_81, %add3A_88 : vector<16xi32>
          tpu.vector_store_idx %arg31[%add3A_89], %get3A_86 : memref<16384xf32, #tpu.memory_space<vmem>>[vector<16xi32>], vector<16xf32>,
          %mul3A_90 = arith.constant 16 : i32
          %mul3A_91 = arith.muli %scan3A_74, %mul3A_90 : i32
          %get3A_92 = arith.constant 1 : i32
          %get3A_93 = arith.index_cast %get3A_92 : i32 to index
          %get3A_94 = arith.index_cast %mul3A_91 : i32 to index
          %get3A_95 = tpu.vector_load %arg30[%get3A_93, %get3A_94] {strides = array<i32>} : memref<3x2048xf32, #tpu.memory_space<vmem>>, vector<16xf32>,
          %add3A_96 = arith.constant 1 : i32
          %add3A_97 = vector.broadcast %add3A_96 : i32 to vector<16xi32>
          %add3A_98 = arith.addi %mul3A_81, %add3A_97 : vector<16xi32>
          tpu.vector_store_idx %arg31[%add3A_98], %get3A_95 : memref<16384xf32, #tpu.memory_space<vmem>>[vector<16xi32>], vector<16xf32>,
          %mul3A_99 = arith.constant 16 : i32
          %mul3A_100 = arith.muli %scan3A_74, %mul3A_99 : i32
          %get3A_101 = arith.constant 2 : i32
          %get3A_102 = arith.index_cast %get3A_101 : i32 to index
          %get3A_103 = arith.index_cast %mul3A_100 : i32 to index
          %get3A_104 = tpu.vector_load %arg30[%get3A_102, %get3A_103] {strides = array<i32>} : memref<3x2048xf32, #tpu.memory_space<vmem>>, vector<16xf32>,
          %add3A_105 = arith.constant 2 : i32
          %add3A_106 = vector.broadcast %add3A_105 : i32 to vector<16xi32>
          %add3A_107 = arith.addi %mul3A_81, %add3A_106 : vector<16xi32>
          tpu.vector_store_idx %arg31[%add3A_107], %get3A_104 : memref<16384xf32, #tpu.memory_space<vmem>>[vector<16xi32>], vector<16xf32>,
        }
        %scan3A_73 = arith.constant 128 : i32
        "tpu.region"() ({
          %run_scoped3A = tpu.sem_alloc : memref<!tpu.dma_semaphore, #tpu.memory_space<semaphore_mem>>
          %dma_start3A = arith.constant 0 : i32
          %dma_start3A_74 = tpu.memref_slice %arg9[%add3A_20, %dma_start3A] : memref<3125x16384xf32, #tpu.memory_space<hbm>> -> memref<1x16384xf32, #tpu.memory_space<hbm>>
          %dma_start3A_75 = tpu.memref_squeeze %dma_start3A_74 : memref<1x16384xf32, #tpu.memory_space<hbm>> -> memref<16384xf32, #tpu.memory_space<hbm>>
          %dma_start3A_76 = arith.constant 0 : i32
          %dma_start3A_77 = tpu.memref_slice %arg9[%add3A_20, %dma_start3A_76] : memref<3125x16384xf32, #tpu.memory_space<hbm>> -> memref<1x16384xf32, #tpu.memory_space<hbm>>
          %dma_start3A_78 = tpu.memref_squeeze %dma_start3A_77 : memref<1x16384xf32, #tpu.memory_space<hbm>> -> memref<16384xf32, #tpu.memory_space<hbm>>
          tpu.enqueue_dma source(%arg31 : memref<16384xf32, #tpu.memory_space<vmem>>) target(%dma_start3A_78 : memref<16384xf32, #tpu.memory_space<hbm>>) target_semaphore(%run_scoped3A : memref<!tpu.dma_semaphore, #tpu.memory_space<semaphore_mem>>)
          %dma_wait3A = arith.constant 0 : i32
          %dma_wait3A_79 = tpu.memref_slice %arg9[%add3A_20, %dma_wait3A] : memref<3125x16384xf32, #tpu.memory_space<hbm>> -> memref<1x16384xf32, #tpu.memory_space<hbm>>
          %dma_wait3A_80 = tpu.memref_squeeze %dma_wait3A_79 : memref<1x16384xf32, #tpu.memory_space<hbm>> -> memref<16384xf32, #tpu.memory_space<hbm>>
          %dma_wait3A_81 = arith.constant 0 : i32
          %dma_wait3A_82 = tpu.memref_slice %arg9[%add3A_20, %dma_wait3A_81] : memref<3125x16384xf32, #tpu.memory_space<hbm>> -> memref<1x16384xf32, #tpu.memory_space<hbm>>
          %dma_wait3A_83 = tpu.memref_squeeze %dma_wait3A_82 : memref<1x16384xf32, #tpu.memory_space<hbm>> -> memref<16384xf32, #tpu.memory_space<hbm>>
          tpu.wait_dma2 semaphore(%run_scoped3A : memref<!tpu.dma_semaphore, #tpu.memory_space<semaphore_mem>>) src(%arg31 : memref<16384xf32, #tpu.memory_space<vmem>>) dst(%dma_wait3A_83 : memref<16384xf32, #tpu.memory_space<hbm>>)
          tpu.yield
        }) : () -> ()
      } else {
      }
      %lt3A_48 = arith.constant 3125 : i32
      %lt3A_49 = arith.cmpi slt, %add3A_13, %lt3A_48 : i32
      %convert_element_type3A_50 = arith.extui %lt3A_49 : i1 to i32
      %cond3A_51 = arith.constant 0 : i32
      %cond3A_52 = arith.cmpi ne, %convert_element_type3A_50, %cond3A_51 : i32
      scf.if %cond3A_52 {
        %dma_wait3A = arith.constant 0 : i32
        %dma_wait3A_68 = arith.constant 0 : i32
        %dma_wait3A_69 = tpu.memref_slice %arg2[%dma_wait3A, %dma_wait3A_68] : memref<100352x8xf32, #tpu.memory_space<hbm>> -> memref<100352x8xf32, #tpu.memory_space<hbm>>
        tpu.wait_indirect_dma semaphore(%arg20 : memref<!tpu.dma_semaphore, #tpu.memory_space<semaphore_mem>>) src(%dma_wait3A_69 : memref<100352x8xf32, #tpu.memory_space<hbm>>) dst(%arg14 : memref<2048x8xf32, #tpu.memory_space<vmem>>)
        %dma_wait3A_70 = arith.constant 0 : i32
        %dma_wait3A_71 = arith.constant 0 : i32
        %dma_wait3A_72 = tpu.memref_slice %arg2[%dma_wait3A_70, %dma_wait3A_71] : memref<100352x8xf32, #tpu.memory_space<hbm>> -> memref<100352x8xf32, #tpu.memory_space<hbm>>
        tpu.wait_indirect_dma semaphore(%arg21 : memref<!tpu.dma_semaphore, #tpu.memory_space<semaphore_mem>>) src(%dma_wait3A_72 : memref<100352x8xf32, #tpu.memory_space<hbm>>) dst(%arg15 : memref<2048x8xf32, #tpu.memory_space<vmem>>)
        %dma_start3A = arith.constant 0 : i32
        %dma_start3A_73 = arith.constant 0 : i32
        %dma_start3A_74 = tpu.memref_slice %arg7[%add3A_13, %dma_start3A, %dma_start3A_73] : memref<3125x2048x8xf32, #tpu.memory_space<hbm>> -> memref<1x2048x8xf32, #tpu.memory_space<hbm>>
        %dma_start3A_75 = tpu.memref_squeeze %dma_start3A_74 : memref<1x2048x8xf32, #tpu.memory_space<hbm>> -> memref<2048x8xf32, #tpu.memory_space<hbm>>
        %dma_start3A_76 = arith.constant 0 : i32
        %dma_start3A_77 = arith.constant 0 : i32
        %dma_start3A_78 = tpu.memref_slice %arg7[%add3A_13, %dma_start3A_76, %dma_start3A_77] : memref<3125x2048x8xf32, #tpu.memory_space<hbm>> -> memref<1x2048x8xf32, #tpu.memory_space<hbm>>
        %dma_start3A_79 = tpu.memref_squeeze %dma_start3A_78 : memref<1x2048x8xf32, #tpu.memory_space<hbm>> -> memref<2048x8xf32, #tpu.memory_space<hbm>>
        tpu.enqueue_dma source(%arg14 : memref<2048x8xf32, #tpu.memory_space<vmem>>) target(%dma_start3A_79 : memref<2048x8xf32, #tpu.memory_space<hbm>>) target_semaphore(%arg26 : memref<!tpu.dma_semaphore, #tpu.memory_space<semaphore_mem>>)
        %dma_start3A_80 = arith.constant 0 : i32
        %dma_start3A_81 = arith.constant 0 : i32
        %dma_start3A_82 = tpu.memref_slice %arg8[%add3A_13, %dma_start3A_80, %dma_start3A_81] : memref<3125x2048x8xf32, #tpu.memory_space<hbm>> -> memref<1x2048x8xf32, #tpu.memory_space<hbm>>
        %dma_start3A_83 = tpu.memref_squeeze %dma_start3A_82 : memref<1x2048x8xf32, #tpu.memory_space<hbm>> -> memref<2048x8xf32, #tpu.memory_space<hbm>>
        %dma_start3A_84 = arith.constant 0 : i32
        %dma_start3A_85 = arith.constant 0 : i32
        %dma_start3A_86 = tpu.memref_slice %arg8[%add3A_13, %dma_start3A_84, %dma_start3A_85] : memref<3125x2048x8xf32, #tpu.memory_space<hbm>> -> memref<1x2048x8xf32, #tpu.memory_space<hbm>>
        %dma_start3A_87 = tpu.memref_squeeze %dma_start3A_86 : memref<1x2048x8xf32, #tpu.memory_space<hbm>> -> memref<2048x8xf32, #tpu.memory_space<hbm>>
        tpu.enqueue_dma source(%arg15 : memref<2048x8xf32, #tpu.memory_space<vmem>>) target(%dma_start3A_87 : memref<2048x8xf32, #tpu.memory_space<hbm>>) target_semaphore(%arg27 : memref<!tpu.dma_semaphore, #tpu.memory_space<semaphore_mem>>)
      } else {
      }
      %lt3A_53 = arith.constant 3125 : i32
      %lt3A_54 = arith.cmpi slt, %add3A_20, %lt3A_53 : i32
      %convert_element_type3A_55 = arith.extui %lt3A_54 : i1 to i32
      %cond3A_56 = arith.constant 0 : i32
      %cond3A_57 = arith.cmpi ne, %convert_element_type3A_55, %cond3A_56 : i32
      scf.if %cond3A_57 {
        %dma_wait3A = arith.constant 0 : i32
        %dma_wait3A_68 = arith.constant 0 : i32
        %dma_wait3A_69 = tpu.memref_slice %arg2[%dma_wait3A, %dma_wait3A_68] : memref<100352x8xf32, #tpu.memory_space<hbm>> -> memref<100352x8xf32, #tpu.memory_space<hbm>>
        tpu.wait_indirect_dma semaphore(%arg24 : memref<!tpu.dma_semaphore, #tpu.memory_space<semaphore_mem>>) src(%dma_wait3A_69 : memref<100352x8xf32, #tpu.memory_space<hbm>>) dst(%arg16 : memref<2048x8xf32, #tpu.memory_space<vmem>>)
        %dma_wait3A_70 = arith.constant 0 : i32
        %dma_wait3A_71 = arith.constant 0 : i32
        %dma_wait3A_72 = tpu.memref_slice %arg2[%dma_wait3A_70, %dma_wait3A_71] : memref<100352x8xf32, #tpu.memory_space<hbm>> -> memref<100352x8xf32, #tpu.memory_space<hbm>>
        tpu.wait_indirect_dma semaphore(%arg25 : memref<!tpu.dma_semaphore, #tpu.memory_space<semaphore_mem>>) src(%dma_wait3A_72 : memref<100352x8xf32, #tpu.memory_space<hbm>>) dst(%arg17 : memref<2048x8xf32, #tpu.memory_space<vmem>>)
        %dma_start3A = arith.constant 0 : i32
        %dma_start3A_73 = arith.constant 0 : i32
        %dma_start3A_74 = tpu.memref_slice %arg7[%add3A_20, %dma_start3A, %dma_start3A_73] : memref<3125x2048x8xf32, #tpu.memory_space<hbm>> -> memref<1x2048x8xf32, #tpu.memory_space<hbm>>
        %dma_start3A_75 = tpu.memref_squeeze %dma_start3A_74 : memref<1x2048x8xf32, #tpu.memory_space<hbm>> -> memref<2048x8xf32, #tpu.memory_space<hbm>>
        %dma_start3A_76 = arith.constant 0 : i32
        %dma_start3A_77 = arith.constant 0 : i32
        %dma_start3A_78 = tpu.memref_slice %arg7[%add3A_20, %dma_start3A_76, %dma_start3A_77] : memref<3125x2048x8xf32, #tpu.memory_space<hbm>> -> memref<1x2048x8xf32, #tpu.memory_space<hbm>>
        %dma_start3A_79 = tpu.memref_squeeze %dma_start3A_78 : memref<1x2048x8xf32, #tpu.memory_space<hbm>> -> memref<2048x8xf32, #tpu.memory_space<hbm>>
        tpu.enqueue_dma source(%arg16 : memref<2048x8xf32, #tpu.memory_space<vmem>>) target(%dma_start3A_79 : memref<2048x8xf32, #tpu.memory_space<hbm>>) target_semaphore(%arg28 : memref<!tpu.dma_semaphore, #tpu.memory_space<semaphore_mem>>)
        %dma_start3A_80 = arith.constant 0 : i32
        %dma_start3A_81 = arith.constant 0 : i32
        %dma_start3A_82 = tpu.memref_slice %arg8[%add3A_20, %dma_start3A_80, %dma_start3A_81] : memref<3125x2048x8xf32, #tpu.memory_space<hbm>> -> memref<1x2048x8xf32, #tpu.memory_space<hbm>>
        %dma_start3A_83 = tpu.memref_squeeze %dma_start3A_82 : memref<1x2048x8xf32, #tpu.memory_space<hbm>> -> memref<2048x8xf32, #tpu.memory_space<hbm>>
        %dma_start3A_84 = arith.constant 0 : i32
        %dma_start3A_85 = arith.constant 0 : i32
        %dma_start3A_86 = tpu.memref_slice %arg8[%add3A_20, %dma_start3A_84, %dma_start3A_85] : memref<3125x2048x8xf32, #tpu.memory_space<hbm>> -> memref<1x2048x8xf32, #tpu.memory_space<hbm>>
        %dma_start3A_87 = tpu.memref_squeeze %dma_start3A_86 : memref<1x2048x8xf32, #tpu.memory_space<hbm>> -> memref<2048x8xf32, #tpu.memory_space<hbm>>
        tpu.enqueue_dma source(%arg17 : memref<2048x8xf32, #tpu.memory_space<vmem>>) target(%dma_start3A_87 : memref<2048x8xf32, #tpu.memory_space<hbm>>) target_semaphore(%arg29 : memref<!tpu.dma_semaphore, #tpu.memory_space<semaphore_mem>>)
      } else {
      }
      %lt3A_58 = arith.constant 3125 : i32
      %lt3A_59 = arith.cmpi slt, %add3A_13, %lt3A_58 : i32
      %convert_element_type3A_60 = arith.extui %lt3A_59 : i1 to i32
      %cond3A_61 = arith.constant 0 : i32
      %cond3A_62 = arith.cmpi ne, %convert_element_type3A_60, %cond3A_61 : i32
      scf.if %cond3A_62 {
        %dma_wait3A = arith.constant 0 : i32
        %dma_wait3A_68 = arith.constant 0 : i32
        %dma_wait3A_69 = tpu.memref_slice %arg7[%add3A_13, %dma_wait3A, %dma_wait3A_68] : memref<3125x2048x8xf32, #tpu.memory_space<hbm>> -> memref<1x2048x8xf32, #tpu.memory_space<hbm>>
        %dma_wait3A_70 = tpu.memref_squeeze %dma_wait3A_69 : memref<1x2048x8xf32, #tpu.memory_space<hbm>> -> memref<2048x8xf32, #tpu.memory_space<hbm>>
        %dma_wait3A_71 = arith.constant 0 : i32
        %dma_wait3A_72 = arith.constant 0 : i32
        %dma_wait3A_73 = tpu.memref_slice %arg7[%add3A_13, %dma_wait3A_71, %dma_wait3A_72] : memref<3125x2048x8xf32, #tpu.memory_space<hbm>> -> memref<1x2048x8xf32, #tpu.memory_space<hbm>>
        %dma_wait3A_74 = tpu.memref_squeeze %dma_wait3A_73 : memref<1x2048x8xf32, #tpu.memory_space<hbm>> -> memref<2048x8xf32, #tpu.memory_space<hbm>>
        tpu.wait_dma2 semaphore(%arg26 : memref<!tpu.dma_semaphore, #tpu.memory_space<semaphore_mem>>) src(%arg14 : memref<2048x8xf32, #tpu.memory_space<vmem>>) dst(%dma_wait3A_74 : memref<2048x8xf32, #tpu.memory_space<hbm>>)
        %dma_wait3A_75 = arith.constant 0 : i32
        %dma_wait3A_76 = arith.constant 0 : i32
        %dma_wait3A_77 = tpu.memref_slice %arg8[%add3A_13, %dma_wait3A_75, %dma_wait3A_76] : memref<3125x2048x8xf32, #tpu.memory_space<hbm>> -> memref<1x2048x8xf32, #tpu.memory_space<hbm>>
        %dma_wait3A_78 = tpu.memref_squeeze %dma_wait3A_77 : memref<1x2048x8xf32, #tpu.memory_space<hbm>> -> memref<2048x8xf32, #tpu.memory_space<hbm>>
        %dma_wait3A_79 = arith.constant 0 : i32
        %dma_wait3A_80 = arith.constant 0 : i32
        %dma_wait3A_81 = tpu.memref_slice %arg8[%add3A_13, %dma_wait3A_79, %dma_wait3A_80] : memref<3125x2048x8xf32, #tpu.memory_space<hbm>> -> memref<1x2048x8xf32, #tpu.memory_space<hbm>>
        %dma_wait3A_82 = tpu.memref_squeeze %dma_wait3A_81 : memref<1x2048x8xf32, #tpu.memory_space<hbm>> -> memref<2048x8xf32, #tpu.memory_space<hbm>>
        tpu.wait_dma2 semaphore(%arg27 : memref<!tpu.dma_semaphore, #tpu.memory_space<semaphore_mem>>) src(%arg15 : memref<2048x8xf32, #tpu.memory_space<vmem>>) dst(%dma_wait3A_82 : memref<2048x8xf32, #tpu.memory_space<hbm>>)
      } else {
      }
      %lt3A_63 = arith.constant 3125 : i32
      %lt3A_64 = arith.cmpi slt, %add3A_20, %lt3A_63 : i32
      %convert_element_type3A_65 = arith.extui %lt3A_64 : i1 to i32
      %cond3A_66 = arith.constant 0 : i32
      %cond3A_67 = arith.cmpi ne, %convert_element_type3A_65, %cond3A_66 : i32
      scf.if %cond3A_67 {
        %dma_wait3A = arith.constant 0 : i32
        %dma_wait3A_68 = arith.constant 0 : i32
        %dma_wait3A_69 = tpu.memref_slice %arg7[%add3A_20, %dma_wait3A, %dma_wait3A_68] : memref<3125x2048x8xf32, #tpu.memory_space<hbm>> -> memref<1x2048x8xf32, #tpu.memory_space<hbm>>
        %dma_wait3A_70 = tpu.memref_squeeze %dma_wait3A_69 : memref<1x2048x8xf32, #tpu.memory_space<hbm>> -> memref<2048x8xf32, #tpu.memory_space<hbm>>
        %dma_wait3A_71 = arith.constant 0 : i32
        %dma_wait3A_72 = arith.constant 0 : i32
        %dma_wait3A_73 = tpu.memref_slice %arg7[%add3A_20, %dma_wait3A_71, %dma_wait3A_72] : memref<3125x2048x8xf32, #tpu.memory_space<hbm>> -> memref<1x2048x8xf32, #tpu.memory_space<hbm>>
        %dma_wait3A_74 = tpu.memref_squeeze %dma_wait3A_73 : memref<1x2048x8xf32, #tpu.memory_space<hbm>> -> memref<2048x8xf32, #tpu.memory_space<hbm>>
        tpu.wait_dma2 semaphore(%arg28 : memref<!tpu.dma_semaphore, #tpu.memory_space<semaphore_mem>>) src(%arg16 : memref<2048x8xf32, #tpu.memory_space<vmem>>) dst(%dma_wait3A_74 : memref<2048x8xf32, #tpu.memory_space<hbm>>)
        %dma_wait3A_75 = arith.constant 0 : i32
        %dma_wait3A_76 = arith.constant 0 : i32
        %dma_wait3A_77 = tpu.memref_slice %arg8[%add3A_20, %dma_wait3A_75, %dma_wait3A_76] : memref<3125x2048x8xf32, #tpu.memory_space<hbm>> -> memref<1x2048x8xf32, #tpu.memory_space<hbm>>
        %dma_wait3A_78 = tpu.memref_squeeze %dma_wait3A_77 : memref<1x2048x8xf32, #tpu.memory_space<hbm>> -> memref<2048x8xf32, #tpu.memory_space<hbm>>
        %dma_wait3A_79 = arith.constant 0 : i32
        %dma_wait3A_80 = arith.constant 0 : i32
        %dma_wait3A_81 = tpu.memref_slice %arg8[%add3A_20, %dma_wait3A_79, %dma_wait3A_80] : memref<3125x2048x8xf32, #tpu.memory_space<hbm>> -> memref<1x2048x8xf32, #tpu.memory_space<hbm>>
        %dma_wait3A_82 = tpu.memref_squeeze %dma_wait3A_81 : memref<1x2048x8xf32, #tpu.memory_space<hbm>> -> memref<2048x8xf32, #tpu.memory_space<hbm>>
        tpu.wait_dma2 semaphore(%arg29 : memref<!tpu.dma_semaphore, #tpu.memory_space<semaphore_mem>>) src(%arg17 : memref<2048x8xf32, #tpu.memory_space<vmem>>) dst(%dma_wait3A_82 : memref<2048x8xf32, #tpu.memory_space<hbm>>)
      } else {
      }
    }
    %scan3A_5 = arith.constant 49 : i32
    return
  }
}

#map = affine_map<(d0, d1) -> (0, 0)>
#map1 = affine_map<(d0, d1) -> (0, 0, 0)>
module attributes {stable_mosaic.version = 14 : i64} {
  func.func @body(%arg0: i32, %arg1: i32, %arg2: memref<100352x8xf32, #tpu.memory_space<hbm>>, %arg3: memref<3125x2048xi32, #tpu.memory_space<hbm>>, %arg4: memref<3125x2048xi32, #tpu.memory_space<hbm>>, %arg5: memref<3125x2048x8xf32, #tpu.memory_space<hbm>>, %arg6: memref<3125x2048x8xf32, #tpu.memory_space<hbm>>, %arg7: memref<2048xi32, #tpu.memory_space<vmem>>, %arg8: memref<2048xi32, #tpu.memory_space<vmem>>, %arg9: memref<2048xi32, #tpu.memory_space<vmem>>, %arg10: memref<2048xi32, #tpu.memory_space<vmem>>, %arg11: memref<2048x8xf32, #tpu.memory_space<vmem>>, %arg12: memref<2048x8xf32, #tpu.memory_space<vmem>>, %arg13: memref<2048x8xf32, #tpu.memory_space<vmem>>, %arg14: memref<2048x8xf32, #tpu.memory_space<vmem>>, %arg15: memref<!tpu.dma_semaphore, #tpu.memory_space<semaphore_mem>>, %arg16: memref<!tpu.dma_semaphore, #tpu.memory_space<semaphore_mem>>, %arg17: memref<!tpu.dma_semaphore, #tpu.memory_space<semaphore_mem>>, %arg18: memref<!tpu.dma_semaphore, #tpu.memory_space<semaphore_mem>>, %arg19: memref<!tpu.dma_semaphore, #tpu.memory_space<semaphore_mem>>, %arg20: memref<!tpu.dma_semaphore, #tpu.memory_space<semaphore_mem>>, %arg21: memref<!tpu.dma_semaphore, #tpu.memory_space<semaphore_mem>>, %arg22: memref<!tpu.dma_semaphore, #tpu.memory_space<semaphore_mem>>, %arg23: memref<!tpu.dma_semaphore, #tpu.memory_space<semaphore_mem>>, %arg24: memref<!tpu.dma_semaphore, #tpu.memory_space<semaphore_mem>>, %arg25: memref<!tpu.dma_semaphore, #tpu.memory_space<semaphore_mem>>, %arg26: memref<!tpu.dma_semaphore, #tpu.memory_space<semaphore_mem>>) attributes {dimension_semantics = [#tpu.dimension_semantics<core_parallel>, #tpu.dimension_semantics<subcore_parallel>], iteration_bounds = array<i64: 2, 16>, scalar_prefetch = 0 : i64, scratch_operands = 20 : i64, tpu.core_type = #tpu.core_type<sc_vector_subcore>, window_params = [{transform_indices = #map}, {transform_indices = #map}, {transform_indices = #map}, {transform_indices = #map1}, {transform_indices = #map1}]} {
    %mul3A = arith.constant 2 : i32
    %mul3A_0 = arith.muli %arg1, %mul3A : i32
    %add3A = arith.addi %mul3A_0, %arg0 : i32
    %iota3A = tpu.iota {dimensions = array<i32: 0>} : vector<16xi32>
    %scan3A = arith.constant 0 : i32
    %scan3A_1 = arith.constant 0 : i32
    %scan3A_2 = arith.constant 49 : i32
    %scan3A_3 = arith.addi %scan3A_1, %scan3A_2 : i32
    %scan3A_4 = arith.constant 1 : i32
    scf.for %scan3A_6 = %scan3A_1 to %scan3A_3 step %scan3A_4  : i32 {
      %mul3A_7 = arith.constant 2 : i32
      %mul3A_8 = arith.muli %mul3A_7, %scan3A_6 : i32
      %add3A_9 = arith.constant 0 : i32
      %add3A_10 = arith.addi %mul3A_8, %add3A_9 : i32
      %mul3A_11 = arith.constant 32 : i32
      %mul3A_12 = arith.muli %add3A_10, %mul3A_11 : i32
      %add3A_13 = arith.addi %mul3A_12, %add3A : i32
      %mul3A_14 = arith.constant 2 : i32
      %mul3A_15 = arith.muli %mul3A_14, %scan3A_6 : i32
      %add3A_16 = arith.constant 1 : i32
      %add3A_17 = arith.addi %mul3A_15, %add3A_16 : i32
      %mul3A_18 = arith.constant 32 : i32
      %mul3A_19 = arith.muli %add3A_17, %mul3A_18 : i32
      %add3A_20 = arith.addi %mul3A_19, %add3A : i32
      %lt3A = arith.constant 3125 : i32
      %lt3A_21 = arith.cmpi slt, %add3A_13, %lt3A : i32
      %convert_element_type3A = arith.extui %lt3A_21 : i1 to i32
      %cond3A = arith.constant 0 : i32
      %cond3A_22 = arith.cmpi ne, %convert_element_type3A, %cond3A : i32
      scf.if %cond3A_22 {
        %dma_start3A = arith.constant 0 : i32
        %dma_start3A_58 = tpu.memref_slice %arg4[%add3A_13, %dma_start3A] : memref<3125x2048xi32, #tpu.memory_space<hbm>> -> memref<1x2048xi32, #tpu.memory_space<hbm>>
        %dma_start3A_59 = tpu.memref_squeeze %dma_start3A_58 : memref<1x2048xi32, #tpu.memory_space<hbm>> -> memref<2048xi32, #tpu.memory_space<hbm>>
        %dma_start3A_60 = arith.constant 0 : i32
        %dma_start3A_61 = tpu.memref_slice %arg4[%add3A_13, %dma_start3A_60] : memref<3125x2048xi32, #tpu.memory_space<hbm>> -> memref<1x2048xi32, #tpu.memory_space<hbm>>
        %dma_start3A_62 = tpu.memref_squeeze %dma_start3A_61 : memref<1x2048xi32, #tpu.memory_space<hbm>> -> memref<2048xi32, #tpu.memory_space<hbm>>
        tpu.enqueue_dma source(%dma_start3A_62 : memref<2048xi32, #tpu.memory_space<hbm>>) target(%arg7 : memref<2048xi32, #tpu.memory_space<vmem>>) target_semaphore(%arg15 : memref<!tpu.dma_semaphore, #tpu.memory_space<semaphore_mem>>)
        %dma_start3A_63 = arith.constant 0 : i32
        %dma_start3A_64 = tpu.memref_slice %arg3[%add3A_13, %dma_start3A_63] : memref<3125x2048xi32, #tpu.memory_space<hbm>> -> memref<1x2048xi32, #tpu.memory_space<hbm>>
        %dma_start3A_65 = tpu.memref_squeeze %dma_start3A_64 : memref<1x2048xi32, #tpu.memory_space<hbm>> -> memref<2048xi32, #tpu.memory_space<hbm>>
        %dma_start3A_66 = arith.constant 0 : i32
        %dma_start3A_67 = tpu.memref_slice %arg3[%add3A_13, %dma_start3A_66] : memref<3125x2048xi32, #tpu.memory_space<hbm>> -> memref<1x2048xi32, #tpu.memory_space<hbm>>
        %dma_start3A_68 = tpu.memref_squeeze %dma_start3A_67 : memref<1x2048xi32, #tpu.memory_space<hbm>> -> memref<2048xi32, #tpu.memory_space<hbm>>
        tpu.enqueue_dma source(%dma_start3A_68 : memref<2048xi32, #tpu.memory_space<hbm>>) target(%arg8 : memref<2048xi32, #tpu.memory_space<vmem>>) target_semaphore(%arg16 : memref<!tpu.dma_semaphore, #tpu.memory_space<semaphore_mem>>)
      } else {
      }
      %lt3A_23 = arith.constant 3125 : i32
      %lt3A_24 = arith.cmpi slt, %add3A_20, %lt3A_23 : i32
      %convert_element_type3A_25 = arith.extui %lt3A_24 : i1 to i32
      %cond3A_26 = arith.constant 0 : i32
      %cond3A_27 = arith.cmpi ne, %convert_element_type3A_25, %cond3A_26 : i32
      scf.if %cond3A_27 {
        %dma_start3A = arith.constant 0 : i32
        %dma_start3A_58 = tpu.memref_slice %arg4[%add3A_20, %dma_start3A] : memref<3125x2048xi32, #tpu.memory_space<hbm>> -> memref<1x2048xi32, #tpu.memory_space<hbm>>
        %dma_start3A_59 = tpu.memref_squeeze %dma_start3A_58 : memref<1x2048xi32, #tpu.memory_space<hbm>> -> memref<2048xi32, #tpu.memory_space<hbm>>
        %dma_start3A_60 = arith.constant 0 : i32
        %dma_start3A_61 = tpu.memref_slice %arg4[%add3A_20, %dma_start3A_60] : memref<3125x2048xi32, #tpu.memory_space<hbm>> -> memref<1x2048xi32, #tpu.memory_space<hbm>>
        %dma_start3A_62 = tpu.memref_squeeze %dma_start3A_61 : memref<1x2048xi32, #tpu.memory_space<hbm>> -> memref<2048xi32, #tpu.memory_space<hbm>>
        tpu.enqueue_dma source(%dma_start3A_62 : memref<2048xi32, #tpu.memory_space<hbm>>) target(%arg9 : memref<2048xi32, #tpu.memory_space<vmem>>) target_semaphore(%arg19 : memref<!tpu.dma_semaphore, #tpu.memory_space<semaphore_mem>>)
        %dma_start3A_63 = arith.constant 0 : i32
        %dma_start3A_64 = tpu.memref_slice %arg3[%add3A_20, %dma_start3A_63] : memref<3125x2048xi32, #tpu.memory_space<hbm>> -> memref<1x2048xi32, #tpu.memory_space<hbm>>
        %dma_start3A_65 = tpu.memref_squeeze %dma_start3A_64 : memref<1x2048xi32, #tpu.memory_space<hbm>> -> memref<2048xi32, #tpu.memory_space<hbm>>
        %dma_start3A_66 = arith.constant 0 : i32
        %dma_start3A_67 = tpu.memref_slice %arg3[%add3A_20, %dma_start3A_66] : memref<3125x2048xi32, #tpu.memory_space<hbm>> -> memref<1x2048xi32, #tpu.memory_space<hbm>>
        %dma_start3A_68 = tpu.memref_squeeze %dma_start3A_67 : memref<1x2048xi32, #tpu.memory_space<hbm>> -> memref<2048xi32, #tpu.memory_space<hbm>>
        tpu.enqueue_dma source(%dma_start3A_68 : memref<2048xi32, #tpu.memory_space<hbm>>) target(%arg10 : memref<2048xi32, #tpu.memory_space<vmem>>) target_semaphore(%arg20 : memref<!tpu.dma_semaphore, #tpu.memory_space<semaphore_mem>>)
      } else {
      }
      %lt3A_28 = arith.constant 3125 : i32
      %lt3A_29 = arith.cmpi slt, %add3A_13, %lt3A_28 : i32
      %convert_element_type3A_30 = arith.extui %lt3A_29 : i1 to i32
      %cond3A_31 = arith.constant 0 : i32
      %cond3A_32 = arith.cmpi ne, %convert_element_type3A_30, %cond3A_31 : i32
      scf.if %cond3A_32 {
        %dma_wait3A = arith.constant 0 : i32
        %dma_wait3A_58 = tpu.memref_slice %arg4[%add3A_13, %dma_wait3A] : memref<3125x2048xi32, #tpu.memory_space<hbm>> -> memref<1x2048xi32, #tpu.memory_space<hbm>>
        %dma_wait3A_59 = tpu.memref_squeeze %dma_wait3A_58 : memref<1x2048xi32, #tpu.memory_space<hbm>> -> memref<2048xi32, #tpu.memory_space<hbm>>
        %dma_wait3A_60 = arith.constant 0 : i32
        %dma_wait3A_61 = tpu.memref_slice %arg4[%add3A_13, %dma_wait3A_60] : memref<3125x2048xi32, #tpu.memory_space<hbm>> -> memref<1x2048xi32, #tpu.memory_space<hbm>>
        %dma_wait3A_62 = tpu.memref_squeeze %dma_wait3A_61 : memref<1x2048xi32, #tpu.memory_space<hbm>> -> memref<2048xi32, #tpu.memory_space<hbm>>
        tpu.wait_dma2 semaphore(%arg15 : memref<!tpu.dma_semaphore, #tpu.memory_space<semaphore_mem>>) src(%dma_wait3A_62 : memref<2048xi32, #tpu.memory_space<hbm>>) dst(%arg7 : memref<2048xi32, #tpu.memory_space<vmem>>)
        %dma_wait3A_63 = arith.constant 0 : i32
        %dma_wait3A_64 = tpu.memref_slice %arg3[%add3A_13, %dma_wait3A_63] : memref<3125x2048xi32, #tpu.memory_space<hbm>> -> memref<1x2048xi32, #tpu.memory_space<hbm>>
        %dma_wait3A_65 = tpu.memref_squeeze %dma_wait3A_64 : memref<1x2048xi32, #tpu.memory_space<hbm>> -> memref<2048xi32, #tpu.memory_space<hbm>>
        %dma_wait3A_66 = arith.constant 0 : i32
        %dma_wait3A_67 = tpu.memref_slice %arg3[%add3A_13, %dma_wait3A_66] : memref<3125x2048xi32, #tpu.memory_space<hbm>> -> memref<1x2048xi32, #tpu.memory_space<hbm>>
        %dma_wait3A_68 = tpu.memref_squeeze %dma_wait3A_67 : memref<1x2048xi32, #tpu.memory_space<hbm>> -> memref<2048xi32, #tpu.memory_space<hbm>>
        tpu.wait_dma2 semaphore(%arg16 : memref<!tpu.dma_semaphore, #tpu.memory_space<semaphore_mem>>) src(%dma_wait3A_68 : memref<2048xi32, #tpu.memory_space<hbm>>) dst(%arg8 : memref<2048xi32, #tpu.memory_space<vmem>>)
        %dma_start3A = arith.constant 0 : i32
        %dma_start3A_69 = arith.constant 0 : i32
        %dma_start3A_70 = tpu.memref_slice %arg2[%dma_start3A, %dma_start3A_69] : memref<100352x8xf32, #tpu.memory_space<hbm>> -> memref<100352x8xf32, #tpu.memory_space<hbm>>
        tpu.enqueue_indirect_dma source(%dma_start3A_70 : memref<100352x8xf32, #tpu.memory_space<hbm>>) target(%arg11 : memref<2048x8xf32, #tpu.memory_space<vmem>>) offsets(%arg7 : memref<2048xi32, #tpu.memory_space<vmem>>) semaphore(%arg17 : memref<!tpu.dma_semaphore, #tpu.memory_space<semaphore_mem>>)
        %dma_start3A_71 = arith.constant 0 : i32
        %dma_start3A_72 = arith.constant 0 : i32
        %dma_start3A_73 = tpu.memref_slice %arg2[%dma_start3A_71, %dma_start3A_72] : memref<100352x8xf32, #tpu.memory_space<hbm>> -> memref<100352x8xf32, #tpu.memory_space<hbm>>
        tpu.enqueue_indirect_dma source(%dma_start3A_73 : memref<100352x8xf32, #tpu.memory_space<hbm>>) target(%arg12 : memref<2048x8xf32, #tpu.memory_space<vmem>>) offsets(%arg8 : memref<2048xi32, #tpu.memory_space<vmem>>) semaphore(%arg18 : memref<!tpu.dma_semaphore, #tpu.memory_space<semaphore_mem>>)
      } else {
      }
      %lt3A_33 = arith.constant 3125 : i32
      %lt3A_34 = arith.cmpi slt, %add3A_20, %lt3A_33 : i32
      %convert_element_type3A_35 = arith.extui %lt3A_34 : i1 to i32
      %cond3A_36 = arith.constant 0 : i32
      %cond3A_37 = arith.cmpi ne, %convert_element_type3A_35, %cond3A_36 : i32
      scf.if %cond3A_37 {
        %dma_wait3A = arith.constant 0 : i32
        %dma_wait3A_58 = tpu.memref_slice %arg4[%add3A_20, %dma_wait3A] : memref<3125x2048xi32, #tpu.memory_space<hbm>> -> memref<1x2048xi32, #tpu.memory_space<hbm>>
        %dma_wait3A_59 = tpu.memref_squeeze %dma_wait3A_58 : memref<1x2048xi32, #tpu.memory_space<hbm>> -> memref<2048xi32, #tpu.memory_space<hbm>>
        %dma_wait3A_60 = arith.constant 0 : i32
        %dma_wait3A_61 = tpu.memref_slice %arg4[%add3A_20, %dma_wait3A_60] : memref<3125x2048xi32, #tpu.memory_space<hbm>> -> memref<1x2048xi32, #tpu.memory_space<hbm>>
        %dma_wait3A_62 = tpu.memref_squeeze %dma_wait3A_61 : memref<1x2048xi32, #tpu.memory_space<hbm>> -> memref<2048xi32, #tpu.memory_space<hbm>>
        tpu.wait_dma2 semaphore(%arg19 : memref<!tpu.dma_semaphore, #tpu.memory_space<semaphore_mem>>) src(%dma_wait3A_62 : memref<2048xi32, #tpu.memory_space<hbm>>) dst(%arg9 : memref<2048xi32, #tpu.memory_space<vmem>>)
        %dma_wait3A_63 = arith.constant 0 : i32
        %dma_wait3A_64 = tpu.memref_slice %arg3[%add3A_20, %dma_wait3A_63] : memref<3125x2048xi32, #tpu.memory_space<hbm>> -> memref<1x2048xi32, #tpu.memory_space<hbm>>
        %dma_wait3A_65 = tpu.memref_squeeze %dma_wait3A_64 : memref<1x2048xi32, #tpu.memory_space<hbm>> -> memref<2048xi32, #tpu.memory_space<hbm>>
        %dma_wait3A_66 = arith.constant 0 : i32
        %dma_wait3A_67 = tpu.memref_slice %arg3[%add3A_20, %dma_wait3A_66] : memref<3125x2048xi32, #tpu.memory_space<hbm>> -> memref<1x2048xi32, #tpu.memory_space<hbm>>
        %dma_wait3A_68 = tpu.memref_squeeze %dma_wait3A_67 : memref<1x2048xi32, #tpu.memory_space<hbm>> -> memref<2048xi32, #tpu.memory_space<hbm>>
        tpu.wait_dma2 semaphore(%arg20 : memref<!tpu.dma_semaphore, #tpu.memory_space<semaphore_mem>>) src(%dma_wait3A_68 : memref<2048xi32, #tpu.memory_space<hbm>>) dst(%arg10 : memref<2048xi32, #tpu.memory_space<vmem>>)
        %dma_start3A = arith.constant 0 : i32
        %dma_start3A_69 = arith.constant 0 : i32
        %dma_start3A_70 = tpu.memref_slice %arg2[%dma_start3A, %dma_start3A_69] : memref<100352x8xf32, #tpu.memory_space<hbm>> -> memref<100352x8xf32, #tpu.memory_space<hbm>>
        tpu.enqueue_indirect_dma source(%dma_start3A_70 : memref<100352x8xf32, #tpu.memory_space<hbm>>) target(%arg13 : memref<2048x8xf32, #tpu.memory_space<vmem>>) offsets(%arg9 : memref<2048xi32, #tpu.memory_space<vmem>>) semaphore(%arg21 : memref<!tpu.dma_semaphore, #tpu.memory_space<semaphore_mem>>)
        %dma_start3A_71 = arith.constant 0 : i32
        %dma_start3A_72 = arith.constant 0 : i32
        %dma_start3A_73 = tpu.memref_slice %arg2[%dma_start3A_71, %dma_start3A_72] : memref<100352x8xf32, #tpu.memory_space<hbm>> -> memref<100352x8xf32, #tpu.memory_space<hbm>>
        tpu.enqueue_indirect_dma source(%dma_start3A_73 : memref<100352x8xf32, #tpu.memory_space<hbm>>) target(%arg14 : memref<2048x8xf32, #tpu.memory_space<vmem>>) offsets(%arg10 : memref<2048xi32, #tpu.memory_space<vmem>>) semaphore(%arg22 : memref<!tpu.dma_semaphore, #tpu.memory_space<semaphore_mem>>)
      } else {
      }
      %lt3A_38 = arith.constant 3125 : i32
      %lt3A_39 = arith.cmpi slt, %add3A_13, %lt3A_38 : i32
      %convert_element_type3A_40 = arith.extui %lt3A_39 : i1 to i32
      %cond3A_41 = arith.constant 0 : i32
      %cond3A_42 = arith.cmpi ne, %convert_element_type3A_40, %cond3A_41 : i32
      scf.if %cond3A_42 {
        %dma_wait3A = arith.constant 0 : i32
        %dma_wait3A_58 = arith.constant 0 : i32
        %dma_wait3A_59 = tpu.memref_slice %arg2[%dma_wait3A, %dma_wait3A_58] : memref<100352x8xf32, #tpu.memory_space<hbm>> -> memref<100352x8xf32, #tpu.memory_space<hbm>>
        tpu.wait_indirect_dma semaphore(%arg17 : memref<!tpu.dma_semaphore, #tpu.memory_space<semaphore_mem>>) src(%dma_wait3A_59 : memref<100352x8xf32, #tpu.memory_space<hbm>>) dst(%arg11 : memref<2048x8xf32, #tpu.memory_space<vmem>>)
        %dma_wait3A_60 = arith.constant 0 : i32
        %dma_wait3A_61 = arith.constant 0 : i32
        %dma_wait3A_62 = tpu.memref_slice %arg2[%dma_wait3A_60, %dma_wait3A_61] : memref<100352x8xf32, #tpu.memory_space<hbm>> -> memref<100352x8xf32, #tpu.memory_space<hbm>>
        tpu.wait_indirect_dma semaphore(%arg18 : memref<!tpu.dma_semaphore, #tpu.memory_space<semaphore_mem>>) src(%dma_wait3A_62 : memref<100352x8xf32, #tpu.memory_space<hbm>>) dst(%arg12 : memref<2048x8xf32, #tpu.memory_space<vmem>>)
        %dma_start3A = arith.constant 0 : i32
        %dma_start3A_63 = arith.constant 0 : i32
        %dma_start3A_64 = tpu.memref_slice %arg5[%add3A_13, %dma_start3A, %dma_start3A_63] : memref<3125x2048x8xf32, #tpu.memory_space<hbm>> -> memref<1x2048x8xf32, #tpu.memory_space<hbm>>
        %dma_start3A_65 = tpu.memref_squeeze %dma_start3A_64 : memref<1x2048x8xf32, #tpu.memory_space<hbm>> -> memref<2048x8xf32, #tpu.memory_space<hbm>>
        %dma_start3A_66 = arith.constant 0 : i32
        %dma_start3A_67 = arith.constant 0 : i32
        %dma_start3A_68 = tpu.memref_slice %arg5[%add3A_13, %dma_start3A_66, %dma_start3A_67] : memref<3125x2048x8xf32, #tpu.memory_space<hbm>> -> memref<1x2048x8xf32, #tpu.memory_space<hbm>>
        %dma_start3A_69 = tpu.memref_squeeze %dma_start3A_68 : memref<1x2048x8xf32, #tpu.memory_space<hbm>> -> memref<2048x8xf32, #tpu.memory_space<hbm>>
        tpu.enqueue_dma source(%arg11 : memref<2048x8xf32, #tpu.memory_space<vmem>>) target(%dma_start3A_69 : memref<2048x8xf32, #tpu.memory_space<hbm>>) target_semaphore(%arg23 : memref<!tpu.dma_semaphore, #tpu.memory_space<semaphore_mem>>)
        %dma_start3A_70 = arith.constant 0 : i32
        %dma_start3A_71 = arith.constant 0 : i32
        %dma_start3A_72 = tpu.memref_slice %arg6[%add3A_13, %dma_start3A_70, %dma_start3A_71] : memref<3125x2048x8xf32, #tpu.memory_space<hbm>> -> memref<1x2048x8xf32, #tpu.memory_space<hbm>>
        %dma_start3A_73 = tpu.memref_squeeze %dma_start3A_72 : memref<1x2048x8xf32, #tpu.memory_space<hbm>> -> memref<2048x8xf32, #tpu.memory_space<hbm>>
        %dma_start3A_74 = arith.constant 0 : i32
        %dma_start3A_75 = arith.constant 0 : i32
        %dma_start3A_76 = tpu.memref_slice %arg6[%add3A_13, %dma_start3A_74, %dma_start3A_75] : memref<3125x2048x8xf32, #tpu.memory_space<hbm>> -> memref<1x2048x8xf32, #tpu.memory_space<hbm>>
        %dma_start3A_77 = tpu.memref_squeeze %dma_start3A_76 : memref<1x2048x8xf32, #tpu.memory_space<hbm>> -> memref<2048x8xf32, #tpu.memory_space<hbm>>
        tpu.enqueue_dma source(%arg12 : memref<2048x8xf32, #tpu.memory_space<vmem>>) target(%dma_start3A_77 : memref<2048x8xf32, #tpu.memory_space<hbm>>) target_semaphore(%arg24 : memref<!tpu.dma_semaphore, #tpu.memory_space<semaphore_mem>>)
      } else {
      }
      %lt3A_43 = arith.constant 3125 : i32
      %lt3A_44 = arith.cmpi slt, %add3A_20, %lt3A_43 : i32
      %convert_element_type3A_45 = arith.extui %lt3A_44 : i1 to i32
      %cond3A_46 = arith.constant 0 : i32
      %cond3A_47 = arith.cmpi ne, %convert_element_type3A_45, %cond3A_46 : i32
      scf.if %cond3A_47 {
        %dma_wait3A = arith.constant 0 : i32
        %dma_wait3A_58 = arith.constant 0 : i32
        %dma_wait3A_59 = tpu.memref_slice %arg2[%dma_wait3A, %dma_wait3A_58] : memref<100352x8xf32, #tpu.memory_space<hbm>> -> memref<100352x8xf32, #tpu.memory_space<hbm>>
        tpu.wait_indirect_dma semaphore(%arg21 : memref<!tpu.dma_semaphore, #tpu.memory_space<semaphore_mem>>) src(%dma_wait3A_59 : memref<100352x8xf32, #tpu.memory_space<hbm>>) dst(%arg13 : memref<2048x8xf32, #tpu.memory_space<vmem>>)
        %dma_wait3A_60 = arith.constant 0 : i32
        %dma_wait3A_61 = arith.constant 0 : i32
        %dma_wait3A_62 = tpu.memref_slice %arg2[%dma_wait3A_60, %dma_wait3A_61] : memref<100352x8xf32, #tpu.memory_space<hbm>> -> memref<100352x8xf32, #tpu.memory_space<hbm>>
        tpu.wait_indirect_dma semaphore(%arg22 : memref<!tpu.dma_semaphore, #tpu.memory_space<semaphore_mem>>) src(%dma_wait3A_62 : memref<100352x8xf32, #tpu.memory_space<hbm>>) dst(%arg14 : memref<2048x8xf32, #tpu.memory_space<vmem>>)
        %dma_start3A = arith.constant 0 : i32
        %dma_start3A_63 = arith.constant 0 : i32
        %dma_start3A_64 = tpu.memref_slice %arg5[%add3A_20, %dma_start3A, %dma_start3A_63] : memref<3125x2048x8xf32, #tpu.memory_space<hbm>> -> memref<1x2048x8xf32, #tpu.memory_space<hbm>>
        %dma_start3A_65 = tpu.memref_squeeze %dma_start3A_64 : memref<1x2048x8xf32, #tpu.memory_space<hbm>> -> memref<2048x8xf32, #tpu.memory_space<hbm>>
        %dma_start3A_66 = arith.constant 0 : i32
        %dma_start3A_67 = arith.constant 0 : i32
        %dma_start3A_68 = tpu.memref_slice %arg5[%add3A_20, %dma_start3A_66, %dma_start3A_67] : memref<3125x2048x8xf32, #tpu.memory_space<hbm>> -> memref<1x2048x8xf32, #tpu.memory_space<hbm>>
        %dma_start3A_69 = tpu.memref_squeeze %dma_start3A_68 : memref<1x2048x8xf32, #tpu.memory_space<hbm>> -> memref<2048x8xf32, #tpu.memory_space<hbm>>
        tpu.enqueue_dma source(%arg13 : memref<2048x8xf32, #tpu.memory_space<vmem>>) target(%dma_start3A_69 : memref<2048x8xf32, #tpu.memory_space<hbm>>) target_semaphore(%arg25 : memref<!tpu.dma_semaphore, #tpu.memory_space<semaphore_mem>>)
        %dma_start3A_70 = arith.constant 0 : i32
        %dma_start3A_71 = arith.constant 0 : i32
        %dma_start3A_72 = tpu.memref_slice %arg6[%add3A_20, %dma_start3A_70, %dma_start3A_71] : memref<3125x2048x8xf32, #tpu.memory_space<hbm>> -> memref<1x2048x8xf32, #tpu.memory_space<hbm>>
        %dma_start3A_73 = tpu.memref_squeeze %dma_start3A_72 : memref<1x2048x8xf32, #tpu.memory_space<hbm>> -> memref<2048x8xf32, #tpu.memory_space<hbm>>
        %dma_start3A_74 = arith.constant 0 : i32
        %dma_start3A_75 = arith.constant 0 : i32
        %dma_start3A_76 = tpu.memref_slice %arg6[%add3A_20, %dma_start3A_74, %dma_start3A_75] : memref<3125x2048x8xf32, #tpu.memory_space<hbm>> -> memref<1x2048x8xf32, #tpu.memory_space<hbm>>
        %dma_start3A_77 = tpu.memref_squeeze %dma_start3A_76 : memref<1x2048x8xf32, #tpu.memory_space<hbm>> -> memref<2048x8xf32, #tpu.memory_space<hbm>>
        tpu.enqueue_dma source(%arg14 : memref<2048x8xf32, #tpu.memory_space<vmem>>) target(%dma_start3A_77 : memref<2048x8xf32, #tpu.memory_space<hbm>>) target_semaphore(%arg26 : memref<!tpu.dma_semaphore, #tpu.memory_space<semaphore_mem>>)
      } else {
      }
      %lt3A_48 = arith.constant 3125 : i32
      %lt3A_49 = arith.cmpi slt, %add3A_13, %lt3A_48 : i32
      %convert_element_type3A_50 = arith.extui %lt3A_49 : i1 to i32
      %cond3A_51 = arith.constant 0 : i32
      %cond3A_52 = arith.cmpi ne, %convert_element_type3A_50, %cond3A_51 : i32
      scf.if %cond3A_52 {
        %dma_wait3A = arith.constant 0 : i32
        %dma_wait3A_58 = arith.constant 0 : i32
        %dma_wait3A_59 = tpu.memref_slice %arg5[%add3A_13, %dma_wait3A, %dma_wait3A_58] : memref<3125x2048x8xf32, #tpu.memory_space<hbm>> -> memref<1x2048x8xf32, #tpu.memory_space<hbm>>
        %dma_wait3A_60 = tpu.memref_squeeze %dma_wait3A_59 : memref<1x2048x8xf32, #tpu.memory_space<hbm>> -> memref<2048x8xf32, #tpu.memory_space<hbm>>
        %dma_wait3A_61 = arith.constant 0 : i32
        %dma_wait3A_62 = arith.constant 0 : i32
        %dma_wait3A_63 = tpu.memref_slice %arg5[%add3A_13, %dma_wait3A_61, %dma_wait3A_62] : memref<3125x2048x8xf32, #tpu.memory_space<hbm>> -> memref<1x2048x8xf32, #tpu.memory_space<hbm>>
        %dma_wait3A_64 = tpu.memref_squeeze %dma_wait3A_63 : memref<1x2048x8xf32, #tpu.memory_space<hbm>> -> memref<2048x8xf32, #tpu.memory_space<hbm>>
        tpu.wait_dma2 semaphore(%arg23 : memref<!tpu.dma_semaphore, #tpu.memory_space<semaphore_mem>>) src(%arg11 : memref<2048x8xf32, #tpu.memory_space<vmem>>) dst(%dma_wait3A_64 : memref<2048x8xf32, #tpu.memory_space<hbm>>)
        %dma_wait3A_65 = arith.constant 0 : i32
        %dma_wait3A_66 = arith.constant 0 : i32
        %dma_wait3A_67 = tpu.memref_slice %arg6[%add3A_13, %dma_wait3A_65, %dma_wait3A_66] : memref<3125x2048x8xf32, #tpu.memory_space<hbm>> -> memref<1x2048x8xf32, #tpu.memory_space<hbm>>
        %dma_wait3A_68 = tpu.memref_squeeze %dma_wait3A_67 : memref<1x2048x8xf32, #tpu.memory_space<hbm>> -> memref<2048x8xf32, #tpu.memory_space<hbm>>
        %dma_wait3A_69 = arith.constant 0 : i32
        %dma_wait3A_70 = arith.constant 0 : i32
        %dma_wait3A_71 = tpu.memref_slice %arg6[%add3A_13, %dma_wait3A_69, %dma_wait3A_70] : memref<3125x2048x8xf32, #tpu.memory_space<hbm>> -> memref<1x2048x8xf32, #tpu.memory_space<hbm>>
        %dma_wait3A_72 = tpu.memref_squeeze %dma_wait3A_71 : memref<1x2048x8xf32, #tpu.memory_space<hbm>> -> memref<2048x8xf32, #tpu.memory_space<hbm>>
        tpu.wait_dma2 semaphore(%arg24 : memref<!tpu.dma_semaphore, #tpu.memory_space<semaphore_mem>>) src(%arg12 : memref<2048x8xf32, #tpu.memory_space<vmem>>) dst(%dma_wait3A_72 : memref<2048x8xf32, #tpu.memory_space<hbm>>)
      } else {
      }
      %lt3A_53 = arith.constant 3125 : i32
      %lt3A_54 = arith.cmpi slt, %add3A_20, %lt3A_53 : i32
      %convert_element_type3A_55 = arith.extui %lt3A_54 : i1 to i32
      %cond3A_56 = arith.constant 0 : i32
      %cond3A_57 = arith.cmpi ne, %convert_element_type3A_55, %cond3A_56 : i32
      scf.if %cond3A_57 {
        %dma_wait3A = arith.constant 0 : i32
        %dma_wait3A_58 = arith.constant 0 : i32
        %dma_wait3A_59 = tpu.memref_slice %arg5[%add3A_20, %dma_wait3A, %dma_wait3A_58] : memref<3125x2048x8xf32, #tpu.memory_space<hbm>> -> memref<1x2048x8xf32, #tpu.memory_space<hbm>>
        %dma_wait3A_60 = tpu.memref_squeeze %dma_wait3A_59 : memref<1x2048x8xf32, #tpu.memory_space<hbm>> -> memref<2048x8xf32, #tpu.memory_space<hbm>>
        %dma_wait3A_61 = arith.constant 0 : i32
        %dma_wait3A_62 = arith.constant 0 : i32
        %dma_wait3A_63 = tpu.memref_slice %arg5[%add3A_20, %dma_wait3A_61, %dma_wait3A_62] : memref<3125x2048x8xf32, #tpu.memory_space<hbm>> -> memref<1x2048x8xf32, #tpu.memory_space<hbm>>
        %dma_wait3A_64 = tpu.memref_squeeze %dma_wait3A_63 : memref<1x2048x8xf32, #tpu.memory_space<hbm>> -> memref<2048x8xf32, #tpu.memory_space<hbm>>
        tpu.wait_dma2 semaphore(%arg25 : memref<!tpu.dma_semaphore, #tpu.memory_space<semaphore_mem>>) src(%arg13 : memref<2048x8xf32, #tpu.memory_space<vmem>>) dst(%dma_wait3A_64 : memref<2048x8xf32, #tpu.memory_space<hbm>>)
        %dma_wait3A_65 = arith.constant 0 : i32
        %dma_wait3A_66 = arith.constant 0 : i32
        %dma_wait3A_67 = tpu.memref_slice %arg6[%add3A_20, %dma_wait3A_65, %dma_wait3A_66] : memref<3125x2048x8xf32, #tpu.memory_space<hbm>> -> memref<1x2048x8xf32, #tpu.memory_space<hbm>>
        %dma_wait3A_68 = tpu.memref_squeeze %dma_wait3A_67 : memref<1x2048x8xf32, #tpu.memory_space<hbm>> -> memref<2048x8xf32, #tpu.memory_space<hbm>>
        %dma_wait3A_69 = arith.constant 0 : i32
        %dma_wait3A_70 = arith.constant 0 : i32
        %dma_wait3A_71 = tpu.memref_slice %arg6[%add3A_20, %dma_wait3A_69, %dma_wait3A_70] : memref<3125x2048x8xf32, #tpu.memory_space<hbm>> -> memref<1x2048x8xf32, #tpu.memory_space<hbm>>
        %dma_wait3A_72 = tpu.memref_squeeze %dma_wait3A_71 : memref<1x2048x8xf32, #tpu.memory_space<hbm>> -> memref<2048x8xf32, #tpu.memory_space<hbm>>
        tpu.wait_dma2 semaphore(%arg26 : memref<!tpu.dma_semaphore, #tpu.memory_space<semaphore_mem>>) src(%arg14 : memref<2048x8xf32, #tpu.memory_space<vmem>>) dst(%dma_wait3A_72 : memref<2048x8xf32, #tpu.memory_space<hbm>>)
      } else {
      }
    }
    %scan3A_5 = arith.constant 49 : i32
    return
  }
}

#map = affine_map<(d0, d1) -> (0, 0)>
#map1 = affine_map<(d0, d1) -> (0, 0, 0)>
module attributes {stable_mosaic.version = 14 : i64} {
  func.func @body(%arg0: i32, %arg1: i32, %arg2: memref<100352x8xf32, #tpu.memory_space<hbm>>, %arg3: memref<3125x2048xi32, #tpu.memory_space<hbm>>, %arg4: memref<3125x2048xi32, #tpu.memory_space<hbm>>, %arg5: memref<3125x2048x8xf32, #tpu.memory_space<hbm>>, %arg6: memref<3125x2048x8xf32, #tpu.memory_space<hbm>>, %arg7: memref<2048xi32, #tpu.memory_space<vmem>>, %arg8: memref<2048xi32, #tpu.memory_space<vmem>>, %arg9: memref<2048xi32, #tpu.memory_space<vmem>>, %arg10: memref<2048xi32, #tpu.memory_space<vmem>>, %arg11: memref<2048x8xf32, #tpu.memory_space<vmem>>, %arg12: memref<2048x8xf32, #tpu.memory_space<vmem>>, %arg13: memref<2048x8xf32, #tpu.memory_space<vmem>>, %arg14: memref<2048x8xf32, #tpu.memory_space<vmem>>, %arg15: memref<!tpu.dma_semaphore, #tpu.memory_space<semaphore_mem>>, %arg16: memref<!tpu.dma_semaphore, #tpu.memory_space<semaphore_mem>>, %arg17: memref<!tpu.dma_semaphore, #tpu.memory_space<semaphore_mem>>, %arg18: memref<!tpu.dma_semaphore, #tpu.memory_space<semaphore_mem>>, %arg19: memref<!tpu.dma_semaphore, #tpu.memory_space<semaphore_mem>>, %arg20: memref<!tpu.dma_semaphore, #tpu.memory_space<semaphore_mem>>, %arg21: memref<!tpu.dma_semaphore, #tpu.memory_space<semaphore_mem>>, %arg22: memref<!tpu.dma_semaphore, #tpu.memory_space<semaphore_mem>>, %arg23: memref<!tpu.dma_semaphore, #tpu.memory_space<semaphore_mem>>, %arg24: memref<!tpu.dma_semaphore, #tpu.memory_space<semaphore_mem>>, %arg25: memref<!tpu.dma_semaphore, #tpu.memory_space<semaphore_mem>>, %arg26: memref<!tpu.dma_semaphore, #tpu.memory_space<semaphore_mem>>) attributes {dimension_semantics = [#tpu.dimension_semantics<core_parallel>, #tpu.dimension_semantics<subcore_parallel>], iteration_bounds = array<i64: 2, 16>, scalar_prefetch = 0 : i64, scratch_operands = 20 : i64, tpu.core_type = #tpu.core_type<sc_vector_subcore>, window_params = [{transform_indices = #map}, {transform_indices = #map}, {transform_indices = #map}, {transform_indices = #map1}, {transform_indices = #map1}]} {
    %mul3A = arith.constant 2 : i32
    %mul3A_0 = arith.muli %arg1, %mul3A : i32
    %add3A = arith.addi %mul3A_0, %arg0 : i32
    %iota3A = tpu.iota {dimensions = array<i32: 0>} : vector<16xi32>
    %scan3A = arith.constant 0 : i32
    %scan3A_1 = arith.constant 0 : i32
    %scan3A_2 = arith.constant 49 : i32
    %scan3A_3 = arith.addi %scan3A_1, %scan3A_2 : i32
    %scan3A_4 = arith.constant 1 : i32
    scf.for %scan3A_6 = %scan3A_1 to %scan3A_3 step %scan3A_4  : i32 {
      %mul3A_7 = arith.constant 2 : i32
      %mul3A_8 = arith.muli %mul3A_7, %scan3A_6 : i32
      %add3A_9 = arith.constant 0 : i32
      %add3A_10 = arith.addi %mul3A_8, %add3A_9 : i32
      %mul3A_11 = arith.constant 32 : i32
      %mul3A_12 = arith.muli %add3A_10, %mul3A_11 : i32
      %add3A_13 = arith.addi %mul3A_12, %add3A : i32
      %mul3A_14 = arith.constant 2 : i32
      %mul3A_15 = arith.muli %mul3A_14, %scan3A_6 : i32
      %add3A_16 = arith.constant 1 : i32
      %add3A_17 = arith.addi %mul3A_15, %add3A_16 : i32
      %mul3A_18 = arith.constant 32 : i32
      %mul3A_19 = arith.muli %add3A_17, %mul3A_18 : i32
      %add3A_20 = arith.addi %mul3A_19, %add3A : i32
      %lt3A = arith.constant 3125 : i32
      %lt3A_21 = arith.cmpi slt, %add3A_13, %lt3A : i32
      %convert_element_type3A = arith.extui %lt3A_21 : i1 to i32
      %cond3A = arith.constant 0 : i32
      %cond3A_22 = arith.cmpi ne, %convert_element_type3A, %cond3A : i32
      scf.if %cond3A_22 {
        %dma_start3A = arith.constant 0 : i32
        %dma_start3A_58 = tpu.memref_slice %arg4[%add3A_13, %dma_start3A] : memref<3125x2048xi32, #tpu.memory_space<hbm>> -> memref<1x2048xi32, #tpu.memory_space<hbm>>
        %dma_start3A_59 = tpu.memref_squeeze %dma_start3A_58 : memref<1x2048xi32, #tpu.memory_space<hbm>> -> memref<2048xi32, #tpu.memory_space<hbm>>
        %dma_start3A_60 = arith.constant 0 : i32
        %dma_start3A_61 = tpu.memref_slice %arg4[%add3A_13, %dma_start3A_60] : memref<3125x2048xi32, #tpu.memory_space<hbm>> -> memref<1x2048xi32, #tpu.memory_space<hbm>>
        %dma_start3A_62 = tpu.memref_squeeze %dma_start3A_61 : memref<1x2048xi32, #tpu.memory_space<hbm>> -> memref<2048xi32, #tpu.memory_space<hbm>>
        tpu.enqueue_dma source(%dma_start3A_62 : memref<2048xi32, #tpu.memory_space<hbm>>) target(%arg7 : memref<2048xi32, #tpu.memory_space<vmem>>) target_semaphore(%arg15 : memref<!tpu.dma_semaphore, #tpu.memory_space<semaphore_mem>>)
        %dma_start3A_63 = arith.constant 0 : i32
        %dma_start3A_64 = tpu.memref_slice %arg3[%add3A_13, %dma_start3A_63] : memref<3125x2048xi32, #tpu.memory_space<hbm>> -> memref<1x2048xi32, #tpu.memory_space<hbm>>
        %dma_start3A_65 = tpu.memref_squeeze %dma_start3A_64 : memref<1x2048xi32, #tpu.memory_space<hbm>> -> memref<2048xi32, #tpu.memory_space<hbm>>
        %dma_start3A_66 = arith.constant 0 : i32
        %dma_start3A_67 = tpu.memref_slice %arg3[%add3A_13, %dma_start3A_66] : memref<3125x2048xi32, #tpu.memory_space<hbm>> -> memref<1x2048xi32, #tpu.memory_space<hbm>>
        %dma_start3A_68 = tpu.memref_squeeze %dma_start3A_67 : memref<1x2048xi32, #tpu.memory_space<hbm>> -> memref<2048xi32, #tpu.memory_space<hbm>>
        tpu.enqueue_dma source(%dma_start3A_68 : memref<2048xi32, #tpu.memory_space<hbm>>) target(%arg8 : memref<2048xi32, #tpu.memory_space<vmem>>) target_semaphore(%arg16 : memref<!tpu.dma_semaphore, #tpu.memory_space<semaphore_mem>>)
      } else {
      }
      %lt3A_23 = arith.constant 3125 : i32
      %lt3A_24 = arith.cmpi slt, %add3A_20, %lt3A_23 : i32
      %convert_element_type3A_25 = arith.extui %lt3A_24 : i1 to i32
      %cond3A_26 = arith.constant 0 : i32
      %cond3A_27 = arith.cmpi ne, %convert_element_type3A_25, %cond3A_26 : i32
      scf.if %cond3A_27 {
        %dma_start3A = arith.constant 0 : i32
        %dma_start3A_58 = tpu.memref_slice %arg4[%add3A_20, %dma_start3A] : memref<3125x2048xi32, #tpu.memory_space<hbm>> -> memref<1x2048xi32, #tpu.memory_space<hbm>>
        %dma_start3A_59 = tpu.memref_squeeze %dma_start3A_58 : memref<1x2048xi32, #tpu.memory_space<hbm>> -> memref<2048xi32, #tpu.memory_space<hbm>>
        %dma_start3A_60 = arith.constant 0 : i32
        %dma_start3A_61 = tpu.memref_slice %arg4[%add3A_20, %dma_start3A_60] : memref<3125x2048xi32, #tpu.memory_space<hbm>> -> memref<1x2048xi32, #tpu.memory_space<hbm>>
        %dma_start3A_62 = tpu.memref_squeeze %dma_start3A_61 : memref<1x2048xi32, #tpu.memory_space<hbm>> -> memref<2048xi32, #tpu.memory_space<hbm>>
        tpu.enqueue_dma source(%dma_start3A_62 : memref<2048xi32, #tpu.memory_space<hbm>>) target(%arg9 : memref<2048xi32, #tpu.memory_space<vmem>>) target_semaphore(%arg19 : memref<!tpu.dma_semaphore, #tpu.memory_space<semaphore_mem>>)
        %dma_start3A_63 = arith.constant 0 : i32
        %dma_start3A_64 = tpu.memref_slice %arg3[%add3A_20, %dma_start3A_63] : memref<3125x2048xi32, #tpu.memory_space<hbm>> -> memref<1x2048xi32, #tpu.memory_space<hbm>>
        %dma_start3A_65 = tpu.memref_squeeze %dma_start3A_64 : memref<1x2048xi32, #tpu.memory_space<hbm>> -> memref<2048xi32, #tpu.memory_space<hbm>>
        %dma_start3A_66 = arith.constant 0 : i32
        %dma_start3A_67 = tpu.memref_slice %arg3[%add3A_20, %dma_start3A_66] : memref<3125x2048xi32, #tpu.memory_space<hbm>> -> memref<1x2048xi32, #tpu.memory_space<hbm>>
        %dma_start3A_68 = tpu.memref_squeeze %dma_start3A_67 : memref<1x2048xi32, #tpu.memory_space<hbm>> -> memref<2048xi32, #tpu.memory_space<hbm>>
        tpu.enqueue_dma source(%dma_start3A_68 : memref<2048xi32, #tpu.memory_space<hbm>>) target(%arg10 : memref<2048xi32, #tpu.memory_space<vmem>>) target_semaphore(%arg20 : memref<!tpu.dma_semaphore, #tpu.memory_space<semaphore_mem>>)
      } else {
      }
      %lt3A_28 = arith.constant 3125 : i32
      %lt3A_29 = arith.cmpi slt, %add3A_13, %lt3A_28 : i32
      %convert_element_type3A_30 = arith.extui %lt3A_29 : i1 to i32
      %cond3A_31 = arith.constant 0 : i32
      %cond3A_32 = arith.cmpi ne, %convert_element_type3A_30, %cond3A_31 : i32
      scf.if %cond3A_32 {
        %dma_wait3A = arith.constant 0 : i32
        %dma_wait3A_58 = tpu.memref_slice %arg4[%add3A_13, %dma_wait3A] : memref<3125x2048xi32, #tpu.memory_space<hbm>> -> memref<1x2048xi32, #tpu.memory_space<hbm>>
        %dma_wait3A_59 = tpu.memref_squeeze %dma_wait3A_58 : memref<1x2048xi32, #tpu.memory_space<hbm>> -> memref<2048xi32, #tpu.memory_space<hbm>>
        %dma_wait3A_60 = arith.constant 0 : i32
        %dma_wait3A_61 = tpu.memref_slice %arg4[%add3A_13, %dma_wait3A_60] : memref<3125x2048xi32, #tpu.memory_space<hbm>> -> memref<1x2048xi32, #tpu.memory_space<hbm>>
        %dma_wait3A_62 = tpu.memref_squeeze %dma_wait3A_61 : memref<1x2048xi32, #tpu.memory_space<hbm>> -> memref<2048xi32, #tpu.memory_space<hbm>>
        tpu.wait_dma2 semaphore(%arg15 : memref<!tpu.dma_semaphore, #tpu.memory_space<semaphore_mem>>) src(%dma_wait3A_62 : memref<2048xi32, #tpu.memory_space<hbm>>) dst(%arg7 : memref<2048xi32, #tpu.memory_space<vmem>>)
        %dma_wait3A_63 = arith.constant 0 : i32
        %dma_wait3A_64 = tpu.memref_slice %arg3[%add3A_13, %dma_wait3A_63] : memref<3125x2048xi32, #tpu.memory_space<hbm>> -> memref<1x2048xi32, #tpu.memory_space<hbm>>
        %dma_wait3A_65 = tpu.memref_squeeze %dma_wait3A_64 : memref<1x2048xi32, #tpu.memory_space<hbm>> -> memref<2048xi32, #tpu.memory_space<hbm>>
        %dma_wait3A_66 = arith.constant 0 : i32
        %dma_wait3A_67 = tpu.memref_slice %arg3[%add3A_13, %dma_wait3A_66] : memref<3125x2048xi32, #tpu.memory_space<hbm>> -> memref<1x2048xi32, #tpu.memory_space<hbm>>
        %dma_wait3A_68 = tpu.memref_squeeze %dma_wait3A_67 : memref<1x2048xi32, #tpu.memory_space<hbm>> -> memref<2048xi32, #tpu.memory_space<hbm>>
        tpu.wait_dma2 semaphore(%arg16 : memref<!tpu.dma_semaphore, #tpu.memory_space<semaphore_mem>>) src(%dma_wait3A_68 : memref<2048xi32, #tpu.memory_space<hbm>>) dst(%arg8 : memref<2048xi32, #tpu.memory_space<vmem>>)
        %dma_start3A = arith.constant 0 : i32
        %dma_start3A_69 = arith.constant 0 : i32
        %dma_start3A_70 = tpu.memref_slice %arg2[%dma_start3A, %dma_start3A_69] : memref<100352x8xf32, #tpu.memory_space<hbm>> -> memref<100352x8xf32, #tpu.memory_space<hbm>>
        tpu.enqueue_indirect_dma source(%dma_start3A_70 : memref<100352x8xf32, #tpu.memory_space<hbm>>) target(%arg11 : memref<2048x8xf32, #tpu.memory_space<vmem>>) offsets(%arg7 : memref<2048xi32, #tpu.memory_space<vmem>>) semaphore(%arg17 : memref<!tpu.dma_semaphore, #tpu.memory_space<semaphore_mem>>)
        %dma_start3A_71 = arith.constant 0 : i32
        %dma_start3A_72 = arith.constant 0 : i32
        %dma_start3A_73 = tpu.memref_slice %arg2[%dma_start3A_71, %dma_start3A_72] : memref<100352x8xf32, #tpu.memory_space<hbm>> -> memref<100352x8xf32, #tpu.memory_space<hbm>>
        tpu.enqueue_indirect_dma source(%dma_start3A_73 : memref<100352x8xf32, #tpu.memory_space<hbm>>) target(%arg12 : memref<2048x8xf32, #tpu.memory_space<vmem>>) offsets(%arg8 : memref<2048xi32, #tpu.memory_space<vmem>>) semaphore(%arg18 : memref<!tpu.dma_semaphore, #tpu.memory_space<semaphore_mem>>)
      } else {
      }
      %lt3A_33 = arith.constant 3125 : i32
      %lt3A_34 = arith.cmpi slt, %add3A_20, %lt3A_33 : i32
      %convert_element_type3A_35 = arith.extui %lt3A_34 : i1 to i32
      %cond3A_36 = arith.constant 0 : i32
      %cond3A_37 = arith.cmpi ne, %convert_element_type3A_35, %cond3A_36 : i32
      scf.if %cond3A_37 {
        %dma_wait3A = arith.constant 0 : i32
        %dma_wait3A_58 = tpu.memref_slice %arg4[%add3A_20, %dma_wait3A] : memref<3125x2048xi32, #tpu.memory_space<hbm>> -> memref<1x2048xi32, #tpu.memory_space<hbm>>
        %dma_wait3A_59 = tpu.memref_squeeze %dma_wait3A_58 : memref<1x2048xi32, #tpu.memory_space<hbm>> -> memref<2048xi32, #tpu.memory_space<hbm>>
        %dma_wait3A_60 = arith.constant 0 : i32
        %dma_wait3A_61 = tpu.memref_slice %arg4[%add3A_20, %dma_wait3A_60] : memref<3125x2048xi32, #tpu.memory_space<hbm>> -> memref<1x2048xi32, #tpu.memory_space<hbm>>
        %dma_wait3A_62 = tpu.memref_squeeze %dma_wait3A_61 : memref<1x2048xi32, #tpu.memory_space<hbm>> -> memref<2048xi32, #tpu.memory_space<hbm>>
        tpu.wait_dma2 semaphore(%arg19 : memref<!tpu.dma_semaphore, #tpu.memory_space<semaphore_mem>>) src(%dma_wait3A_62 : memref<2048xi32, #tpu.memory_space<hbm>>) dst(%arg9 : memref<2048xi32, #tpu.memory_space<vmem>>)
        %dma_wait3A_63 = arith.constant 0 : i32
        %dma_wait3A_64 = tpu.memref_slice %arg3[%add3A_20, %dma_wait3A_63] : memref<3125x2048xi32, #tpu.memory_space<hbm>> -> memref<1x2048xi32, #tpu.memory_space<hbm>>
        %dma_wait3A_65 = tpu.memref_squeeze %dma_wait3A_64 : memref<1x2048xi32, #tpu.memory_space<hbm>> -> memref<2048xi32, #tpu.memory_space<hbm>>
        %dma_wait3A_66 = arith.constant 0 : i32
        %dma_wait3A_67 = tpu.memref_slice %arg3[%add3A_20, %dma_wait3A_66] : memref<3125x2048xi32, #tpu.memory_space<hbm>> -> memref<1x2048xi32, #tpu.memory_space<hbm>>
        %dma_wait3A_68 = tpu.memref_squeeze %dma_wait3A_67 : memref<1x2048xi32, #tpu.memory_space<hbm>> -> memref<2048xi32, #tpu.memory_space<hbm>>
        tpu.wait_dma2 semaphore(%arg20 : memref<!tpu.dma_semaphore, #tpu.memory_space<semaphore_mem>>) src(%dma_wait3A_68 : memref<2048xi32, #tpu.memory_space<hbm>>) dst(%arg10 : memref<2048xi32, #tpu.memory_space<vmem>>)
        %dma_start3A = arith.constant 0 : i32
        %dma_start3A_69 = arith.constant 0 : i32
        %dma_start3A_70 = tpu.memref_slice %arg2[%dma_start3A, %dma_start3A_69] : memref<100352x8xf32, #tpu.memory_space<hbm>> -> memref<100352x8xf32, #tpu.memory_space<hbm>>
        tpu.enqueue_indirect_dma source(%dma_start3A_70 : memref<100352x8xf32, #tpu.memory_space<hbm>>) target(%arg13 : memref<2048x8xf32, #tpu.memory_space<vmem>>) offsets(%arg9 : memref<2048xi32, #tpu.memory_space<vmem>>) semaphore(%arg21 : memref<!tpu.dma_semaphore, #tpu.memory_space<semaphore_mem>>)
        %dma_start3A_71 = arith.constant 0 : i32
        %dma_start3A_72 = arith.constant 0 : i32
        %dma_start3A_73 = tpu.memref_slice %arg2[%dma_start3A_71, %dma_start3A_72] : memref<100352x8xf32, #tpu.memory_space<hbm>> -> memref<100352x8xf32, #tpu.memory_space<hbm>>
        tpu.enqueue_indirect_dma source(%dma_start3A_73 : memref<100352x8xf32, #tpu.memory_space<hbm>>) target(%arg14 : memref<2048x8xf32, #tpu.memory_space<vmem>>) offsets(%arg10 : memref<2048xi32, #tpu.memory_space<vmem>>) semaphore(%arg22 : memref<!tpu.dma_semaphore, #tpu.memory_space<semaphore_mem>>)
      } else {
      }
      %lt3A_38 = arith.constant 3125 : i32
      %lt3A_39 = arith.cmpi slt, %add3A_13, %lt3A_38 : i32
      %convert_element_type3A_40 = arith.extui %lt3A_39 : i1 to i32
      %cond3A_41 = arith.constant 0 : i32
      %cond3A_42 = arith.cmpi ne, %convert_element_type3A_40, %cond3A_41 : i32
      scf.if %cond3A_42 {
        %dma_wait3A = arith.constant 0 : i32
        %dma_wait3A_58 = arith.constant 0 : i32
        %dma_wait3A_59 = tpu.memref_slice %arg2[%dma_wait3A, %dma_wait3A_58] : memref<100352x8xf32, #tpu.memory_space<hbm>> -> memref<100352x8xf32, #tpu.memory_space<hbm>>
        tpu.wait_indirect_dma semaphore(%arg17 : memref<!tpu.dma_semaphore, #tpu.memory_space<semaphore_mem>>) src(%dma_wait3A_59 : memref<100352x8xf32, #tpu.memory_space<hbm>>) dst(%arg11 : memref<2048x8xf32, #tpu.memory_space<vmem>>)
        %dma_wait3A_60 = arith.constant 0 : i32
        %dma_wait3A_61 = arith.constant 0 : i32
        %dma_wait3A_62 = tpu.memref_slice %arg2[%dma_wait3A_60, %dma_wait3A_61] : memref<100352x8xf32, #tpu.memory_space<hbm>> -> memref<100352x8xf32, #tpu.memory_space<hbm>>
        tpu.wait_indirect_dma semaphore(%arg18 : memref<!tpu.dma_semaphore, #tpu.memory_space<semaphore_mem>>) src(%dma_wait3A_62 : memref<100352x8xf32, #tpu.memory_space<hbm>>) dst(%arg12 : memref<2048x8xf32, #tpu.memory_space<vmem>>)
        %dma_start3A = arith.constant 0 : i32
        %dma_start3A_63 = arith.constant 0 : i32
        %dma_start3A_64 = tpu.memref_slice %arg5[%add3A_13, %dma_start3A, %dma_start3A_63] : memref<3125x2048x8xf32, #tpu.memory_space<hbm>> -> memref<1x2048x8xf32, #tpu.memory_space<hbm>>
        %dma_start3A_65 = tpu.memref_squeeze %dma_start3A_64 : memref<1x2048x8xf32, #tpu.memory_space<hbm>> -> memref<2048x8xf32, #tpu.memory_space<hbm>>
        %dma_start3A_66 = arith.constant 0 : i32
        %dma_start3A_67 = arith.constant 0 : i32
        %dma_start3A_68 = tpu.memref_slice %arg5[%add3A_13, %dma_start3A_66, %dma_start3A_67] : memref<3125x2048x8xf32, #tpu.memory_space<hbm>> -> memref<1x2048x8xf32, #tpu.memory_space<hbm>>
        %dma_start3A_69 = tpu.memref_squeeze %dma_start3A_68 : memref<1x2048x8xf32, #tpu.memory_space<hbm>> -> memref<2048x8xf32, #tpu.memory_space<hbm>>
        tpu.enqueue_dma source(%arg11 : memref<2048x8xf32, #tpu.memory_space<vmem>>) target(%dma_start3A_69 : memref<2048x8xf32, #tpu.memory_space<hbm>>) target_semaphore(%arg23 : memref<!tpu.dma_semaphore, #tpu.memory_space<semaphore_mem>>)
        %dma_start3A_70 = arith.constant 0 : i32
        %dma_start3A_71 = arith.constant 0 : i32
        %dma_start3A_72 = tpu.memref_slice %arg6[%add3A_13, %dma_start3A_70, %dma_start3A_71] : memref<3125x2048x8xf32, #tpu.memory_space<hbm>> -> memref<1x2048x8xf32, #tpu.memory_space<hbm>>
        %dma_start3A_73 = tpu.memref_squeeze %dma_start3A_72 : memref<1x2048x8xf32, #tpu.memory_space<hbm>> -> memref<2048x8xf32, #tpu.memory_space<hbm>>
        %dma_start3A_74 = arith.constant 0 : i32
        %dma_start3A_75 = arith.constant 0 : i32
        %dma_start3A_76 = tpu.memref_slice %arg6[%add3A_13, %dma_start3A_74, %dma_start3A_75] : memref<3125x2048x8xf32, #tpu.memory_space<hbm>> -> memref<1x2048x8xf32, #tpu.memory_space<hbm>>
        %dma_start3A_77 = tpu.memref_squeeze %dma_start3A_76 : memref<1x2048x8xf32, #tpu.memory_space<hbm>> -> memref<2048x8xf32, #tpu.memory_space<hbm>>
        tpu.enqueue_dma source(%arg12 : memref<2048x8xf32, #tpu.memory_space<vmem>>) target(%dma_start3A_77 : memref<2048x8xf32, #tpu.memory_space<hbm>>) target_semaphore(%arg24 : memref<!tpu.dma_semaphore, #tpu.memory_space<semaphore_mem>>)
      } else {
      }
      %lt3A_43 = arith.constant 3125 : i32
      %lt3A_44 = arith.cmpi slt, %add3A_20, %lt3A_43 : i32
      %convert_element_type3A_45 = arith.extui %lt3A_44 : i1 to i32
      %cond3A_46 = arith.constant 0 : i32
      %cond3A_47 = arith.cmpi ne, %convert_element_type3A_45, %cond3A_46 : i32
      scf.if %cond3A_47 {
        %dma_wait3A = arith.constant 0 : i32
        %dma_wait3A_58 = arith.constant 0 : i32
        %dma_wait3A_59 = tpu.memref_slice %arg2[%dma_wait3A, %dma_wait3A_58] : memref<100352x8xf32, #tpu.memory_space<hbm>> -> memref<100352x8xf32, #tpu.memory_space<hbm>>
        tpu.wait_indirect_dma semaphore(%arg21 : memref<!tpu.dma_semaphore, #tpu.memory_space<semaphore_mem>>) src(%dma_wait3A_59 : memref<100352x8xf32, #tpu.memory_space<hbm>>) dst(%arg13 : memref<2048x8xf32, #tpu.memory_space<vmem>>)
        %dma_wait3A_60 = arith.constant 0 : i32
        %dma_wait3A_61 = arith.constant 0 : i32
        %dma_wait3A_62 = tpu.memref_slice %arg2[%dma_wait3A_60, %dma_wait3A_61] : memref<100352x8xf32, #tpu.memory_space<hbm>> -> memref<100352x8xf32, #tpu.memory_space<hbm>>
        tpu.wait_indirect_dma semaphore(%arg22 : memref<!tpu.dma_semaphore, #tpu.memory_space<semaphore_mem>>) src(%dma_wait3A_62 : memref<100352x8xf32, #tpu.memory_space<hbm>>) dst(%arg14 : memref<2048x8xf32, #tpu.memory_space<vmem>>)
        %dma_start3A = arith.constant 0 : i32
        %dma_start3A_63 = arith.constant 0 : i32
        %dma_start3A_64 = tpu.memref_slice %arg5[%add3A_20, %dma_start3A, %dma_start3A_63] : memref<3125x2048x8xf32, #tpu.memory_space<hbm>> -> memref<1x2048x8xf32, #tpu.memory_space<hbm>>
        %dma_start3A_65 = tpu.memref_squeeze %dma_start3A_64 : memref<1x2048x8xf32, #tpu.memory_space<hbm>> -> memref<2048x8xf32, #tpu.memory_space<hbm>>
        %dma_start3A_66 = arith.constant 0 : i32
        %dma_start3A_67 = arith.constant 0 : i32
        %dma_start3A_68 = tpu.memref_slice %arg5[%add3A_20, %dma_start3A_66, %dma_start3A_67] : memref<3125x2048x8xf32, #tpu.memory_space<hbm>> -> memref<1x2048x8xf32, #tpu.memory_space<hbm>>
        %dma_start3A_69 = tpu.memref_squeeze %dma_start3A_68 : memref<1x2048x8xf32, #tpu.memory_space<hbm>> -> memref<2048x8xf32, #tpu.memory_space<hbm>>
        tpu.enqueue_dma source(%arg13 : memref<2048x8xf32, #tpu.memory_space<vmem>>) target(%dma_start3A_69 : memref<2048x8xf32, #tpu.memory_space<hbm>>) target_semaphore(%arg25 : memref<!tpu.dma_semaphore, #tpu.memory_space<semaphore_mem>>)
        %dma_start3A_70 = arith.constant 0 : i32
        %dma_start3A_71 = arith.constant 0 : i32
        %dma_start3A_72 = tpu.memref_slice %arg6[%add3A_20, %dma_start3A_70, %dma_start3A_71] : memref<3125x2048x8xf32, #tpu.memory_space<hbm>> -> memref<1x2048x8xf32, #tpu.memory_space<hbm>>
        %dma_start3A_73 = tpu.memref_squeeze %dma_start3A_72 : memref<1x2048x8xf32, #tpu.memory_space<hbm>> -> memref<2048x8xf32, #tpu.memory_space<hbm>>
        %dma_start3A_74 = arith.constant 0 : i32
        %dma_start3A_75 = arith.constant 0 : i32
        %dma_start3A_76 = tpu.memref_slice %arg6[%add3A_20, %dma_start3A_74, %dma_start3A_75] : memref<3125x2048x8xf32, #tpu.memory_space<hbm>> -> memref<1x2048x8xf32, #tpu.memory_space<hbm>>
        %dma_start3A_77 = tpu.memref_squeeze %dma_start3A_76 : memref<1x2048x8xf32, #tpu.memory_space<hbm>> -> memref<2048x8xf32, #tpu.memory_space<hbm>>
        tpu.enqueue_dma source(%arg14 : memref<2048x8xf32, #tpu.memory_space<vmem>>) target(%dma_start3A_77 : memref<2048x8xf32, #tpu.memory_space<hbm>>) target_semaphore(%arg26 : memref<!tpu.dma_semaphore, #tpu.memory_space<semaphore_mem>>)
      } else {
      }
      %lt3A_48 = arith.constant 3125 : i32
      %lt3A_49 = arith.cmpi slt, %add3A_13, %lt3A_48 : i32
      %convert_element_type3A_50 = arith.extui %lt3A_49 : i1 to i32
      %cond3A_51 = arith.constant 0 : i32
      %cond3A_52 = arith.cmpi ne, %convert_element_type3A_50, %cond3A_51 : i32
      scf.if %cond3A_52 {
        %dma_wait3A = arith.constant 0 : i32
        %dma_wait3A_58 = arith.constant 0 : i32
        %dma_wait3A_59 = tpu.memref_slice %arg5[%add3A_13, %dma_wait3A, %dma_wait3A_58] : memref<3125x2048x8xf32, #tpu.memory_space<hbm>> -> memref<1x2048x8xf32, #tpu.memory_space<hbm>>
        %dma_wait3A_60 = tpu.memref_squeeze %dma_wait3A_59 : memref<1x2048x8xf32, #tpu.memory_space<hbm>> -> memref<2048x8xf32, #tpu.memory_space<hbm>>
        %dma_wait3A_61 = arith.constant 0 : i32
        %dma_wait3A_62 = arith.constant 0 : i32
        %dma_wait3A_63 = tpu.memref_slice %arg5[%add3A_13, %dma_wait3A_61, %dma_wait3A_62] : memref<3125x2048x8xf32, #tpu.memory_space<hbm>> -> memref<1x2048x8xf32, #tpu.memory_space<hbm>>
        %dma_wait3A_64 = tpu.memref_squeeze %dma_wait3A_63 : memref<1x2048x8xf32, #tpu.memory_space<hbm>> -> memref<2048x8xf32, #tpu.memory_space<hbm>>
        tpu.wait_dma2 semaphore(%arg23 : memref<!tpu.dma_semaphore, #tpu.memory_space<semaphore_mem>>) src(%arg11 : memref<2048x8xf32, #tpu.memory_space<vmem>>) dst(%dma_wait3A_64 : memref<2048x8xf32, #tpu.memory_space<hbm>>)
        %dma_wait3A_65 = arith.constant 0 : i32
        %dma_wait3A_66 = arith.constant 0 : i32
        %dma_wait3A_67 = tpu.memref_slice %arg6[%add3A_13, %dma_wait3A_65, %dma_wait3A_66] : memref<3125x2048x8xf32, #tpu.memory_space<hbm>> -> memref<1x2048x8xf32, #tpu.memory_space<hbm>>
        %dma_wait3A_68 = tpu.memref_squeeze %dma_wait3A_67 : memref<1x2048x8xf32, #tpu.memory_space<hbm>> -> memref<2048x8xf32, #tpu.memory_space<hbm>>
        %dma_wait3A_69 = arith.constant 0 : i32
        %dma_wait3A_70 = arith.constant 0 : i32
        %dma_wait3A_71 = tpu.memref_slice %arg6[%add3A_13, %dma_wait3A_69, %dma_wait3A_70] : memref<3125x2048x8xf32, #tpu.memory_space<hbm>> -> memref<1x2048x8xf32, #tpu.memory_space<hbm>>
        %dma_wait3A_72 = tpu.memref_squeeze %dma_wait3A_71 : memref<1x2048x8xf32, #tpu.memory_space<hbm>> -> memref<2048x8xf32, #tpu.memory_space<hbm>>
        tpu.wait_dma2 semaphore(%arg24 : memref<!tpu.dma_semaphore, #tpu.memory_space<semaphore_mem>>) src(%arg12 : memref<2048x8xf32, #tpu.memory_space<vmem>>) dst(%dma_wait3A_72 : memref<2048x8xf32, #tpu.memory_space<hbm>>)
      } else {
      }
      %lt3A_53 = arith.constant 3125 : i32
      %lt3A_54 = arith.cmpi slt, %add3A_20, %lt3A_53 : i32
      %convert_element_type3A_55 = arith.extui %lt3A_54 : i1 to i32
      %cond3A_56 = arith.constant 0 : i32
      %cond3A_57 = arith.cmpi ne, %convert_element_type3A_55, %cond3A_56 : i32
      scf.if %cond3A_57 {
        %dma_wait3A = arith.constant 0 : i32
        %dma_wait3A_58 = arith.constant 0 : i32
        %dma_wait3A_59 = tpu.memref_slice %arg5[%add3A_20, %dma_wait3A, %dma_wait3A_58] : memref<3125x2048x8xf32, #tpu.memory_space<hbm>> -> memref<1x2048x8xf32, #tpu.memory_space<hbm>>
        %dma_wait3A_60 = tpu.memref_squeeze %dma_wait3A_59 : memref<1x2048x8xf32, #tpu.memory_space<hbm>> -> memref<2048x8xf32, #tpu.memory_space<hbm>>
        %dma_wait3A_61 = arith.constant 0 : i32
        %dma_wait3A_62 = arith.constant 0 : i32
        %dma_wait3A_63 = tpu.memref_slice %arg5[%add3A_20, %dma_wait3A_61, %dma_wait3A_62] : memref<3125x2048x8xf32, #tpu.memory_space<hbm>> -> memref<1x2048x8xf32, #tpu.memory_space<hbm>>
        %dma_wait3A_64 = tpu.memref_squeeze %dma_wait3A_63 : memref<1x2048x8xf32, #tpu.memory_space<hbm>> -> memref<2048x8xf32, #tpu.memory_space<hbm>>
        tpu.wait_dma2 semaphore(%arg25 : memref<!tpu.dma_semaphore, #tpu.memory_space<semaphore_mem>>) src(%arg13 : memref<2048x8xf32, #tpu.memory_space<vmem>>) dst(%dma_wait3A_64 : memref<2048x8xf32, #tpu.memory_space<hbm>>)
        %dma_wait3A_65 = arith.constant 0 : i32
        %dma_wait3A_66 = arith.constant 0 : i32
        %dma_wait3A_67 = tpu.memref_slice %arg6[%add3A_20, %dma_wait3A_65, %dma_wait3A_66] : memref<3125x2048x8xf32, #tpu.memory_space<hbm>> -> memref<1x2048x8xf32, #tpu.memory_space<hbm>>
        %dma_wait3A_68 = tpu.memref_squeeze %dma_wait3A_67 : memref<1x2048x8xf32, #tpu.memory_space<hbm>> -> memref<2048x8xf32, #tpu.memory_space<hbm>>
        %dma_wait3A_69 = arith.constant 0 : i32
        %dma_wait3A_70 = arith.constant 0 : i32
        %dma_wait3A_71 = tpu.memref_slice %arg6[%add3A_20, %dma_wait3A_69, %dma_wait3A_70] : memref<3125x2048x8xf32, #tpu.memory_space<hbm>> -> memref<1x2048x8xf32, #tpu.memory_space<hbm>>
        %dma_wait3A_72 = tpu.memref_squeeze %dma_wait3A_71 : memref<1x2048x8xf32, #tpu.memory_space<hbm>> -> memref<2048x8xf32, #tpu.memory_space<hbm>>
        tpu.wait_dma2 semaphore(%arg26 : memref<!tpu.dma_semaphore, #tpu.memory_space<semaphore_mem>>) src(%arg14 : memref<2048x8xf32, #tpu.memory_space<vmem>>) dst(%dma_wait3A_72 : memref<2048x8xf32, #tpu.memory_space<hbm>>)
      } else {
      }
    }
    %scan3A_5 = arith.constant 49 : i32
    return
  }
}

module attributes {stable_mosaic.version = 14 : i64} {
  func.func @_edge_mlp_body(%arg0: i32, %arg1: memref<3200x128xf32, #tpu.memory_space<vmem>>, %arg2: memref<3200x128xf32, #tpu.memory_space<vmem>>, %arg3: memref<3200x128xf32, #tpu.memory_space<vmem>>, %arg4: memref<256x128xf32, #tpu.memory_space<vmem>>, %arg5: memref<256x128xf32, #tpu.memory_space<vmem>>, %arg6: memref<256x128xf32, #tpu.memory_space<vmem>>, %arg7: memref<256x1xf32, #tpu.memory_space<vmem>>, %arg8: memref<256x256xf32, #tpu.memory_space<vmem>>, %arg9: memref<256x1xf32, #tpu.memory_space<vmem>>, %arg10: memref<128x256xf32, #tpu.memory_space<vmem>>, %arg11: memref<128x1xf32, #tpu.memory_space<vmem>>, %arg12: memref<3200x128xf32, #tpu.memory_space<vmem>>) attributes {dimension_semantics = [#tpu.dimension_semantics<arbitrary>], iteration_bounds = array<i64: 125>, scalar_prefetch = 0 : i64, scratch_operands = 0 : i64, tpu.core_type = #tpu.core_type<tc>, window_params = [{transform_indices = @transform_0, window_bounds = array<i64: 3200, 128>}, {transform_indices = @transform_1, window_bounds = array<i64: 3200, 128>}, {transform_indices = @transform_2, window_bounds = array<i64: 3200, 128>}, {pipeline_mode = #tpu.pipeline_mode<synchronous>, transform_indices = @transform_3, window_bounds = array<i64: 256, 128>}, {pipeline_mode = #tpu.pipeline_mode<synchronous>, transform_indices = @transform_4, window_bounds = array<i64: 256, 128>}, {pipeline_mode = #tpu.pipeline_mode<synchronous>, transform_indices = @transform_5, window_bounds = array<i64: 256, 128>}, {pipeline_mode = #tpu.pipeline_mode<synchronous>, transform_indices = @transform_6, window_bounds = array<i64: 256, 1>}, {pipeline_mode = #tpu.pipeline_mode<synchronous>, transform_indices = @transform_7, window_bounds = array<i64: 256, 256>}, {pipeline_mode = #tpu.pipeline_mode<synchronous>, transform_indices = @transform_8, window_bounds = array<i64: 256, 1>}, {pipeline_mode = #tpu.pipeline_mode<synchronous>, transform_indices = @transform_9, window_bounds = array<i64: 128, 256>}, {pipeline_mode = #tpu.pipeline_mode<synchronous>, transform_indices = @transform_10, window_bounds = array<i64: 128, 1>}, {transform_indices = @transform_11, window_bounds = array<i64: 3200, 128>}]} {
    %get3A = arith.constant 0 : index
    %get3A_0 = arith.constant 0 : index
    %get3A_1 = vector.load %arg4[%get3A, %get3A_0] : memref<256x128xf32, #tpu.memory_space<vmem>>, vector<256x128xf32>
    %get3A_2 = arith.constant 0 : index
    %get3A_3 = arith.constant 0 : index
    %get3A_4 = vector.load %arg1[%get3A_2, %get3A_3] : memref<3200x128xf32, #tpu.memory_space<vmem>>, vector<3200x128xf32>
    %dot_general3A = arith.constant dense<0.000000e+00> : vector<256x3200xf32>
    %dot_general3A_5 = tpu.matmul %get3A_1, %get3A_4, %dot_general3A {dimension_numbers = #tpu.dot_dimension_numbers<[1], [1], [0], [0], [0, 0, 1, 0], [], []>, transpose_lhs_hint = false} : vector<256x128xf32>, vector<3200x128xf32>, vector<256x3200xf32> -> vector<256x3200xf32>
    %get3A_6 = arith.constant 0 : index
    %get3A_7 = arith.constant 0 : index
    %get3A_8 = vector.load %arg5[%get3A_6, %get3A_7] : memref<256x128xf32, #tpu.memory_space<vmem>>, vector<256x128xf32>
    %get3A_9 = arith.constant 0 : index
    %get3A_10 = arith.constant 0 : index
    %get3A_11 = vector.load %arg2[%get3A_9, %get3A_10] : memref<3200x128xf32, #tpu.memory_space<vmem>>, vector<3200x128xf32>
    %dot_general3A_12 = arith.constant dense<0.000000e+00> : vector<256x3200xf32>
    %dot_general3A_13 = tpu.matmul %get3A_8, %get3A_11, %dot_general3A_12 {dimension_numbers = #tpu.dot_dimension_numbers<[1], [1], [0], [0], [0, 0, 1, 0], [], []>, transpose_lhs_hint = false} : vector<256x128xf32>, vector<3200x128xf32>, vector<256x3200xf32> -> vector<256x3200xf32>
    %add3A = arith.addf %dot_general3A_5, %dot_general3A_13 : vector<256x3200xf32>
    %get3A_14 = arith.constant 0 : index
    %get3A_15 = arith.constant 0 : index
    %get3A_16 = vector.load %arg6[%get3A_14, %get3A_15] : memref<256x128xf32, #tpu.memory_space<vmem>>, vector<256x128xf32>
    %get3A_17 = arith.constant 0 : index
    %get3A_18 = arith.constant 0 : index
    %get3A_19 = vector.load %arg3[%get3A_17, %get3A_18] : memref<3200x128xf32, #tpu.memory_space<vmem>>, vector<3200x128xf32>
    %dot_general3A_20 = arith.constant dense<0.000000e+00> : vector<256x3200xf32>
    %dot_general3A_21 = tpu.matmul %get3A_16, %get3A_19, %dot_general3A_20 {dimension_numbers = #tpu.dot_dimension_numbers<[1], [1], [0], [0], [0, 0, 1, 0], [], []>, transpose_lhs_hint = false} : vector<256x128xf32>, vector<3200x128xf32>, vector<256x3200xf32> -> vector<256x3200xf32>
    %add3A_22 = arith.addf %add3A, %dot_general3A_21 : vector<256x3200xf32>
    %get3A_23 = arith.constant 0 : index
    %get3A_24 = arith.constant 0 : index
    %get3A_25 = vector.load %arg7[%get3A_23, %get3A_24] : memref<256x1xf32, #tpu.memory_space<vmem>>, vector<256x1xf32>
    %add3A_26 = vector.broadcast %get3A_25 : vector<256x1xf32> to vector<256x3200xf32>
    %add3A_27 = arith.addf %add3A_22, %add3A_26 : vector<256x3200xf32>
    %max3A = arith.constant 0.000000e+00 : f32
    %max3A_28 = vector.broadcast %max3A : f32 to vector<256x3200xf32>
    %max3A_29 = arith.maximumf %add3A_27, %max3A_28 : vector<256x3200xf32>
    %get3A_30 = arith.constant 0 : index
    %get3A_31 = arith.constant 0 : index
    %get3A_32 = vector.load %arg8[%get3A_30, %get3A_31] : memref<256x256xf32, #tpu.memory_space<vmem>>, vector<256x256xf32>
    %dot_general3A_33 = arith.constant dense<0.000000e+00> : vector<256x3200xf32>
    %dot_general3A_34 = tpu.matmul %get3A_32, %max3A_29, %dot_general3A_33 {dimension_numbers = #tpu.dot_dimension_numbers<[1], [0], [0], [1], [0, 0, 1, 1], [], []>, transpose_lhs_hint = false} : vector<256x256xf32>, vector<256x3200xf32>, vector<256x3200xf32> -> vector<256x3200xf32>
    %get3A_35 = arith.constant 0 : index
    %get3A_36 = arith.constant 0 : index
    %get3A_37 = vector.load %arg9[%get3A_35, %get3A_36] : memref<256x1xf32, #tpu.memory_space<vmem>>, vector<256x1xf32>
    %add3A_38 = vector.broadcast %get3A_37 : vector<256x1xf32> to vector<256x3200xf32>
    %add3A_39 = arith.addf %dot_general3A_34, %add3A_38 : vector<256x3200xf32>
    %max3A_40 = arith.constant 0.000000e+00 : f32
    %max3A_41 = vector.broadcast %max3A_40 : f32 to vector<256x3200xf32>
    %max3A_42 = arith.maximumf %add3A_39, %max3A_41 : vector<256x3200xf32>
    %get3A_43 = arith.constant 0 : index
    %get3A_44 = arith.constant 0 : index
    %get3A_45 = vector.load %arg10[%get3A_43, %get3A_44] : memref<128x256xf32, #tpu.memory_space<vmem>>, vector<128x256xf32>
    %dot_general3A_46 = arith.constant dense<0.000000e+00> : vector<128x3200xf32>
    %dot_general3A_47 = tpu.matmul %get3A_45, %max3A_42, %dot_general3A_46 {dimension_numbers = #tpu.dot_dimension_numbers<[1], [0], [0], [1], [0, 0, 1, 1], [], []>, transpose_lhs_hint = false} : vector<128x256xf32>, vector<256x3200xf32>, vector<128x3200xf32> -> vector<128x3200xf32>
    %get3A_48 = arith.constant 0 : index
    %get3A_49 = arith.constant 0 : index
    %get3A_50 = vector.load %arg11[%get3A_48, %get3A_49] : memref<128x1xf32, #tpu.memory_space<vmem>>, vector<128x1xf32>
    %add3A_51 = vector.broadcast %get3A_50 : vector<128x1xf32> to vector<128x3200xf32>
    %add3A_52 = arith.addf %dot_general3A_47, %add3A_51 : vector<128x3200xf32>
    %transpose3A = tpu.transpose %add3A_52, [1, 0] : vector<128x3200xf32> -> vector<3200x128xf32>
    %swap3A = arith.constant 0 : index
    %swap3A_53 = arith.constant 0 : index
    %swap3A_54 = vector.load %arg12[%swap3A, %swap3A_53] : memref<3200x128xf32, #tpu.memory_space<vmem>>, vector<3200x128xf32>
    tpu.vector_store %arg12[%swap3A, %swap3A_53], %transpose3A {strides = array<i32>} : memref<3200x128xf32, #tpu.memory_space<vmem>>, vector<3200x128xf32>,
    return
  }
  func.func @transform_0(%arg0: i32) -> (i32, i32) {
    %c0_i32 = arith.constant 0 : i32
    %c0_i32_0 = arith.constant 0 : i32
    return %arg0, %c0_i32 : i32, i32
  }
  func.func @transform_1(%arg0: i32) -> (i32, i32) {
    %c0_i32 = arith.constant 0 : i32
    %c0_i32_0 = arith.constant 0 : i32
    return %arg0, %c0_i32 : i32, i32
  }
  func.func @transform_2(%arg0: i32) -> (i32, i32) {
    %c0_i32 = arith.constant 0 : i32
    %c0_i32_0 = arith.constant 0 : i32
    return %arg0, %c0_i32 : i32, i32
  }
  func.func @transform_3(%arg0: i32) -> (i32, i32) {
    %c0_i32 = arith.constant 0 : i32
    %c0_i32_0 = arith.constant 0 : i32
    %c0_i32_1 = arith.constant 0 : i32
    return %c0_i32, %c0_i32_0 : i32, i32
  }
  func.func @transform_4(%arg0: i32) -> (i32, i32) {
    %c0_i32 = arith.constant 0 : i32
    %c0_i32_0 = arith.constant 0 : i32
    %c0_i32_1 = arith.constant 0 : i32
    return %c0_i32, %c0_i32_0 : i32, i32
  }
  func.func @transform_5(%arg0: i32) -> (i32, i32) {
    %c0_i32 = arith.constant 0 : i32
    %c0_i32_0 = arith.constant 0 : i32
    %c0_i32_1 = arith.constant 0 : i32
    return %c0_i32, %c0_i32_0 : i32, i32
  }
  func.func @transform_6(%arg0: i32) -> (i32, i32) {
    %c0_i32 = arith.constant 0 : i32
    %c0_i32_0 = arith.constant 0 : i32
    %c0_i32_1 = arith.constant 0 : i32
    return %c0_i32, %c0_i32_0 : i32, i32
  }
  func.func @transform_7(%arg0: i32) -> (i32, i32) {
    %c0_i32 = arith.constant 0 : i32
    %c0_i32_0 = arith.constant 0 : i32
    %c0_i32_1 = arith.constant 0 : i32
    return %c0_i32, %c0_i32_0 : i32, i32
  }
  func.func @transform_8(%arg0: i32) -> (i32, i32) {
    %c0_i32 = arith.constant 0 : i32
    %c0_i32_0 = arith.constant 0 : i32
    %c0_i32_1 = arith.constant 0 : i32
    return %c0_i32, %c0_i32_0 : i32, i32
  }
  func.func @transform_9(%arg0: i32) -> (i32, i32) {
    %c0_i32 = arith.constant 0 : i32
    %c0_i32_0 = arith.constant 0 : i32
    %c0_i32_1 = arith.constant 0 : i32
    return %c0_i32, %c0_i32_0 : i32, i32
  }
  func.func @transform_10(%arg0: i32) -> (i32, i32) {
    %c0_i32 = arith.constant 0 : i32
    %c0_i32_0 = arith.constant 0 : i32
    %c0_i32_1 = arith.constant 0 : i32
    return %c0_i32, %c0_i32_0 : i32, i32
  }
  func.func @transform_11(%arg0: i32) -> (i32, i32) {
    %c0_i32 = arith.constant 0 : i32
    %c0_i32_0 = arith.constant 0 : i32
    return %arg0, %c0_i32 : i32, i32
  }
}

module attributes {stable_mosaic.version = 14 : i64} {
  func.func @_node_mlp_body(%arg0: i32, %arg1: memref<6272x8xf32, #tpu.memory_space<vmem>>, %arg2: memref<6272x8xf32, #tpu.memory_space<vmem>>, %arg3: memref<6272x8xf32, #tpu.memory_space<vmem>>, %arg4: memref<3x16xf32, #tpu.memory_space<vmem>>, %arg5: memref<5x16xf32, #tpu.memory_space<vmem>>, %arg6: memref<1x16xf32, #tpu.memory_space<vmem>>, %arg7: memref<16x16xf32, #tpu.memory_space<vmem>>, %arg8: memref<1x16xf32, #tpu.memory_space<vmem>>, %arg9: memref<16x5xf32, #tpu.memory_space<vmem>>, %arg10: memref<1x5xf32, #tpu.memory_space<vmem>>, %arg11: memref<6272x8xf32, #tpu.memory_space<vmem>>) attributes {dimension_semantics = [#tpu.dimension_semantics<arbitrary>], iteration_bounds = array<i64: 16>, scalar_prefetch = 0 : i64, scratch_operands = 0 : i64, tpu.core_type = #tpu.core_type<tc>, window_params = [{transform_indices = @transform_0, window_bounds = array<i64: 6272, 8>}, {transform_indices = @transform_1, window_bounds = array<i64: 6272, 8>}, {transform_indices = @transform_2, window_bounds = array<i64: 6272, 8>}, {pipeline_mode = #tpu.pipeline_mode<synchronous>, transform_indices = @transform_3, window_bounds = array<i64: 3, 16>}, {pipeline_mode = #tpu.pipeline_mode<synchronous>, transform_indices = @transform_4, window_bounds = array<i64: 5, 16>}, {pipeline_mode = #tpu.pipeline_mode<synchronous>, transform_indices = @transform_5, window_bounds = array<i64: 1, 16>}, {pipeline_mode = #tpu.pipeline_mode<synchronous>, transform_indices = @transform_6, window_bounds = array<i64: 16, 16>}, {pipeline_mode = #tpu.pipeline_mode<synchronous>, transform_indices = @transform_7, window_bounds = array<i64: 1, 16>}, {pipeline_mode = #tpu.pipeline_mode<synchronous>, transform_indices = @transform_8, window_bounds = array<i64: 16, 5>}, {pipeline_mode = #tpu.pipeline_mode<synchronous>, transform_indices = @transform_9, window_bounds = array<i64: 1, 5>}, {transform_indices = @transform_10, window_bounds = array<i64: 6272, 8>}]} {
    %get3A = arith.constant 0 : index
    %get3A_0 = arith.constant 0 : index
    %get3A_1 = vector.load %arg1[%get3A, %get3A_0] : memref<6272x8xf32, #tpu.memory_space<vmem>>, vector<6272x8xf32>
    %slice3A = vector.extract_strided_slice %get3A_1 {offsets = [0, 0], sizes = [6272, 3], strides = [1, 1]} : vector<6272x8xf32> to vector<6272x3xf32>
    %get3A_2 = arith.constant 0 : index
    %get3A_3 = arith.constant 0 : index
    %get3A_4 = vector.load %arg2[%get3A_2, %get3A_3] : memref<6272x8xf32, #tpu.memory_space<vmem>>, vector<6272x8xf32>
    %get3A_5 = arith.constant 0 : index
    %get3A_6 = arith.constant 0 : index
    %get3A_7 = vector.load %arg3[%get3A_5, %get3A_6] : memref<6272x8xf32, #tpu.memory_space<vmem>>, vector<6272x8xf32>
    %add3A = arith.addf %get3A_4, %get3A_7 : vector<6272x8xf32>
    %slice3A_8 = vector.extract_strided_slice %add3A {offsets = [0, 0], sizes = [6272, 5], strides = [1, 1]} : vector<6272x8xf32> to vector<6272x5xf32>
    %get3A_9 = arith.constant 0 : index
    %get3A_10 = arith.constant 0 : index
    %get3A_11 = vector.load %arg4[%get3A_9, %get3A_10] : memref<3x16xf32, #tpu.memory_space<vmem>>, vector<3x16xf32>
    %dot_general3A = arith.constant dense<0.000000e+00> : vector<6272x16xf32>
    %dot_general3A_12 = tpu.matmul %slice3A, %get3A_11, %dot_general3A {dimension_numbers = #tpu.dot_dimension_numbers<[1], [0], [0], [1], [0, 0, 1, 1], [], []>, transpose_lhs_hint = false} : vector<6272x3xf32>, vector<3x16xf32>, vector<6272x16xf32> -> vector<6272x16xf32>
    %get3A_13 = arith.constant 0 : index
    %get3A_14 = arith.constant 0 : index
    %get3A_15 = vector.load %arg5[%get3A_13, %get3A_14] : memref<5x16xf32, #tpu.memory_space<vmem>>, vector<5x16xf32>
    %dot_general3A_16 = arith.constant dense<0.000000e+00> : vector<6272x16xf32>
    %dot_general3A_17 = tpu.matmul %slice3A_8, %get3A_15, %dot_general3A_16 {dimension_numbers = #tpu.dot_dimension_numbers<[1], [0], [0], [1], [0, 0, 1, 1], [], []>, transpose_lhs_hint = false} : vector<6272x5xf32>, vector<5x16xf32>, vector<6272x16xf32> -> vector<6272x16xf32>
    %add3A_18 = arith.addf %dot_general3A_12, %dot_general3A_17 : vector<6272x16xf32>
    %get3A_19 = arith.constant 0 : index
    %get3A_20 = arith.constant 0 : index
    %get3A_21 = vector.load %arg6[%get3A_19, %get3A_20] : memref<1x16xf32, #tpu.memory_space<vmem>>, vector<1x16xf32>
    %add3A_22 = vector.broadcast %get3A_21 : vector<1x16xf32> to vector<6272x16xf32>
    %add3A_23 = arith.addf %add3A_18, %add3A_22 : vector<6272x16xf32>
    %max3A = arith.constant 0.000000e+00 : f32
    %max3A_24 = vector.broadcast %max3A : f32 to vector<6272x16xf32>
    %max3A_25 = arith.maximumf %add3A_23, %max3A_24 : vector<6272x16xf32>
    %get3A_26 = arith.constant 0 : index
    %get3A_27 = arith.constant 0 : index
    %get3A_28 = vector.load %arg7[%get3A_26, %get3A_27] : memref<16x16xf32, #tpu.memory_space<vmem>>, vector<16x16xf32>
    %dot_general3A_29 = arith.constant dense<0.000000e+00> : vector<6272x16xf32>
    %dot_general3A_30 = tpu.matmul %max3A_25, %get3A_28, %dot_general3A_29 {dimension_numbers = #tpu.dot_dimension_numbers<[1], [0], [0], [1], [0, 0, 1, 1], [], []>, transpose_lhs_hint = false} : vector<6272x16xf32>, vector<16x16xf32>, vector<6272x16xf32> -> vector<6272x16xf32>
    %get3A_31 = arith.constant 0 : index
    %get3A_32 = arith.constant 0 : index
    %get3A_33 = vector.load %arg8[%get3A_31, %get3A_32] : memref<1x16xf32, #tpu.memory_space<vmem>>, vector<1x16xf32>
    %add3A_34 = vector.broadcast %get3A_33 : vector<1x16xf32> to vector<6272x16xf32>
    %add3A_35 = arith.addf %dot_general3A_30, %add3A_34 : vector<6272x16xf32>
    %max3A_36 = arith.constant 0.000000e+00 : f32
    %max3A_37 = vector.broadcast %max3A_36 : f32 to vector<6272x16xf32>
    %max3A_38 = arith.maximumf %add3A_35, %max3A_37 : vector<6272x16xf32>
    %get3A_39 = arith.constant 0 : index
    %get3A_40 = arith.constant 0 : index
    %get3A_41 = vector.load %arg9[%get3A_39, %get3A_40] : memref<16x5xf32, #tpu.memory_space<vmem>>, vector<16x5xf32>
    %dot_general3A_42 = arith.constant dense<0.000000e+00> : vector<6272x5xf32>
    %dot_general3A_43 = tpu.matmul %max3A_38, %get3A_41, %dot_general3A_42 {dimension_numbers = #tpu.dot_dimension_numbers<[1], [0], [0], [1], [0, 0, 1, 1], [], []>, transpose_lhs_hint = false} : vector<6272x16xf32>, vector<16x5xf32>, vector<6272x5xf32> -> vector<6272x5xf32>
    %get3A_44 = arith.constant 0 : index
    %get3A_45 = arith.constant 0 : index
    %get3A_46 = vector.load %arg10[%get3A_44, %get3A_45] : memref<1x5xf32, #tpu.memory_space<vmem>>, vector<1x5xf32>
    %add3A_47 = vector.broadcast %get3A_46 : vector<1x5xf32> to vector<6272x5xf32>
    %add3A_48 = arith.addf %dot_general3A_43, %add3A_47 : vector<6272x5xf32>
    %broadcast_in_dim3A = arith.constant 0.000000e+00 : f32
    %broadcast_in_dim3A_49 = vector.broadcast %broadcast_in_dim3A : f32 to vector<6272x3xf32>
    %concatenate3A = tpu.concatenate %add3A_48, %broadcast_in_dim3A_49 in 1 : vector<6272x5xf32>, vector<6272x3xf32> -> vector<6272x8xf32>
    %swap3A = arith.constant 0 : index
    %swap3A_50 = arith.constant 0 : index
    %swap3A_51 = vector.load %arg11[%swap3A, %swap3A_50] : memref<6272x8xf32, #tpu.memory_space<vmem>>, vector<6272x8xf32>
    tpu.vector_store %arg11[%swap3A, %swap3A_50], %concatenate3A {strides = array<i32>} : memref<6272x8xf32, #tpu.memory_space<vmem>>, vector<6272x8xf32>,
    return
  }
  func.func @transform_0(%arg0: i32) -> (i32, i32) {
    %c0_i32 = arith.constant 0 : i32
    %c0_i32_0 = arith.constant 0 : i32
    return %arg0, %c0_i32 : i32, i32
  }
  func.func @transform_1(%arg0: i32) -> (i32, i32) {
    %c0_i32 = arith.constant 0 : i32
    %c0_i32_0 = arith.constant 0 : i32
    return %arg0, %c0_i32 : i32, i32
  }
  func.func @transform_2(%arg0: i32) -> (i32, i32) {
    %c0_i32 = arith.constant 0 : i32
    %c0_i32_0 = arith.constant 0 : i32
    return %arg0, %c0_i32 : i32, i32
  }
  func.func @transform_3(%arg0: i32) -> (i32, i32) {
    %c0_i32 = arith.constant 0 : i32
    %c0_i32_0 = arith.constant 0 : i32
    %c0_i32_1 = arith.constant 0 : i32
    return %c0_i32, %c0_i32_0 : i32, i32
  }
  func.func @transform_4(%arg0: i32) -> (i32, i32) {
    %c0_i32 = arith.constant 0 : i32
    %c0_i32_0 = arith.constant 0 : i32
    %c0_i32_1 = arith.constant 0 : i32
    return %c0_i32, %c0_i32_0 : i32, i32
  }
  func.func @transform_5(%arg0: i32) -> (i32, i32) {
    %c0_i32 = arith.constant 0 : i32
    %c0_i32_0 = arith.constant 0 : i32
    %c0_i32_1 = arith.constant 0 : i32
    return %c0_i32, %c0_i32_0 : i32, i32
  }
  func.func @transform_6(%arg0: i32) -> (i32, i32) {
    %c0_i32 = arith.constant 0 : i32
    %c0_i32_0 = arith.constant 0 : i32
    %c0_i32_1 = arith.constant 0 : i32
    return %c0_i32, %c0_i32_0 : i32, i32
  }
  func.func @transform_7(%arg0: i32) -> (i32, i32) {
    %c0_i32 = arith.constant 0 : i32
    %c0_i32_0 = arith.constant 0 : i32
    %c0_i32_1 = arith.constant 0 : i32
    return %c0_i32, %c0_i32_0 : i32, i32
  }
  func.func @transform_8(%arg0: i32) -> (i32, i32) {
    %c0_i32 = arith.constant 0 : i32
    %c0_i32_0 = arith.constant 0 : i32
    %c0_i32_1 = arith.constant 0 : i32
    return %c0_i32, %c0_i32_0 : i32, i32
  }
  func.func @transform_9(%arg0: i32) -> (i32, i32) {
    %c0_i32 = arith.constant 0 : i32
    %c0_i32_0 = arith.constant 0 : i32
    %c0_i32_1 = arith.constant 0 : i32
    return %c0_i32, %c0_i32_0 : i32, i32
  }
  func.func @transform_10(%arg0: i32) -> (i32, i32) {
    %c0_i32 = arith.constant 0 : i32
    %c0_i32_0 = arith.constant 0 : i32
    return %arg0, %c0_i32 : i32, i32
  }
}

module attributes {stable_mosaic.version = 14 : i64} {
  func.func @_node_mlp_body(%arg0: i32, %arg1: memref<6272x8xf32, #tpu.memory_space<vmem>>, %arg2: memref<6272x8xf32, #tpu.memory_space<vmem>>, %arg3: memref<6272x8xf32, #tpu.memory_space<vmem>>, %arg4: memref<5x16xf32, #tpu.memory_space<vmem>>, %arg5: memref<7x16xf32, #tpu.memory_space<vmem>>, %arg6: memref<1x16xf32, #tpu.memory_space<vmem>>, %arg7: memref<16x16xf32, #tpu.memory_space<vmem>>, %arg8: memref<1x16xf32, #tpu.memory_space<vmem>>, %arg9: memref<16x7xf32, #tpu.memory_space<vmem>>, %arg10: memref<1x7xf32, #tpu.memory_space<vmem>>, %arg11: memref<6272x8xf32, #tpu.memory_space<vmem>>) attributes {dimension_semantics = [#tpu.dimension_semantics<arbitrary>], iteration_bounds = array<i64: 16>, scalar_prefetch = 0 : i64, scratch_operands = 0 : i64, tpu.core_type = #tpu.core_type<tc>, window_params = [{transform_indices = @transform_0, window_bounds = array<i64: 6272, 8>}, {transform_indices = @transform_1, window_bounds = array<i64: 6272, 8>}, {transform_indices = @transform_2, window_bounds = array<i64: 6272, 8>}, {pipeline_mode = #tpu.pipeline_mode<synchronous>, transform_indices = @transform_3, window_bounds = array<i64: 5, 16>}, {pipeline_mode = #tpu.pipeline_mode<synchronous>, transform_indices = @transform_4, window_bounds = array<i64: 7, 16>}, {pipeline_mode = #tpu.pipeline_mode<synchronous>, transform_indices = @transform_5, window_bounds = array<i64: 1, 16>}, {pipeline_mode = #tpu.pipeline_mode<synchronous>, transform_indices = @transform_6, window_bounds = array<i64: 16, 16>}, {pipeline_mode = #tpu.pipeline_mode<synchronous>, transform_indices = @transform_7, window_bounds = array<i64: 1, 16>}, {pipeline_mode = #tpu.pipeline_mode<synchronous>, transform_indices = @transform_8, window_bounds = array<i64: 16, 7>}, {pipeline_mode = #tpu.pipeline_mode<synchronous>, transform_indices = @transform_9, window_bounds = array<i64: 1, 7>}, {transform_indices = @transform_10, window_bounds = array<i64: 6272, 8>}]} {
    %get3A = arith.constant 0 : index
    %get3A_0 = arith.constant 0 : index
    %get3A_1 = vector.load %arg1[%get3A, %get3A_0] : memref<6272x8xf32, #tpu.memory_space<vmem>>, vector<6272x8xf32>
    %slice3A = vector.extract_strided_slice %get3A_1 {offsets = [0, 0], sizes = [6272, 5], strides = [1, 1]} : vector<6272x8xf32> to vector<6272x5xf32>
    %get3A_2 = arith.constant 0 : index
    %get3A_3 = arith.constant 0 : index
    %get3A_4 = vector.load %arg2[%get3A_2, %get3A_3] : memref<6272x8xf32, #tpu.memory_space<vmem>>, vector<6272x8xf32>
    %get3A_5 = arith.constant 0 : index
    %get3A_6 = arith.constant 0 : index
    %get3A_7 = vector.load %arg3[%get3A_5, %get3A_6] : memref<6272x8xf32, #tpu.memory_space<vmem>>, vector<6272x8xf32>
    %add3A = arith.addf %get3A_4, %get3A_7 : vector<6272x8xf32>
    %slice3A_8 = vector.extract_strided_slice %add3A {offsets = [0, 0], sizes = [6272, 7], strides = [1, 1]} : vector<6272x8xf32> to vector<6272x7xf32>
    %get3A_9 = arith.constant 0 : index
    %get3A_10 = arith.constant 0 : index
    %get3A_11 = vector.load %arg4[%get3A_9, %get3A_10] : memref<5x16xf32, #tpu.memory_space<vmem>>, vector<5x16xf32>
    %dot_general3A = arith.constant dense<0.000000e+00> : vector<6272x16xf32>
    %dot_general3A_12 = tpu.matmul %slice3A, %get3A_11, %dot_general3A {dimension_numbers = #tpu.dot_dimension_numbers<[1], [0], [0], [1], [0, 0, 1, 1], [], []>, transpose_lhs_hint = false} : vector<6272x5xf32>, vector<5x16xf32>, vector<6272x16xf32> -> vector<6272x16xf32>
    %get3A_13 = arith.constant 0 : index
    %get3A_14 = arith.constant 0 : index
    %get3A_15 = vector.load %arg5[%get3A_13, %get3A_14] : memref<7x16xf32, #tpu.memory_space<vmem>>, vector<7x16xf32>
    %dot_general3A_16 = arith.constant dense<0.000000e+00> : vector<6272x16xf32>
    %dot_general3A_17 = tpu.matmul %slice3A_8, %get3A_15, %dot_general3A_16 {dimension_numbers = #tpu.dot_dimension_numbers<[1], [0], [0], [1], [0, 0, 1, 1], [], []>, transpose_lhs_hint = false} : vector<6272x7xf32>, vector<7x16xf32>, vector<6272x16xf32> -> vector<6272x16xf32>
    %add3A_18 = arith.addf %dot_general3A_12, %dot_general3A_17 : vector<6272x16xf32>
    %get3A_19 = arith.constant 0 : index
    %get3A_20 = arith.constant 0 : index
    %get3A_21 = vector.load %arg6[%get3A_19, %get3A_20] : memref<1x16xf32, #tpu.memory_space<vmem>>, vector<1x16xf32>
    %add3A_22 = vector.broadcast %get3A_21 : vector<1x16xf32> to vector<6272x16xf32>
    %add3A_23 = arith.addf %add3A_18, %add3A_22 : vector<6272x16xf32>
    %max3A = arith.constant 0.000000e+00 : f32
    %max3A_24 = vector.broadcast %max3A : f32 to vector<6272x16xf32>
    %max3A_25 = arith.maximumf %add3A_23, %max3A_24 : vector<6272x16xf32>
    %get3A_26 = arith.constant 0 : index
    %get3A_27 = arith.constant 0 : index
    %get3A_28 = vector.load %arg7[%get3A_26, %get3A_27] : memref<16x16xf32, #tpu.memory_space<vmem>>, vector<16x16xf32>
    %dot_general3A_29 = arith.constant dense<0.000000e+00> : vector<6272x16xf32>
    %dot_general3A_30 = tpu.matmul %max3A_25, %get3A_28, %dot_general3A_29 {dimension_numbers = #tpu.dot_dimension_numbers<[1], [0], [0], [1], [0, 0, 1, 1], [], []>, transpose_lhs_hint = false} : vector<6272x16xf32>, vector<16x16xf32>, vector<6272x16xf32> -> vector<6272x16xf32>
    %get3A_31 = arith.constant 0 : index
    %get3A_32 = arith.constant 0 : index
    %get3A_33 = vector.load %arg8[%get3A_31, %get3A_32] : memref<1x16xf32, #tpu.memory_space<vmem>>, vector<1x16xf32>
    %add3A_34 = vector.broadcast %get3A_33 : vector<1x16xf32> to vector<6272x16xf32>
    %add3A_35 = arith.addf %dot_general3A_30, %add3A_34 : vector<6272x16xf32>
    %max3A_36 = arith.constant 0.000000e+00 : f32
    %max3A_37 = vector.broadcast %max3A_36 : f32 to vector<6272x16xf32>
    %max3A_38 = arith.maximumf %add3A_35, %max3A_37 : vector<6272x16xf32>
    %get3A_39 = arith.constant 0 : index
    %get3A_40 = arith.constant 0 : index
    %get3A_41 = vector.load %arg9[%get3A_39, %get3A_40] : memref<16x7xf32, #tpu.memory_space<vmem>>, vector<16x7xf32>
    %dot_general3A_42 = arith.constant dense<0.000000e+00> : vector<6272x7xf32>
    %dot_general3A_43 = tpu.matmul %max3A_38, %get3A_41, %dot_general3A_42 {dimension_numbers = #tpu.dot_dimension_numbers<[1], [0], [0], [1], [0, 0, 1, 1], [], []>, transpose_lhs_hint = false} : vector<6272x16xf32>, vector<16x7xf32>, vector<6272x7xf32> -> vector<6272x7xf32>
    %get3A_44 = arith.constant 0 : index
    %get3A_45 = arith.constant 0 : index
    %get3A_46 = vector.load %arg10[%get3A_44, %get3A_45] : memref<1x7xf32, #tpu.memory_space<vmem>>, vector<1x7xf32>
    %add3A_47 = vector.broadcast %get3A_46 : vector<1x7xf32> to vector<6272x7xf32>
    %add3A_48 = arith.addf %dot_general3A_43, %add3A_47 : vector<6272x7xf32>
    %broadcast_in_dim3A = arith.constant 0.000000e+00 : f32
    %broadcast_in_dim3A_49 = vector.broadcast %broadcast_in_dim3A : f32 to vector<6272x1xf32>
    %concatenate3A = tpu.concatenate %add3A_48, %broadcast_in_dim3A_49 in 1 : vector<6272x7xf32>, vector<6272x1xf32> -> vector<6272x8xf32>
    %swap3A = arith.constant 0 : index
    %swap3A_50 = arith.constant 0 : index
    %swap3A_51 = vector.load %arg11[%swap3A, %swap3A_50] : memref<6272x8xf32, #tpu.memory_space<vmem>>, vector<6272x8xf32>
    tpu.vector_store %arg11[%swap3A, %swap3A_50], %concatenate3A {strides = array<i32>} : memref<6272x8xf32, #tpu.memory_space<vmem>>, vector<6272x8xf32>,
    return
  }
  func.func @transform_0(%arg0: i32) -> (i32, i32) {
    %c0_i32 = arith.constant 0 : i32
    %c0_i32_0 = arith.constant 0 : i32
    return %arg0, %c0_i32 : i32, i32
  }
  func.func @transform_1(%arg0: i32) -> (i32, i32) {
    %c0_i32 = arith.constant 0 : i32
    %c0_i32_0 = arith.constant 0 : i32
    return %arg0, %c0_i32 : i32, i32
  }
  func.func @transform_2(%arg0: i32) -> (i32, i32) {
    %c0_i32 = arith.constant 0 : i32
    %c0_i32_0 = arith.constant 0 : i32
    return %arg0, %c0_i32 : i32, i32
  }
  func.func @transform_3(%arg0: i32) -> (i32, i32) {
    %c0_i32 = arith.constant 0 : i32
    %c0_i32_0 = arith.constant 0 : i32
    %c0_i32_1 = arith.constant 0 : i32
    return %c0_i32, %c0_i32_0 : i32, i32
  }
  func.func @transform_4(%arg0: i32) -> (i32, i32) {
    %c0_i32 = arith.constant 0 : i32
    %c0_i32_0 = arith.constant 0 : i32
    %c0_i32_1 = arith.constant 0 : i32
    return %c0_i32, %c0_i32_0 : i32, i32
  }
  func.func @transform_5(%arg0: i32) -> (i32, i32) {
    %c0_i32 = arith.constant 0 : i32
    %c0_i32_0 = arith.constant 0 : i32
    %c0_i32_1 = arith.constant 0 : i32
    return %c0_i32, %c0_i32_0 : i32, i32
  }
  func.func @transform_6(%arg0: i32) -> (i32, i32) {
    %c0_i32 = arith.constant 0 : i32
    %c0_i32_0 = arith.constant 0 : i32
    %c0_i32_1 = arith.constant 0 : i32
    return %c0_i32, %c0_i32_0 : i32, i32
  }
  func.func @transform_7(%arg0: i32) -> (i32, i32) {
    %c0_i32 = arith.constant 0 : i32
    %c0_i32_0 = arith.constant 0 : i32
    %c0_i32_1 = arith.constant 0 : i32
    return %c0_i32, %c0_i32_0 : i32, i32
  }
  func.func @transform_8(%arg0: i32) -> (i32, i32) {
    %c0_i32 = arith.constant 0 : i32
    %c0_i32_0 = arith.constant 0 : i32
    %c0_i32_1 = arith.constant 0 : i32
    return %c0_i32, %c0_i32_0 : i32, i32
  }
  func.func @transform_9(%arg0: i32) -> (i32, i32) {
    %c0_i32 = arith.constant 0 : i32
    %c0_i32_0 = arith.constant 0 : i32
    %c0_i32_1 = arith.constant 0 : i32
    return %c0_i32, %c0_i32_0 : i32, i32
  }
  func.func @transform_10(%arg0: i32) -> (i32, i32) {
    %c0_i32 = arith.constant 0 : i32
    %c0_i32_0 = arith.constant 0 : i32
    return %arg0, %c0_i32 : i32, i32
  }
}

module attributes {stable_mosaic.version = 14 : i64} {
  func.func @_edge_mlp_body(%arg0: i32, %arg1: memref<3200x128xf32, #tpu.memory_space<vmem>>, %arg2: memref<3200x128xf32, #tpu.memory_space<vmem>>, %arg3: memref<3200x128xf32, #tpu.memory_space<vmem>>, %arg4: memref<256x128xf32, #tpu.memory_space<vmem>>, %arg5: memref<256x128xf32, #tpu.memory_space<vmem>>, %arg6: memref<256x128xf32, #tpu.memory_space<vmem>>, %arg7: memref<256x1xf32, #tpu.memory_space<vmem>>, %arg8: memref<256x256xf32, #tpu.memory_space<vmem>>, %arg9: memref<256x1xf32, #tpu.memory_space<vmem>>, %arg10: memref<16x256xf32, #tpu.memory_space<vmem>>, %arg11: memref<16x1xf32, #tpu.memory_space<vmem>>, %arg12: memref<16x3200xf32, #tpu.memory_space<vmem>>) attributes {dimension_semantics = [#tpu.dimension_semantics<arbitrary>], iteration_bounds = array<i64: 125>, scalar_prefetch = 0 : i64, scratch_operands = 0 : i64, tpu.core_type = #tpu.core_type<tc>, window_params = [{transform_indices = @transform_0, window_bounds = array<i64: 3200, 128>}, {transform_indices = @transform_1, window_bounds = array<i64: 3200, 128>}, {transform_indices = @transform_2, window_bounds = array<i64: 3200, 128>}, {pipeline_mode = #tpu.pipeline_mode<synchronous>, transform_indices = @transform_3, window_bounds = array<i64: 256, 128>}, {pipeline_mode = #tpu.pipeline_mode<synchronous>, transform_indices = @transform_4, window_bounds = array<i64: 256, 128>}, {pipeline_mode = #tpu.pipeline_mode<synchronous>, transform_indices = @transform_5, window_bounds = array<i64: 256, 128>}, {pipeline_mode = #tpu.pipeline_mode<synchronous>, transform_indices = @transform_6, window_bounds = array<i64: 256, 1>}, {pipeline_mode = #tpu.pipeline_mode<synchronous>, transform_indices = @transform_7, window_bounds = array<i64: 256, 256>}, {pipeline_mode = #tpu.pipeline_mode<synchronous>, transform_indices = @transform_8, window_bounds = array<i64: 256, 1>}, {pipeline_mode = #tpu.pipeline_mode<synchronous>, transform_indices = @transform_9, window_bounds = array<i64: 16, 256>}, {pipeline_mode = #tpu.pipeline_mode<synchronous>, transform_indices = @transform_10, window_bounds = array<i64: 16, 1>}, {transform_indices = @transform_11, window_bounds = array<i64: 16, 3200>}]} {
    %get3A = arith.constant 0 : index
    %get3A_0 = arith.constant 0 : index
    %get3A_1 = vector.load %arg4[%get3A, %get3A_0] : memref<256x128xf32, #tpu.memory_space<vmem>>, vector<256x128xf32>
    %get3A_2 = arith.constant 0 : index
    %get3A_3 = arith.constant 0 : index
    %get3A_4 = vector.load %arg1[%get3A_2, %get3A_3] : memref<3200x128xf32, #tpu.memory_space<vmem>>, vector<3200x128xf32>
    %dot_general3A = arith.constant dense<0.000000e+00> : vector<256x3200xf32>
    %dot_general3A_5 = tpu.matmul %get3A_1, %get3A_4, %dot_general3A {dimension_numbers = #tpu.dot_dimension_numbers<[1], [1], [0], [0], [0, 0, 1, 0], [], []>, transpose_lhs_hint = false} : vector<256x128xf32>, vector<3200x128xf32>, vector<256x3200xf32> -> vector<256x3200xf32>
    %get3A_6 = arith.constant 0 : index
    %get3A_7 = arith.constant 0 : index
    %get3A_8 = vector.load %arg5[%get3A_6, %get3A_7] : memref<256x128xf32, #tpu.memory_space<vmem>>, vector<256x128xf32>
    %get3A_9 = arith.constant 0 : index
    %get3A_10 = arith.constant 0 : index
    %get3A_11 = vector.load %arg2[%get3A_9, %get3A_10] : memref<3200x128xf32, #tpu.memory_space<vmem>>, vector<3200x128xf32>
    %dot_general3A_12 = arith.constant dense<0.000000e+00> : vector<256x3200xf32>
    %dot_general3A_13 = tpu.matmul %get3A_8, %get3A_11, %dot_general3A_12 {dimension_numbers = #tpu.dot_dimension_numbers<[1], [1], [0], [0], [0, 0, 1, 0], [], []>, transpose_lhs_hint = false} : vector<256x128xf32>, vector<3200x128xf32>, vector<256x3200xf32> -> vector<256x3200xf32>
    %add3A = arith.addf %dot_general3A_5, %dot_general3A_13 : vector<256x3200xf32>
    %get3A_14 = arith.constant 0 : index
    %get3A_15 = arith.constant 0 : index
    %get3A_16 = vector.load %arg6[%get3A_14, %get3A_15] : memref<256x128xf32, #tpu.memory_space<vmem>>, vector<256x128xf32>
    %get3A_17 = arith.constant 0 : index
    %get3A_18 = arith.constant 0 : index
    %get3A_19 = vector.load %arg3[%get3A_17, %get3A_18] : memref<3200x128xf32, #tpu.memory_space<vmem>>, vector<3200x128xf32>
    %dot_general3A_20 = arith.constant dense<0.000000e+00> : vector<256x3200xf32>
    %dot_general3A_21 = tpu.matmul %get3A_16, %get3A_19, %dot_general3A_20 {dimension_numbers = #tpu.dot_dimension_numbers<[1], [1], [0], [0], [0, 0, 1, 0], [], []>, transpose_lhs_hint = false} : vector<256x128xf32>, vector<3200x128xf32>, vector<256x3200xf32> -> vector<256x3200xf32>
    %add3A_22 = arith.addf %add3A, %dot_general3A_21 : vector<256x3200xf32>
    %get3A_23 = arith.constant 0 : index
    %get3A_24 = arith.constant 0 : index
    %get3A_25 = vector.load %arg7[%get3A_23, %get3A_24] : memref<256x1xf32, #tpu.memory_space<vmem>>, vector<256x1xf32>
    %add3A_26 = vector.broadcast %get3A_25 : vector<256x1xf32> to vector<256x3200xf32>
    %add3A_27 = arith.addf %add3A_22, %add3A_26 : vector<256x3200xf32>
    %max3A = arith.constant 0.000000e+00 : f32
    %max3A_28 = vector.broadcast %max3A : f32 to vector<256x3200xf32>
    %max3A_29 = arith.maximumf %add3A_27, %max3A_28 : vector<256x3200xf32>
    %get3A_30 = arith.constant 0 : index
    %get3A_31 = arith.constant 0 : index
    %get3A_32 = vector.load %arg8[%get3A_30, %get3A_31] : memref<256x256xf32, #tpu.memory_space<vmem>>, vector<256x256xf32>
    %dot_general3A_33 = arith.constant dense<0.000000e+00> : vector<256x3200xf32>
    %dot_general3A_34 = tpu.matmul %get3A_32, %max3A_29, %dot_general3A_33 {dimension_numbers = #tpu.dot_dimension_numbers<[1], [0], [0], [1], [0, 0, 1, 1], [], []>, transpose_lhs_hint = false} : vector<256x256xf32>, vector<256x3200xf32>, vector<256x3200xf32> -> vector<256x3200xf32>
    %get3A_35 = arith.constant 0 : index
    %get3A_36 = arith.constant 0 : index
    %get3A_37 = vector.load %arg9[%get3A_35, %get3A_36] : memref<256x1xf32, #tpu.memory_space<vmem>>, vector<256x1xf32>
    %add3A_38 = vector.broadcast %get3A_37 : vector<256x1xf32> to vector<256x3200xf32>
    %add3A_39 = arith.addf %dot_general3A_34, %add3A_38 : vector<256x3200xf32>
    %max3A_40 = arith.constant 0.000000e+00 : f32
    %max3A_41 = vector.broadcast %max3A_40 : f32 to vector<256x3200xf32>
    %max3A_42 = arith.maximumf %add3A_39, %max3A_41 : vector<256x3200xf32>
    %get3A_43 = arith.constant 0 : index
    %get3A_44 = arith.constant 0 : index
    %get3A_45 = vector.load %arg10[%get3A_43, %get3A_44] : memref<16x256xf32, #tpu.memory_space<vmem>>, vector<16x256xf32>
    %dot_general3A_46 = arith.constant dense<0.000000e+00> : vector<16x3200xf32>
    %dot_general3A_47 = tpu.matmul %get3A_45, %max3A_42, %dot_general3A_46 {dimension_numbers = #tpu.dot_dimension_numbers<[1], [0], [0], [1], [0, 0, 1, 1], [], []>, transpose_lhs_hint = false} : vector<16x256xf32>, vector<256x3200xf32>, vector<16x3200xf32> -> vector<16x3200xf32>
    %get3A_48 = arith.constant 0 : index
    %get3A_49 = arith.constant 0 : index
    %get3A_50 = vector.load %arg11[%get3A_48, %get3A_49] : memref<16x1xf32, #tpu.memory_space<vmem>>, vector<16x1xf32>
    %add3A_51 = vector.broadcast %get3A_50 : vector<16x1xf32> to vector<16x3200xf32>
    %add3A_52 = arith.addf %dot_general3A_47, %add3A_51 : vector<16x3200xf32>
    %logistic3A = arith.negf %add3A_52 : vector<16x3200xf32>
    %logistic3A_53 = math.exp %logistic3A : vector<16x3200xf32>
    %logistic3A_54 = arith.constant 1.000000e+00 : f32
    %logistic3A_55 = vector.broadcast %logistic3A_54 : f32 to vector<16x3200xf32>
    %logistic3A_56 = arith.addf %logistic3A_55, %logistic3A_53 : vector<16x3200xf32>
    %logistic3A_57 = arith.divf %logistic3A_55, %logistic3A_56 : vector<16x3200xf32>
    %swap3A = arith.constant 0 : index
    %swap3A_58 = arith.constant 0 : index
    %swap3A_59 = vector.load %arg12[%swap3A, %swap3A_58] : memref<16x3200xf32, #tpu.memory_space<vmem>>, vector<16x3200xf32>
    tpu.vector_store %arg12[%swap3A, %swap3A_58], %logistic3A_57 {strides = array<i32>} : memref<16x3200xf32, #tpu.memory_space<vmem>>, vector<16x3200xf32>,
    return
  }
  func.func @transform_0(%arg0: i32) -> (i32, i32) {
    %c0_i32 = arith.constant 0 : i32
    %c0_i32_0 = arith.constant 0 : i32
    return %arg0, %c0_i32 : i32, i32
  }
  func.func @transform_1(%arg0: i32) -> (i32, i32) {
    %c0_i32 = arith.constant 0 : i32
    %c0_i32_0 = arith.constant 0 : i32
    return %arg0, %c0_i32 : i32, i32
  }
  func.func @transform_2(%arg0: i32) -> (i32, i32) {
    %c0_i32 = arith.constant 0 : i32
    %c0_i32_0 = arith.constant 0 : i32
    return %arg0, %c0_i32 : i32, i32
  }
  func.func @transform_3(%arg0: i32) -> (i32, i32) {
    %c0_i32 = arith.constant 0 : i32
    %c0_i32_0 = arith.constant 0 : i32
    %c0_i32_1 = arith.constant 0 : i32
    return %c0_i32, %c0_i32_0 : i32, i32
  }
  func.func @transform_4(%arg0: i32) -> (i32, i32) {
    %c0_i32 = arith.constant 0 : i32
    %c0_i32_0 = arith.constant 0 : i32
    %c0_i32_1 = arith.constant 0 : i32
    return %c0_i32, %c0_i32_0 : i32, i32
  }
  func.func @transform_5(%arg0: i32) -> (i32, i32) {
    %c0_i32 = arith.constant 0 : i32
    %c0_i32_0 = arith.constant 0 : i32
    %c0_i32_1 = arith.constant 0 : i32
    return %c0_i32, %c0_i32_0 : i32, i32
  }
  func.func @transform_6(%arg0: i32) -> (i32, i32) {
    %c0_i32 = arith.constant 0 : i32
    %c0_i32_0 = arith.constant 0 : i32
    %c0_i32_1 = arith.constant 0 : i32
    return %c0_i32, %c0_i32_0 : i32, i32
  }
  func.func @transform_7(%arg0: i32) -> (i32, i32) {
    %c0_i32 = arith.constant 0 : i32
    %c0_i32_0 = arith.constant 0 : i32
    %c0_i32_1 = arith.constant 0 : i32
    return %c0_i32, %c0_i32_0 : i32, i32
  }
  func.func @transform_8(%arg0: i32) -> (i32, i32) {
    %c0_i32 = arith.constant 0 : i32
    %c0_i32_0 = arith.constant 0 : i32
    %c0_i32_1 = arith.constant 0 : i32
    return %c0_i32, %c0_i32_0 : i32, i32
  }
  func.func @transform_9(%arg0: i32) -> (i32, i32) {
    %c0_i32 = arith.constant 0 : i32
    %c0_i32_0 = arith.constant 0 : i32
    %c0_i32_1 = arith.constant 0 : i32
    return %c0_i32, %c0_i32_0 : i32, i32
  }
  func.func @transform_10(%arg0: i32) -> (i32, i32) {
    %c0_i32 = arith.constant 0 : i32
    %c0_i32_0 = arith.constant 0 : i32
    %c0_i32_1 = arith.constant 0 : i32
    return %c0_i32, %c0_i32_0 : i32, i32
  }
  func.func @transform_11(%arg0: i32) -> (i32, i32) {
    %c0_i32 = arith.constant 0 : i32
    %c0_i32_0 = arith.constant 0 : i32
    return %c0_i32, %arg0 : i32, i32
  }
}

</mosaic_0001>

<sc_bundles>
// kernel: kernel.12.cloned.1.call-start
scs
__scs_entry_jumppad:
0x0: {  	(pc) =	sbr.rel $0x88, $3  }
0x1: {  	(tag) =	ssettag $0x0;
	lr =	simm.s32 $0x1  }
0x2: {  	[smem:$0x3F80] =	sst lr;
	_ =	strace $0xD0000000  }
0x3: {  	_ = 	snop  }
0x4: {  	_ = 	snop  }
0x5: {  	_ = 	snop  }
0x6: {  	_ = 	snop  }
0x7: {  	_ = 	snop  }
__scs_overlays_trampoline_lowered:
0x8: {  	[smem:$0x3F8F] =	sst s0  }
0x9: {  	[smem:$0x3F90] =	sst s1  }
0xa: {  	[smem:$0x3F91] =	sst s2  }
0xb: {  	[smem:$0x3F92] =	sst s3  }
0xc: {  	[smem:$0x3F93] =	sst s4  }
0xd: {  	[smem:$0x3F94] =	sst s5  }
0xe: {  	[smem:$0x3F95] =	sst s6  }
0xf: {  	[smem:$0x3F96] =	sst s7  }
0x10: {  	[smem:$0x3F97] =	sst s8  }
0x11: {  	[smem:$0x3F98] =	sst s9;
	s0 =	simm.s32 @!p0 $0x0  }
0x12: {  	s1 =	sld [smem:$0x3F7E];
	s0 =	simm.s32 @p0 $0x1  }
0x13: {  	[smem:$0x3F99] =	sst s0;
	s0 =	simm.s32 @!p1 $0x0  }
0x14: {  	s2 =	sld [smem:$0x3F7D];
	s0 =	simm.s32 @p1 $0x1  }
0x15: {  	[smem:$0x3F9A] =	sst s0;
	s0 =	simm.s32 @!p2 $0x0  }
0x16: {  	s3 =	sld [smem:$0x3FDB];
	s0 =	simm.s32 @p2 $0x1  }
0x17: {  	s4 =	simm.s32 $0x1BF5;
	[smem:$0x3F9C] =	sst s0  }
0x18: {  	s0 =	sld [smem:$0x3F7F];
	_ =	swait.ge [sflag:s4], $0x0  }
0x19: {  	s7 =	sld [smem:$0x3F80]  }
0x1a: {  	s8 =	sadd.s32 $0xFFFFE003, lr  }
0x1b: {  	s9 =	sadd.s32 $0xFFFFFEF7, lr;
	s5 =	simm.s32 $0xFFFFFFFF;
	p2 =	slt.u32 s8, $0xFFFFF086  }
0x1c: {  	p1 =	slt.u32 s9, $0xF7A;
	s5 =	simm.s32 @!p2 $0x0  }
0x1d: {  	s5 =	simm.s32 @p1 $0x1;
	p0 =	seq.s32 s7, s2  }
0x1e: {  	s7 =	smul.u32 @!p0 $0xF7A, s2;
	p2 =	seq.s32 @!p0 s5, $0x0  }
0x1f: {  	s9 =	smul.u32 $0xF7A, s1;
	s8 =	simm.s32 @!p0 $0x1BF5;
	p2 =	por !p2, p0  }
0x20: {  	[sflag:s8] =	ssyncset.s32 @!p0 $0xFFFFF086;
	s6 =	sadd.s32 @!p0 s3, s7;
	s7 =	simm.s32 @!p0 $0x108  }
0x21: {  	s3 =	sadd.s32 s3, s9;
	s6 =	sadd.s32 @!p0 $0x88, s6;
	s7 =	simm.s32 @p2 $0x1082  }
0x22: {  	[simem:s7], [sflag:s8] =	dma.local @!p0 [hbm:s6], $0xF7A  }
0x23: {  	s9 =	sor.u32 $0xD0000000, s2;
	s6 =	simm.s32 $0x108;
	_ =	swait.ge @!p0 [sflag:s8], $0x0  }
0x24: {  	s3 =	sadd.s32 $0x88, s3;
	s6 =	simm.s32 @!p1 $0x1082;
	[sflag:s4] =	ssyncset.s32 $0xFFFFF086  }
0x25: {  	[simem:s6], [sflag:s4] =	dma.local [hbm:s3], $0xF7A  }
0x26: {  	[smem:$0x3F80] =	sst s1;
	(tag) =	ssettag s2;
	_ =	strace s9  }
0x27: {  	s1 =	sld [smem:$0x3F90]  }
0x28: {  	s2 =	sld [smem:$0x3F91]  }
0x29: {  	s4 =	sld [smem:$0x3F93]  }
0x2a: {  	p0 =	seq.s32 s5, $0x0;
	s5 =	sld [smem:$0x3F94]  }
0x2b: {  	s6 =	sld [smem:$0x3F95]  }
0x2c: {  	s7 =	sld [smem:$0x3F96]  }
0x2d: {  	s3 =	simm.s32 $0x108;
	s8 =	sld [smem:$0x3F97]  }
0x2e: {  	s3 =	simm.s32 @!p0 $0x1082;
	s9 =	sld [smem:$0x3F98]  }
0x2f: {  	lr =	sadd.s32 s0, s3;
	s0 =	sld [smem:$0x3F8F]  }
0x30: {  	s3 =	sld [smem:$0x3F92]  }
0x31: {  	[smem:$0x3F9B] =	sst s10  }
0x32: {  	s10 =	sld [smem:$0x3F99];
	_ =	sdelay $0x3  }
0x33: {  	p0 =	seq.s32 s10, $0x1;
	s10 =	sld [smem:$0x3F9B];
	_ =	sdelay $0x3  }
0x34: {  	[smem:$0x3F9B] =	sst s10  }
0x35: {  	s10 =	sld [smem:$0x3F9A];
	_ =	sdelay $0x3  }
0x36: {  	p1 =	seq.s32 s10, $0x1;
	s10 =	sld [smem:$0x3F9B];
	_ =	sdelay $0x3  }
0x37: {  	[smem:$0x3F9B] =	sst s10  }
0x38: {  	s10 =	sld [smem:$0x3F9C]  }
0x39: {  	_ = 	snop;
	(pc) =	sbr.ind lr, $3  }
0x3a: {  	_ = 	snop  }
0x3b: {  	_ = 	snop  }
0x3c: {  	p2 =	seq.s32 s10, $0x1;
	s10 =	sld [smem:$0x3F9B]  }
0x3d: {  	_ =	shalt  }
0x3e: {  	_ =	shalt  }
0x3f: {  	_ =	shalt  }
0x40: {  	_ =	shalt  }
0x41: {  	_ =	shalt  }
0x42: {  	_ =	shalt  }
0x43: {  	_ =	shalt  }
0x44: {  	_ =	shalt  }
0x45: {  	_ =	shalt  }
0x46: {  	_ =	shalt  }
0x47: {  	_ =	shalt  }
0x48: {  	_ =	shalt  }
0x49: {  	_ =	shalt  }
0x4a: {  	_ =	shalt  }
0x4b: {  	_ =	shalt  }
0x4c: {  	_ =	shalt  }
0x4d: {  	_ =	shalt  }
0x4e: {  	_ =	shalt  }
0x4f: {  	_ =	shalt  }
0x50: {  	_ =	shalt  }
0x51: {  	_ =	shalt  }
0x52: {  	_ =	shalt  }
0x53: {  	_ =	shalt  }
0x54: {  	_ =	shalt  }
0x55: {  	_ =	shalt  }
0x56: {  	_ =	shalt  }
0x57: {  	_ =	shalt  }
0x58: {  	_ =	shalt  }
0x59: {  	_ =	shalt  }
0x5a: {  	_ =	shalt  }
0x5b: {  	_ =	shalt  }
0x5c: {  	_ =	shalt  }
0x5d: {  	_ =	shalt  }
0x5e: {  	_ =	shalt  }
0x5f: {  	_ =	shalt  }
0x60: {  	_ =	shalt  }
0x61: {  	_ =	shalt  }
0x62: {  	_ =	shalt  }
0x63: {  	_ =	shalt  }
0x64: {  	_ =	shalt  }
0x65: {  	_ =	shalt  }
0x66: {  	_ =	shalt  }
0x67: {  	_ =	shalt  }
0x68: {  	_ =	shalt  }
0x69: {  	_ =	shalt  }
0x6a: {  	_ =	shalt  }
0x6b: {  	_ =	shalt  }
0x6c: {  	_ =	shalt  }
0x6d: {  	_ =	shalt  }
0x6e: {  	_ =	shalt  }
0x6f: {  	_ =	shalt  }
0x70: {  	_ =	shalt  }
0x71: {  	_ =	shalt  }
0x72: {  	_ =	shalt  }
0x73: {  	_ =	shalt  }
0x74: {  	_ =	shalt  }
0x75: {  	_ =	shalt  }
0x76: {  	_ =	shalt  }
0x77: {  	_ =	shalt  }
0x78: {  	_ =	shalt  }
0x79: {  	_ =	shalt  }
0x7a: {  	_ =	shalt  }
0x7b: {  	_ =	shalt  }
0x7c: {  	_ =	shalt  }
0x7d: {  	_ =	shalt  }
0x7e: {  	_ =	shalt  }
0x7f: {  	_ =	shalt  }
0x80: {  	_ =	shalt  }
0x81: {  	_ =	shalt  }
0x82: {  	_ =	shalt  }
0x83: {  	_ =	shalt  }
0x84: {  	_ =	shalt  }
0x85: {  	_ =	shalt  }
0x86: {  	_ =	shalt  }
0x87: {  	_ =	shalt  }
.Lfunc_end0:
.L_simem_size_0:
called_computation_lowered:
.L_overlay_start_0:
0x88: {  	s2 =	sld [smem:$0x3FD9]  }
0x89: {  	s3 =	sld [smem:$0x3FFE];
	_ =	sdelay $0x1  }
0x8a: {  	s1 =	srdreg.scid  }
0x8b: {  	s0 =	sand.u32 $0x1, s1  }
0x8c: {  	s17 =	sshll.u32 s0, $0xA;
	s2 =	sadd.s32 s3, s2  }
0x8d: {  	s2 =	sadd.s32 s2, s17  }
0x8e: {  	[smem:$0x3FA7] =	sst s2  }
0x8f: {  	_ = 	snop  }
0x90: {  	s2 =	sld [smem:$0x3FD0];
	(tm) =	ssettm $0x1  }
0x91: {  	s18 =	sld [smem:$0x3FFB];
	_ =	sdelay $0x3  }
0x92: {  	_ =	strace s18  }
0x93: {  	s3 =	sld [smem:$0x3FFC];
	_ =	sdelay $0x3  }
0x94: {  	_ =	strace s3  }
0x95: {  	s3 =	sld [smem:$0x3FFD];
	_ =	sdelay $0x3  }
0x96: {  	_ =	strace s3  }
0x97: {  	_ =	strace $0x8FFFFFFF  }
0x98: {  	s19 =	sld [smem:$0x3FDB];
	_ =	sdelay $0x1  }
0x99: {  	s4 =	simm.s32 $_scs_section_size  }
0x9a: {  	s5 =	simm.s32 $_size__tile_overlayer_lowered;
	s6 =	simm.s32 $_tile_overlayer_lowered  }
0x9b: {  	s22 =	simm.s32 $0x1BFF;
	s21 =	sshll.u32 s6, $0x1;
	s3 =	sadd.s32 s4, s19  }
0x9c: {  	s7 =	simm.s32 $0x0;
	s20 =	sshll.u32 s5, $0x1;
	s5 =	sadd.s32 s21, s3  }
0x9d: {  	[timem:s7], [sflag:s22] =	dma.local [hbm:s5], s20  }
0x9e: {  	_ =	swait.ge [sflag:s22], s20  }
0x9f: {  	s4 =	ssub.s32 $0x0, s20;
	[sflag:s22] =	ssyncset.done $0x0  }
0xa0: {  	[sflag:s22] =	ssyncadd.s32 s4;
	_ =	sdelay $0x1  }
0xa1: {  	s23 =	simm.s32 $0x1B8B  }
0xa2: {  	_ =	swait.ge [sflag:s23], $0x1  }
0xa3: {  	[sflag:s23] =	ssyncset.done $0x0  }
0xa4: {  	s25 =	simm.s32 $0x1B8E;
	s24 =	sld [smem:$0x3FFE];
	[sflag:s23] =	ssyncadd.s32 $0xFFFFFFFF  }
0xa5: {  	s26 =	simm.s32 $execute0_lowered;
	[smem:$0x3FD2] =	sst s25  }
0xa6: {  	s5 =	sshll.u32 s26, $0x1;
	_ =	strace $0x80000046;
	[dreg:$0x1] =	wrdreg $0xFFFFFFFF  }
0xa7: {  	s28 =	simm.s32 $_size_execute0_lowered;
	s3 =	sadd.s32 s3, s5;
	[dreg:$0x0] =	wrdreg $0x0  }
0xa8: {  	s5 =	sshll.u32 s28, $0x1;
	[dreg:$0x2] =	wrdreg s3  }
0xa9: {  	[dreg:$0x3] =	wrdreg s5  }
0xaa: {  	[dreg:$0x4] =	wrdreg $0xC0  }
0xab: {  	_ =	task [dreg:s7], $0x5FFFF  }
0xac: {  	[dreg:$0x1] =	wrdreg $0xFFFFFFFF  }
0xad: {  	[dreg:$0x0] =	wrdreg $0x60  }
0xae: {  	[dreg:$0x2] =	wrdreg s2  }
0xaf: {  	[dreg:$0x3] =	wrdreg s24  }
0xb0: {  	[dreg:$0x4] =	wrdreg $0x9  }
0xb1: {  	_ =	task.clear_ibuf [dreg:s7], $0x5FFFF;
	_ =	strace $0x90000046  }
0xb2: {  	s29 =	simm.s32 $0x9;
	_ =	strace $0x80000048  }
0xb3: {  	_ =	swait.ge [sflag:s29], $0x1  }
0xb4: {  	[sflag:s29] =	ssyncadd.s32 $0xFFFFFFFF  }
0xb5: {  	_ =	strace $0x90000048  }
0xb6: {  	_ =	sfence  }
0xb7: {  	s30 =	sld [smem:$0x0];
	_ =	sdelay $0x2  }
0xb8: {  	s31 =	sshll.u32 s1, $0xD;
	s1 =	sshrl.u32 s1, $0x2  }
0xb9: {  	s3 =	sand.u32 $0x4000, s31;
	s1 =	sadd.s32 s1, s30  }
0xba: {  	s0 =	sor.u32 s3, s0;
	s1 =	sshll.u32 s1, $0x11  }
0xbb: {  	s0 =	sor.u32 s1, s0  }
0xbc: {  	s0 =	sadd.s32 $0x8F2B, s0  }
0xbd: {  	[sflag:s0] =	ssyncadd.remote.s32 $0x1  }
0xbe: {  	_ =	sfence.sel $0xFFFF  }
0xbf: {  	[dreg:$0x0] =	wrdreg $0xFFFFFFFF;
	(pc) =	sbr.abs _section_cstart, $3  }
0xc0: {  	[dreg:$0x1] =	wrdreg $0xFFFFFFFF  }
0xc1: {  	_ =	task.clear_ibuf [dreg:s7], $0x2FFFF;
	_ =	strace $0x9FFFFFFF  }
0xc2: {  	(tm) =	ssettm $0x7FFFFFFF  }
0xc3: {  	_ =	shalt  }
tec
execute0_lowered:
.L_overlay_start_1:
0x0: {  	(tag) =	ssettag $0x1  }
0x1: {  	s1 =	rddreg [dreg:$0x0]  }
0x2: {  	s8 =	rddreg [dreg:$0x1];
	s2 =	simm.s32 $0x0;
	s5 =	srdreg.scid  }
0x3: {  	s0 =	stileid.u32;
	s14 =	simm.s32 $0x13800;
	s15 =	simm.s32 $0xD  }
0x4: {  	s16 =	simm.s32 $0x800;
	s17 =	simm.s32 $0x61A800;
	s18 =	simm.s32 $0x12000  }
0x5: {  	s19 =	simm.s32 $0x3;
	s20 =	simm.s32 $0x4;
	s21 =	simm.s32 $0x2000  }
0x6: {  	s22 =	simm.s32 $0x6000;
	s23 =	simm.s32 $0x0;
	[smem:$0x7FF] =	sst s2  }
.Ltmp0:
0x7: {  	s3 =	sadd.s32 $0x316C00, s8;
	s5 =	sand.u32 $0x1, s5;
	(pc) =	sbr.rel .LBB2_1-.Ltmp0, $4  }
0x8: {  	s4 =	sadd.s32 $0x253600, s8;
	s6 =	sadd.s32 $0x9600, s8;
	s12 =	ssub.s32 $0x2, s5  }
0x9: {  	s7 =	sadd.s32 $0x3DA400, s8;
	s9 =	sadd.s32 $0x6E8E00, s8;
	s13 =	sshrl.u32 s12, $0x1  }
0xa: {  	v0 =	vlaneseq.u32;
	s10 =	sadd.s32 $0xD03600, s8;
	s11 =	sadd.s32 $0x131DE00, s8;
	s13 =	ssub.s32 s12, s13  }
0xb: {  	v0 =	vmul.u32 $0x8, v0;
	_ =	strace $0x80000047;
	s12 =	sshll.u32 s0, $0x1;
	s13 =	smax.u32 s13, $0x1  }
.LBB2_9:
0xc: {  	s23 =	sadd.s32 $0x1, s23  }
0xd: {  	p0 =	sne.s32 s23, s13  }
.Ltmp1:
0xe: {  	_ = 	snop;
	(pc) =	sbr.rel @!p0 .LBB2_10-.Ltmp1, $1  }
0xf: {  	_ =	sdelay $0x3  }
.LBB2_1:
.Ltmp2:
0x10: {  	(pc) =	sbr.rel .LBB2_2-.Ltmp2, $4  }
0x11: {  	[tilespmem:s14], [sflag:$0xD] =	stream.linear.gather [hbm4b:s7+s2], $0x4000, $0x38;
	[tilespmem:$0x17800] =	vst v63  }
0x12: {  	_ =	swait.ge [sflag:s15], $0x4000  }
0x13: {  	[sflag:s15] =	ssyncset.done $0x0  }
0x14: {  	s24 =	simm.s32 $0x0;
	[sflag:s15] =	ssyncadd.s32 $0xFFFFC000  }
.LBB2_8:
0x15: {  	_ =	swait.ge [sflag:s19], $0x4000  }
0x16: {  	[sflag:s19] =	ssyncset.done $0x0  }
0x17: {  	[sflag:s19] =	ssyncadd.s32 $0xFFFFC000  }
0x18: {  	_ =	swait.ge [sflag:s20], $0x4000  }
0x19: {  	[sflag:s20] =	ssyncset.done $0x0  }
0x1a: {  	s0 =	sadd.s32 s9, s26;
	[sflag:s20] =	ssyncadd.s32 $0xFFFFC000  }
0x1b: {  	[hbm4b:s0+s2] =	stream.linear.scatter [tilespmem:s21], [sflag:$0x9], $0x4000, $0x38;
	[tilespmem:$0x17800] =	vst v63  }
0x1c: {  	s31 =	sadd.s32 s10, s26;
	s0 =	simm.s32 @!p0 $0x7  }
0x1d: {  	[hbm4b:s31+s2] =	stream.linear.scatter [tilespmem:s22], [sflag:$0xA], $0x4000, $0x38;
	[tilespmem:$0x17800] =	vst v63  }
0x1e: {  	_ =	swait.ge @!p0 [sflag:s0], $0x4000  }
0x1f: {  	[sflag:s0] =	ssyncset.done @!p0 $0x0  }
0x20: {  	[sflag:s0] =	ssyncadd.s32 @!p0 $0xFFFFC000;
	s0 =	simm.s32 @!p0 $0x8  }
0x21: {  	_ =	swait.ge @!p0 [sflag:s0], $0x4000  }
0x22: {  	[sflag:s0] =	ssyncset.done @!p0 $0x0  }
0x23: {  	[sflag:s0] =	ssyncadd.s32 @!p0 $0xFFFFC000;
	s0 =	sshll.u32 @!p0 s25, $0xB  }
0x24: {  	s26 =	simm.s32 @!p0 $0xA000;
	s25 =	simm.s32 @!p0 $0x0;
	s8 =	sadd.s32 @!p0 s9, s0  }
0x25: {  	[hbm4b:s8+s25] =	stream.linear.scatter @!p0 [tilespmem:s26], [sflag:$0xB], $0x4000, $0x38;
	[tilespmem:$0x17800] =	vst v63  }
0x26: {  	s0 =	sadd.s32 @!p0 s10, s0;
	s8 =	simm.s32 @!p0 $0xE000  }
0x27: {  	[hbm4b:s0+s25] =	stream.linear.scatter @!p0 [tilespmem:s8], [sflag:$0xC], $0x4000, $0x38;
	[tilespmem:$0x17800] =	vst v63  }
0x28: {  	s0 =	simm.s32 @!p0 $0x9  }
0x29: {  	_ =	swait.ge @!p0 [sflag:s0], $0x4000  }
0x2a: {  	[sflag:s0] =	ssyncset.done @!p0 $0x0  }
0x2b: {  	[sflag:s0] =	ssyncadd.s32 @!p0 $0xFFFFC000;
	s0 =	simm.s32 @!p0 $0xA  }
0x2c: {  	_ =	swait.ge @!p0 [sflag:s0], $0x4000  }
0x2d: {  	s24 =	sadd.s32 $0x1, s24;
	s8 =	simm.s32 @!p0 $0xB;
	[sflag:s0] =	ssyncset.done @!p0 $0x0  }
0x2e: {  	s8 =	simm.s32 @p0 $0x9;
	[sflag:s0] =	ssyncadd.s32 @!p0 $0xFFFFC000;
	s0 =	simm.s32 @!p0 $0xC  }
0x2f: {  	_ =	swait.ge [sflag:s8], $0x4000;
	s0 =	simm.s32 @p0 $0xA;
	p0 =	sne.s32 s24, $0x31  }
.Ltmp3:
0x30: {  	[sflag:s8] =	ssyncset.done $0x0;
	(pc) =	sbr.rel @!p0 .LBB2_9-.Ltmp3, $4  }
0x31: {  	[sflag:s8] =	ssyncadd.s32 $0xFFFFC000  }
0x32: {  	_ =	swait.ge [sflag:s0], $0x4000  }
0x33: {  	[sflag:s0] =	ssyncset.done $0x0  }
0x34: {  	[sflag:s0] =	ssyncadd.s32 $0xFFFFC000  }
.LBB2_2:
0x35: {  	s25 =	sshll.u32 s24, $0x6  }
0x36: {  	s25 =	sor.u32 s25, s12  }
0x37: {  	s26 =	sor.u32 s5, s25  }
0x38: {  	s28 =	sshll.u32 s26, $0x8  }
0x39: {  	s25 =	sor.u32 $0x20, s26;
	s0 =	sadd.s32 s4, s28  }
0x3a: {  	[tilespmem:s2], [sflag:$0x1] =	stream.linear.gather [hbm4b:s0+s2], $0x800, $0x38;
	[tilespmem:$0x17800] =	vst v63  }
0x3b: {  	s29 =	sadd.s32 s3, s28;
	p0 =	sgt.u32 s25, $0xC34  }
0x3c: {  	[tilespmem:s16], [sflag:$0x2] =	stream.linear.gather [hbm4b:s29+s2], $0x800, $0x38;
	[tilespmem:$0x17800] =	vst v63  }
0x3d: {  	s29 =	simm.s32 @p0 $0x1  }
0x3e: {  	_ =	swait.ge @p0 [sflag:s29], $0x800  }
0x3f: {  	[sflag:s29] =	ssyncset.done @p0 $0x0  }
0x40: {  	[sflag:s29] =	ssyncadd.s32 @p0 $0xFFFFF800;
	s29 =	simm.s32 @p0 $0x2  }
0x41: {  	_ =	swait.ge @p0 [sflag:s29], $0x800  }
0x42: {  	s30 =	simm.s32 @p0 $0x0;
	[sflag:s29] =	ssyncset.done @p0 $0x0  }
0x43: {  	s31 =	simm.s32 @p0 $0x2000;
	[sflag:s29] =	ssyncadd.s32 @p0 $0xFFFFF800;
	s29 =	simm.s32 @p0 $0x800  }
0x44: {  	[tilespmem:s31], [sflag:$0x3] =	stream.indirect.gather @p0 [hbm4b:s1+s29], $0x8, s30, s29, $0xb8;
	[tilespmem:$0x17800] =	vst v63  }
0x45: {  	s30 =	simm.s32 @p0 $0x6000  }
0x46: {  	[tilespmem:s30], [sflag:$0x4] =	stream.indirect.gather @p0 [hbm4b:s1+s29], $0x8, s29, s29, $0xb8;
	[tilespmem:$0x17800] =	vst v63  }
0x47: {  	s29 =	sshll.u32 @!p0 s25, $0x8  }
0x48: {  	s0 =	simm.s32 @!p0 $0x1000;
	s31 =	simm.s32 @!p0 $0x0;
	s30 =	sadd.s32 @!p0 s4, s29  }
0x49: {  	[tilespmem:s0], [sflag:$0x5] =	stream.linear.gather @!p0 [hbm4b:s30+s31], $0x800, $0x38;
	[tilespmem:$0x17800] =	vst v63  }
0x4a: {  	s29 =	sadd.s32 @!p0 s3, s29;
	s30 =	simm.s32 @!p0 $0x1800  }
0x4b: {  	[tilespmem:s30], [sflag:$0x6] =	stream.linear.gather @!p0 [hbm4b:s29+s31], $0x800, $0x38;
	[tilespmem:$0x17800] =	vst v63  }
0x4c: {  	s29 =	simm.s32 @!p0 $0x1  }
0x4d: {  	_ =	swait.ge @!p0 [sflag:s29], $0x800  }
0x4e: {  	[sflag:s29] =	ssyncset.done @!p0 $0x0  }
0x4f: {  	[sflag:s29] =	ssyncadd.s32 @!p0 $0xFFFFF800;
	s29 =	simm.s32 @!p0 $0x2  }
0x50: {  	_ =	swait.ge @!p0 [sflag:s29], $0x800  }
0x51: {  	[sflag:s29] =	ssyncset.done @!p0 $0x0  }
0x52: {  	s8 =	simm.s32 @!p0 $0x2000;
	[sflag:s29] =	ssyncadd.s32 @!p0 $0xFFFFF800;
	s29 =	simm.s32 @!p0 $0x800  }
0x53: {  	[tilespmem:s8], [sflag:$0x3] =	stream.indirect.gather @!p0 [hbm4b:s1+s29], $0x8, s31, s29, $0xb8;
	[tilespmem:$0x17800] =	vst v63  }
0x54: {  	s8 =	simm.s32 @!p0 $0x6000  }
0x55: {  	[tilespmem:s8], [sflag:$0x4] =	stream.indirect.gather @!p0 [hbm4b:s1+s29], $0x8, s29, s29, $0xb8;
	[tilespmem:$0x17800] =	vst v63  }
0x56: {  	s8 =	simm.s32 @!p0 $0x5  }
0x57: {  	_ =	swait.ge @!p0 [sflag:s8], $0x800  }
0x58: {  	[sflag:s8] =	ssyncset.done @!p0 $0x0  }
0x59: {  	[sflag:s8] =	ssyncadd.s32 @!p0 $0xFFFFF800;
	s8 =	simm.s32 @!p0 $0x6  }
0x5a: {  	_ =	swait.ge @!p0 [sflag:s8], $0x800  }
0x5b: {  	[sflag:s8] =	ssyncset.done @!p0 $0x0  }
0x5c: {  	[sflag:s8] =	ssyncadd.s32 @!p0 $0xFFFFF800;
	s8 =	simm.s32 @!p0 $0xA000  }
0x5d: {  	[tilespmem:s8], [sflag:$0x7] =	stream.indirect.gather @!p0 [hbm4b:s1+s29], $0x8, s0, s29, $0xb8;
	[tilespmem:$0x17800] =	vst v63  }
0x5e: {  	s0 =	simm.s32 @!p0 $0xE000  }
0x5f: {  	[tilespmem:s0], [sflag:$0x8] =	stream.indirect.gather @!p0 [hbm4b:s1+s29], $0x8, s30, s29, $0xb8;
	[tilespmem:$0x17800] =	vst v63  }
0x60: {  	s8 =	sadd.s32 s6, s28  }
0x61: {  	[tilespmem:s18], [sflag:$0xD] =	stream.strided.gather [hbm4b:s8+s16], $0x1800, s17, s16, $0x38;
	[tilespmem:$0x17800] =	vst v63  }
0x62: {  	s30 =	simm.s32 $0x0;
	_ =	swait.ge [sflag:s15], $0x1800  }
0x63: {  	v1 =	vmov s30;
	[sflag:s15] =	ssyncset.done $0x0  }
0x64: {  	s28 =	simm.s32 $0x13000;
	v1 =	vshll.u32 v1, $0x3;
	[sflag:s15] =	ssyncadd.s32 $0xFFFFE800  }
0x65: {  	v3 =	vor.u32 v0, v1;
	v2 =	vld [tilespmem:s28+$0xFFFFF000];
	_ =	sdelay $0x4  }
0x66: {  	[tilespmem:v3+s14+$0x0] =	vst.idx.msk $0xffff, v2  }
0x67: {  	v2 =	vor.u32 $0x1, v3;
	v1 =	vld [tilespmem:s28+$0xFFFFF800];
	_ =	sdelay $0x4  }
0x68: {  	[tilespmem:v2+s14+$0x0] =	vst.idx.msk $0xffff, v1  }
0x69: {  	v2 =	vor.u32 $0x2, v3;
	v1 =	vld [tilespmem:s28+$0x0];
	_ =	sdelay $0x2  }
0x6a: {  	s31 =	simm.s32 $0x10  }
0x6b: {  	s29 =	simm.s32 $0x20;
	v3 =	vmov s31  }
.LBB2_3:
0x6c: {  	p1 =	sne.s32 s29, $0x7F0;
	v3 =	vshll.u32 v3, $0x3;
	[tilespmem:v2+s14+$0x0] =	vst.idx.msk $0xffff, v1;
	s28 =	sadd.s32 $0x10, s28  }
0x6d: {  	v1 =	vld [tilespmem:s28+$0xFFFFF000];
	v2 =	vor.u32 v0, v3;
	_ =	sdelay $0x4  }
0x6e: {  	[tilespmem:v2+s14+$0x0] =	vst.idx.msk $0xffff, v1  }
0x6f: {  	v3 =	vor.u32 $0x1, v2;
	v1 =	vld [tilespmem:s28+$0xFFFFF800];
	_ =	sdelay $0x4  }
0x70: {  	[tilespmem:v3+s14+$0x0] =	vst.idx.msk $0xffff, v1  }
.Ltmp4:
0x71: {  	v2 =	vor.u32 $0x2, v2;
	v1 =	vld [tilespmem:s28+$0x0];
	(pc) =	sbr.rel @p1 .LBB2_3-.Ltmp4, $2  }
0x72: {  	_ =	sdelay $0x2  }
0x73: {  	v3 =	vmov s29;
	s29 =	sadd.s32 $0x10, s29  }
0x74: {  	_ =	sdelay $0x3  }
0x75: {  	v3 =	vshll.u32 v3, $0x3;
	[tilespmem:v2+s14+$0x0] =	vst.idx.msk $0xffff, v1;
	s0 =	sadd.s32 $0x10, s28  }
0x76: {  	v1 =	vld [tilespmem:s0+$0xFFFFF000];
	v2 =	vor.u32 v0, v3;
	_ =	sdelay $0x4  }
0x77: {  	[tilespmem:v2+s14+$0x0] =	vst.idx.msk $0xffff, v1  }
0x78: {  	v3 =	vor.u32 $0x1, v2;
	v1 =	vld [tilespmem:s0+$0xFFFFF800];
	_ =	sdelay $0x4  }
0x79: {  	[tilespmem:v3+s14+$0x0] =	vst.idx.msk $0xffff, v1  }
0x7a: {  	v2 =	vor.u32 $0x2, v2;
	v1 =	vld [tilespmem:s0+$0x0];
	_ =	sdelay $0x3  }
0x7b: {  	s26 =	sshll.u32 s26, $0xB  }
.Ltmp5:
0x7c: {  	s31 =	sadd.s32 s11, s26;
	[tilespmem:v2+s14+$0x0] =	vst.idx.msk $0xffff, v1;
	(pc) =	sbr.rel @p0 .LBB2_8-.Ltmp5, $4  }
0x7d: {  	[hbm4b:s31+s2] =	stream.linear.scatter [tilespmem:s14], [sflag:$0xD], $0x4000, $0x38;
	[tilespmem:$0x17800] =	vst v63  }
0x7e: {  	_ =	swait.ge [sflag:s15], $0x4000  }
0x7f: {  	[sflag:s15] =	ssyncset.done $0x0  }
0x80: {  	[sflag:s15] =	ssyncadd.s32 $0xFFFFC000  }
0x81: {  	s0 =	sshll.u32 s25, $0x8  }
0x82: {  	s0 =	sadd.s32 s6, s0  }
0x83: {  	[tilespmem:s18], [sflag:$0xD] =	stream.strided.gather [hbm4b:s0+s16], $0x1800, s17, s16, $0x38;
	[tilespmem:$0x17800] =	vst v63  }
0x84: {  	s30 =	simm.s32 $0x0;
	_ =	swait.ge [sflag:s15], $0x1800  }
0x85: {  	v1 =	vmov s30;
	[sflag:s15] =	ssyncset.done $0x0  }
0x86: {  	s28 =	simm.s32 $0x13000;
	v1 =	vshll.u32 v1, $0x3;
	[sflag:s15] =	ssyncadd.s32 $0xFFFFE800  }
0x87: {  	v3 =	vor.u32 v0, v1;
	v2 =	vld [tilespmem:s28+$0xFFFFF000];
	_ =	sdelay $0x4  }
0x88: {  	[tilespmem:v3+s14+$0x0] =	vst.idx.msk $0xffff, v2  }
0x89: {  	v2 =	vor.u32 $0x1, v3;
	v1 =	vld [tilespmem:s28+$0xFFFFF800];
	_ =	sdelay $0x4  }
0x8a: {  	[tilespmem:v2+s14+$0x0] =	vst.idx.msk $0xffff, v1  }
0x8b: {  	v2 =	vor.u32 $0x2, v3;
	v1 =	vld [tilespmem:s28+$0x0];
	_ =	sdelay $0x2  }
0x8c: {  	s31 =	simm.s32 $0x10  }
0x8d: {  	s29 =	simm.s32 $0x20;
	v3 =	vmov s31  }
.LBB2_6:
0x8e: {  	p1 =	sne.s32 s29, $0x7F0;
	v3 =	vshll.u32 v3, $0x3;
	[tilespmem:v2+s14+$0x0] =	vst.idx.msk $0xffff, v1;
	s28 =	sadd.s32 $0x10, s28  }
0x8f: {  	v1 =	vld [tilespmem:s28+$0xFFFFF000];
	v2 =	vor.u32 v0, v3;
	_ =	sdelay $0x4  }
0x90: {  	[tilespmem:v2+s14+$0x0] =	vst.idx.msk $0xffff, v1  }
0x91: {  	v3 =	vor.u32 $0x1, v2;
	v1 =	vld [tilespmem:s28+$0xFFFFF800];
	_ =	sdelay $0x4  }
0x92: {  	[tilespmem:v3+s14+$0x0] =	vst.idx.msk $0xffff, v1  }
.Ltmp6:
0x93: {  	v2 =	vor.u32 $0x2, v2;
	v1 =	vld [tilespmem:s28+$0x0];
	(pc) =	sbr.rel @p1 .LBB2_6-.Ltmp6, $2  }
0x94: {  	_ =	sdelay $0x2  }
0x95: {  	v3 =	vmov s29;
	s29 =	sadd.s32 $0x10, s29  }
0x96: {  	_ =	sdelay $0x3  }
0x97: {  	v3 =	vshll.u32 v3, $0x3;
	[tilespmem:v2+s14+$0x0] =	vst.idx.msk $0xffff, v1;
	s0 =	sadd.s32 $0x10, s28  }
0x98: {  	v1 =	vld [tilespmem:s0+$0xFFFFF000];
	v2 =	vor.u32 v0, v3;
	_ =	sdelay $0x4  }
0x99: {  	[tilespmem:v2+s14+$0x0] =	vst.idx.msk $0xffff, v1  }
0x9a: {  	v3 =	vor.u32 $0x1, v2;
	v1 =	vld [tilespmem:s0+$0xFFFFF800];
	_ =	sdelay $0x4  }
0x9b: {  	[tilespmem:v3+s14+$0x0] =	vst.idx.msk $0xffff, v1  }
0x9c: {  	v2 =	vor.u32 $0x2, v2;
	v1 =	vld [tilespmem:s0+$0x0];
	_ =	sdelay $0x3  }
0x9d: {  	s31 =	sshll.u32 s25, $0xB  }
.Ltmp7:
0x9e: {  	s0 =	sadd.s32 s11, s31;
	[tilespmem:v2+s14+$0x0] =	vst.idx.msk $0xffff, v1;
	(pc) =	sbr.rel .LBB2_8-.Ltmp7, $4  }
0x9f: {  	[hbm4b:s0+s2] =	stream.linear.scatter [tilespmem:s14], [sflag:$0xD], $0x4000, $0x38;
	[tilespmem:$0x17800] =	vst v63  }
0xa0: {  	_ =	swait.ge [sflag:s15], $0x4000  }
0xa1: {  	[sflag:s15] =	ssyncset.done $0x0  }
0xa2: {  	[sflag:s15] =	ssyncadd.s32 $0xFFFFC000  }
.LBB2_10:
0xa3: {  	_ =	sfence.sel $0x180000  }
0xa4: {  	[bflag:$0x0] =	sbarrier.arrive $0xFFFF  }
0xa5: {  	_ =	strace $0x90000047  }
0xa6: {  	s0 =	stileid.u32;
	[bflag:$0x2] =	sbarrier.arrive $0xFFFF  }
0xa7: {  	p0 =	sne.s32 s0, $0x0;
	s0 =	rddreg [dreg:$0x2]  }
0xa8: {  	s0 =	sadd.s32 @!p0 $0x100000, s0  }
0xa9: {  	[sflag:s0] =	ssyncadd.tile.s32 @!p0 $0x1;
	_ =	shalt  }
.Lfunc_end2:
_tile_overlayer_lowered:
.L_overlay_start_2:
0xaa: {  	(tag) =	ssettag $0x2  }
0xab: {  	s0 =	rddreg [dreg:$0x0];
	s2 =	stileid.u32  }
0xac: {  	s1 =	rddreg [dreg:$0x1];
	p0 =	sne.s32 s2, $0x0  }
0xad: {  	s3 =	rddreg [dreg:$0x2];
	[bflag:$0x3] =	sbarrier.arrive $0xFFFF;
	s2 =	simm.s32 @!p0 $0x1C0D  }
0xae: {  	[timem:s3], [sflag:s2] =	dma.local @!p0 [hbm:s0], s1  }
0xaf: {  	s0 =	simm.s32 @!p0 $0xD  }
0xb0: {  	_ =	swait.ge @!p0 [sflag:s0], s1  }
0xb1: {  	s1 =	ssub.s32 @!p0 $0x0, s1;
	[sflag:s0] =	ssyncset.done @!p0 $0x0  }
0xb2: {  	[sflag:s0] =	ssyncadd.s32 @!p0 s1  }
0xb3: {  	[bflag:$0x3] =	sbarrier.arrive $0xFFFF  }
0xb4: {  	_ =	shalt  }

// kernel: kernel.15.cloned.1.call-start
scs
__scs_entry_jumppad:
0x0: {  	(pc) =	sbr.rel $0x88, $3  }
0x1: {  	(tag) =	ssettag $0x0;
	lr =	simm.s32 $0x1  }
0x2: {  	[smem:$0x3F80] =	sst lr;
	_ =	strace $0xD0000000  }
0x3: {  	_ = 	snop  }
0x4: {  	_ = 	snop  }
0x5: {  	_ = 	snop  }
0x6: {  	_ = 	snop  }
0x7: {  	_ = 	snop  }
__scs_overlays_trampoline_lowered:
0x8: {  	[smem:$0x3F8F] =	sst s0  }
0x9: {  	[smem:$0x3F90] =	sst s1  }
0xa: {  	[smem:$0x3F91] =	sst s2  }
0xb: {  	[smem:$0x3F92] =	sst s3  }
0xc: {  	[smem:$0x3F93] =	sst s4  }
0xd: {  	[smem:$0x3F94] =	sst s5  }
0xe: {  	[smem:$0x3F95] =	sst s6  }
0xf: {  	[smem:$0x3F96] =	sst s7  }
0x10: {  	[smem:$0x3F97] =	sst s8  }
0x11: {  	[smem:$0x3F98] =	sst s9;
	s0 =	simm.s32 @!p0 $0x0  }
0x12: {  	s1 =	sld [smem:$0x3F7E];
	s0 =	simm.s32 @p0 $0x1  }
0x13: {  	[smem:$0x3F99] =	sst s0;
	s0 =	simm.s32 @!p1 $0x0  }
0x14: {  	s2 =	sld [smem:$0x3F7D];
	s0 =	simm.s32 @p1 $0x1  }
0x15: {  	[smem:$0x3F9A] =	sst s0;
	s0 =	simm.s32 @!p2 $0x0  }
0x16: {  	s3 =	sld [smem:$0x3FDB];
	s0 =	simm.s32 @p2 $0x1  }
0x17: {  	s4 =	simm.s32 $0x1BF5;
	[smem:$0x3F9C] =	sst s0  }
0x18: {  	s0 =	sld [smem:$0x3F7F];
	_ =	swait.ge [sflag:s4], $0x0  }
0x19: {  	s7 =	sld [smem:$0x3F80]  }
0x1a: {  	s8 =	sadd.s32 $0xFFFFE003, lr  }
0x1b: {  	s9 =	sadd.s32 $0xFFFFFEF7, lr;
	s5 =	simm.s32 $0xFFFFFFFF;
	p2 =	slt.u32 s8, $0xFFFFF086  }
0x1c: {  	p1 =	slt.u32 s9, $0xF7A;
	s5 =	simm.s32 @!p2 $0x0  }
0x1d: {  	s5 =	simm.s32 @p1 $0x1;
	p0 =	seq.s32 s7, s2  }
0x1e: {  	s7 =	smul.u32 @!p0 $0xF7A, s2;
	p2 =	seq.s32 @!p0 s5, $0x0  }
0x1f: {  	s9 =	smul.u32 $0xF7A, s1;
	s8 =	simm.s32 @!p0 $0x1BF5;
	p2 =	por !p2, p0  }
0x20: {  	[sflag:s8] =	ssyncset.s32 @!p0 $0xFFFFF086;
	s6 =	sadd.s32 @!p0 s3, s7;
	s7 =	simm.s32 @!p0 $0x108  }
0x21: {  	s3 =	sadd.s32 s3, s9;
	s6 =	sadd.s32 @!p0 $0x88, s6;
	s7 =	simm.s32 @p2 $0x1082  }
0x22: {  	[simem:s7], [sflag:s8] =	dma.local @!p0 [hbm:s6], $0xF7A  }
0x23: {  	s9 =	sor.u32 $0xD0000000, s2;
	s6 =	simm.s32 $0x108;
	_ =	swait.ge @!p0 [sflag:s8], $0x0  }
0x24: {  	s3 =	sadd.s32 $0x88, s3;
	s6 =	simm.s32 @!p1 $0x1082;
	[sflag:s4] =	ssyncset.s32 $0xFFFFF086  }
0x25: {  	[simem:s6], [sflag:s4] =	dma.local [hbm:s3], $0xF7A  }
0x26: {  	[smem:$0x3F80] =	sst s1;
	(tag) =	ssettag s2;
	_ =	strace s9  }
0x27: {  	s1 =	sld [smem:$0x3F90]  }
0x28: {  	s2 =	sld [smem:$0x3F91]  }
0x29: {  	s4 =	sld [smem:$0x3F93]  }
0x2a: {  	p0 =	seq.s32 s5, $0x0;
	s5 =	sld [smem:$0x3F94]  }
0x2b: {  	s6 =	sld [smem:$0x3F95]  }
0x2c: {  	s7 =	sld [smem:$0x3F96]  }
0x2d: {  	s3 =	simm.s32 $0x108;
	s8 =	sld [smem:$0x3F97]  }
0x2e: {  	s3 =	simm.s32 @!p0 $0x1082;
	s9 =	sld [smem:$0x3F98]  }
0x2f: {  	lr =	sadd.s32 s0, s3;
	s0 =	sld [smem:$0x3F8F]  }
0x30: {  	s3 =	sld [smem:$0x3F92]  }
0x31: {  	[smem:$0x3F9B] =	sst s10  }
0x32: {  	s10 =	sld [smem:$0x3F99];
	_ =	sdelay $0x3  }
0x33: {  	p0 =	seq.s32 s10, $0x1;
	s10 =	sld [smem:$0x3F9B];
	_ =	sdelay $0x3  }
0x34: {  	[smem:$0x3F9B] =	sst s10  }
0x35: {  	s10 =	sld [smem:$0x3F9A];
	_ =	sdelay $0x3  }
0x36: {  	p1 =	seq.s32 s10, $0x1;
	s10 =	sld [smem:$0x3F9B];
	_ =	sdelay $0x3  }
0x37: {  	[smem:$0x3F9B] =	sst s10  }
0x38: {  	s10 =	sld [smem:$0x3F9C]  }
0x39: {  	_ = 	snop;
	(pc) =	sbr.ind lr, $3  }
0x3a: {  	_ = 	snop  }
0x3b: {  	_ = 	snop  }
0x3c: {  	p2 =	seq.s32 s10, $0x1;
	s10 =	sld [smem:$0x3F9B]  }
0x3d: {  	_ =	shalt  }
0x3e: {  	_ =	shalt  }
0x3f: {  	_ =	shalt  }
0x40: {  	_ =	shalt  }
0x41: {  	_ =	shalt  }
0x42: {  	_ =	shalt  }
0x43: {  	_ =	shalt  }
0x44: {  	_ =	shalt  }
0x45: {  	_ =	shalt  }
0x46: {  	_ =	shalt  }
0x47: {  	_ =	shalt  }
0x48: {  	_ =	shalt  }
0x49: {  	_ =	shalt  }
0x4a: {  	_ =	shalt  }
0x4b: {  	_ =	shalt  }
0x4c: {  	_ =	shalt  }
0x4d: {  	_ =	shalt  }
0x4e: {  	_ =	shalt  }
0x4f: {  	_ =	shalt  }
0x50: {  	_ =	shalt  }
0x51: {  	_ =	shalt  }
0x52: {  	_ =	shalt  }
0x53: {  	_ =	shalt  }
0x54: {  	_ =	shalt  }
0x55: {  	_ =	shalt  }
0x56: {  	_ =	shalt  }
0x57: {  	_ =	shalt  }
0x58: {  	_ =	shalt  }
0x59: {  	_ =	shalt  }
0x5a: {  	_ =	shalt  }
0x5b: {  	_ =	shalt  }
0x5c: {  	_ =	shalt  }
0x5d: {  	_ =	shalt  }
0x5e: {  	_ =	shalt  }
0x5f: {  	_ =	shalt  }
0x60: {  	_ =	shalt  }
0x61: {  	_ =	shalt  }
0x62: {  	_ =	shalt  }
0x63: {  	_ =	shalt  }
0x64: {  	_ =	shalt  }
0x65: {  	_ =	shalt  }
0x66: {  	_ =	shalt  }
0x67: {  	_ =	shalt  }
0x68: {  	_ =	shalt  }
0x69: {  	_ =	shalt  }
0x6a: {  	_ =	shalt  }
0x6b: {  	_ =	shalt  }
0x6c: {  	_ =	shalt  }
0x6d: {  	_ =	shalt  }
0x6e: {  	_ =	shalt  }
0x6f: {  	_ =	shalt  }
0x70: {  	_ =	shalt  }
0x71: {  	_ =	shalt  }
0x72: {  	_ =	shalt  }
0x73: {  	_ =	shalt  }
0x74: {  	_ =	shalt  }
0x75: {  	_ =	shalt  }
0x76: {  	_ =	shalt  }
0x77: {  	_ =	shalt  }
0x78: {  	_ =	shalt  }
0x79: {  	_ =	shalt  }
0x7a: {  	_ =	shalt  }
0x7b: {  	_ =	shalt  }
0x7c: {  	_ =	shalt  }
0x7d: {  	_ =	shalt  }
0x7e: {  	_ =	shalt  }
0x7f: {  	_ =	shalt  }
0x80: {  	_ =	shalt  }
0x81: {  	_ =	shalt  }
0x82: {  	_ =	shalt  }
0x83: {  	_ =	shalt  }
0x84: {  	_ =	shalt  }
0x85: {  	_ =	shalt  }
0x86: {  	_ =	shalt  }
0x87: {  	_ =	shalt  }
.Lfunc_end0:
.L_simem_size_0:
called_computation.1_lowered:
.L_overlay_start_0:
0x88: {  	s2 =	sld [smem:$0x3FD9]  }
0x89: {  	s3 =	sld [smem:$0x3FFE];
	_ =	sdelay $0x1  }
0x8a: {  	s1 =	srdreg.scid  }
0x8b: {  	s0 =	sand.u32 $0x1, s1  }
0x8c: {  	s17 =	sshll.u32 s0, $0xA;
	s2 =	sadd.s32 s3, s2  }
0x8d: {  	s2 =	sadd.s32 s2, s17  }
0x8e: {  	[smem:$0x3FA7] =	sst s2  }
0x8f: {  	_ = 	snop  }
0x90: {  	s2 =	sld [smem:$0x3FD0];
	(tm) =	ssettm $0x1  }
0x91: {  	s18 =	sld [smem:$0x3FFB];
	_ =	sdelay $0x3  }
0x92: {  	_ =	strace s18  }
0x93: {  	s3 =	sld [smem:$0x3FFC];
	_ =	sdelay $0x3  }
0x94: {  	_ =	strace s3  }
0x95: {  	s3 =	sld [smem:$0x3FFD];
	_ =	sdelay $0x3  }
0x96: {  	_ =	strace s3  }
0x97: {  	_ =	strace $0x8FFFFFFF  }
0x98: {  	s19 =	sld [smem:$0x3FDB];
	_ =	sdelay $0x1  }
0x99: {  	s4 =	simm.s32 $_scs_section_size  }
0x9a: {  	s5 =	simm.s32 $_size__tile_overlayer_lowered;
	s6 =	simm.s32 $_tile_overlayer_lowered  }
0x9b: {  	s22 =	simm.s32 $0x1BFF;
	s21 =	sshll.u32 s6, $0x1;
	s3 =	sadd.s32 s4, s19  }
0x9c: {  	s7 =	simm.s32 $0x0;
	s20 =	sshll.u32 s5, $0x1;
	s5 =	sadd.s32 s21, s3  }
0x9d: {  	[timem:s7], [sflag:s22] =	dma.local [hbm:s5], s20  }
0x9e: {  	_ =	swait.ge [sflag:s22], s20  }
0x9f: {  	s4 =	ssub.s32 $0x0, s20;
	[sflag:s22] =	ssyncset.done $0x0  }
0xa0: {  	[sflag:s22] =	ssyncadd.s32 s4;
	_ =	sdelay $0x1  }
0xa1: {  	s23 =	simm.s32 $0x1B8B  }
0xa2: {  	_ =	swait.ge [sflag:s23], $0x1  }
0xa3: {  	[sflag:s23] =	ssyncset.done $0x0  }
0xa4: {  	s25 =	simm.s32 $0x1B8E;
	s24 =	sld [smem:$0x3FFE];
	[sflag:s23] =	ssyncadd.s32 $0xFFFFFFFF  }
0xa5: {  	s26 =	simm.s32 $execute0_lowered;
	[smem:$0x3FD2] =	sst s25  }
0xa6: {  	s5 =	sshll.u32 s26, $0x1;
	_ =	strace $0x80000049;
	[dreg:$0x1] =	wrdreg $0xFFFFFFFF  }
0xa7: {  	s28 =	simm.s32 $_size_execute0_lowered;
	s3 =	sadd.s32 s3, s5;
	[dreg:$0x0] =	wrdreg $0x0  }
0xa8: {  	s5 =	sshll.u32 s28, $0x1;
	[dreg:$0x2] =	wrdreg s3  }
0xa9: {  	[dreg:$0x3] =	wrdreg s5  }
0xaa: {  	[dreg:$0x4] =	wrdreg $0xC0  }
0xab: {  	_ =	task [dreg:s7], $0x5FFFF  }
0xac: {  	[dreg:$0x1] =	wrdreg $0xFFFFFFFF  }
0xad: {  	[dreg:$0x0] =	wrdreg $0x60  }
0xae: {  	[dreg:$0x2] =	wrdreg s24  }
0xaf: {  	[dreg:$0x3] =	wrdreg s2  }
0xb0: {  	[dreg:$0x4] =	wrdreg $0x90000  }
0xb1: {  	[dreg:$0x5] =	wrdreg $0x9  }
0xb2: {  	_ =	task.clear_ibuf [dreg:s7], $0x6FFFF;
	_ =	strace $0x90000049  }
0xb3: {  	s29 =	simm.s32 $0x9;
	_ =	strace $0x8000004B  }
0xb4: {  	_ =	swait.ge [sflag:s29], $0x1  }
0xb5: {  	[sflag:s29] =	ssyncadd.s32 $0xFFFFFFFF  }
0xb6: {  	_ =	strace $0x9000004B  }
0xb7: {  	_ =	sfence  }
0xb8: {  	s30 =	sld [smem:$0x0];
	_ =	sdelay $0x2  }
0xb9: {  	s31 =	sshll.u32 s1, $0xD;
	s1 =	sshrl.u32 s1, $0x2  }
0xba: {  	s3 =	sand.u32 $0x4000, s31;
	s1 =	sadd.s32 s1, s30  }
0xbb: {  	s0 =	sor.u32 s3, s0;
	s1 =	sshll.u32 s1, $0x11  }
0xbc: {  	s0 =	sor.u32 s1, s0  }
0xbd: {  	s0 =	sadd.s32 $0x8F2B, s0  }
0xbe: {  	[sflag:s0] =	ssyncadd.remote.s32 $0x1  }
0xbf: {  	_ =	sfence.sel $0xFFFF  }
0xc0: {  	[dreg:$0x0] =	wrdreg $0xFFFFFFFF;
	(pc) =	sbr.abs _section_cstart, $3  }
0xc1: {  	[dreg:$0x1] =	wrdreg $0xFFFFFFFF  }
0xc2: {  	_ =	task.clear_ibuf [dreg:s7], $0x2FFFF;
	_ =	strace $0x9FFFFFFF  }
0xc3: {  	(tm) =	ssettm $0x7FFFFFFF  }
tec
execute0_lowered:
.L_overlay_start_1:
0x0: {  	(tag) =	ssettag $0x1  }
0x1: {  	s4 =	rddreg [dreg:$0x0]  }
0x2: {  	s6 =	rddreg [dreg:$0x1]  }
0x3: {  	s2 =	rddreg [dreg:$0x2]  }
0x4: {  	s0 =	rddreg [dreg:$0x3]  }
0x5: {  	s3 =	simm.s32 $0x0;
	s1 =	stileid.u32;
	s7 =	srdreg.scid  }
0x6: {  	s15 =	simm.s32 $0x2;
	s16 =	simm.s32 $0x800;
	s17 =	simm.s32 $0x6  }
0x7: {  	s18 =	simm.s32 $0x0;
	[smem:$0x7FF] =	sst s3;
	s5 =	sshll.u32 s1, $0xC  }
0x8: {  	s8 =	sshll.u32 s1, $0x9;
	s9 =	smul.u32 $0xC400, s1;
	s10 =	sand.u32 $0x1, s7  }
0x9: {  	s26 =	sshll.u32 s1, $0x1;
	s28 =	sshll.u32 s1, $0x6;
	_ =	strace $0x8000004A  }
0xa: {  	s11 =	sadd.s32 s5, s4;
	s8 =	sadd.s32 s8, s4;
	s23 =	ssub.s32 $0x2, s10  }
0xb: {  	s13 =	smul.u32 $0xC4000, s10;
	s5 =	sor.u32 $0x1C05, s28;
	s29 =	sshll.u32 s10, $0xB  }
0xc: {  	s30 =	sshll.u32 s10, $0x8;
	s10 =	sor.u32 s10, s26;
	s24 =	sshrl.u32 s9, $0x3  }
0xd: {  	s12 =	sshrl.u32 s23, $0x1;
	s14 =	sadd.s32 s9, s2;
	s31 =	sadd.s32 s30, s8  }
0xe: {  	s10 =	sor.u32 $0x20, s10;
	s4 =	sadd.s32 s24, s4;
	s25 =	ssub.s32 s23, s12  }
0xf: {  	s9 =	sadd.s32 s9, s13;
	s12 =	simm.s32 $0x5;
	s13 =	simm.s32 $0x1000  }
0x10: {  	s4 =	sadd.s32 $0x432E00, s4;
	s9 =	sshrl.u32 s9, $0x3;
	s7 =	smax.u32 s25, $0x1  }
0x11: {  	s6 =	sadd.s32 s6, s9;
	s9 =	sadd.s32 s29, s11;
	s11 =	sshrl.u32 s14, $0x3  }
0x12: {  	s14 =	simm.s32 $0x1;
	s8 =	sadd.s32 $0x1938600, s9;
	s9 =	sadd.s32 $0x253600, s31  }
.LBB2_1:
0x13: {  	[spmem:s11], [sflag:s5] =	dma.local [hbm:s4], $0x1880  }
0x14: {  	_ =	swait.ge [sflag:s12], $0x1880  }
0x15: {  	[sflag:s12] =	ssyncset.done $0x0  }
0x16: {  	[sflag:s12] =	ssyncadd.s32 $0xFFFFE780  }
0x17: {  	p1 =	sgt.u32 s10, $0xC34;
	[bflag:$0x0] =	sbarrier.arrive $0xFFFF  }
0x18: {  	[tilespmem:s3], [sflag:$0x1] =	stream.linear.gather [hbm4b:s9+s3], $0x800, $0x38;
	[tilespmem:$0x15400] =	vst v63  }
0x19: {  	s19 =	sadd.s32 $0x0, s8;
	s20 =	simm.s32 @!p1 $0x0;
	s21 =	sadd.s32 @!p1 $0x2000, s9  }
0x1a: {  	[tilespmem:s13], [sflag:$0x2] =	stream.linear.gather [hbm4b:s19+s3], $0x4000, $0x38;
	[tilespmem:$0x15400] =	vst v63  }
0x1b: {  	s22 =	sadd.s32 @!p1 $0x0, s8;
	p0 =	por p1, p1;
	s19 =	simm.s32 @!p1 $0x800  }
0x1c: {  	[tilespmem:s19], [sflag:$0x3] =	stream.linear.gather @!p0 [hbm4b:s21+s20], $0x800, $0x38;
	[tilespmem:$0x15400] =	vst v63  }
0x1d: {  	s21 =	sadd.s32 @!p1 $0x10000, s22;
	s22 =	simm.s32 @!p1 $0x5000  }
0x1e: {  	[tilespmem:s22], [sflag:$0x4] =	stream.linear.gather @!p0 [hbm4b:s21+s20], $0x4000, $0x38;
	[tilespmem:$0x15400] =	vst v63  }
0x1f: {  	_ =	swait.ge [sflag:s14], $0x800  }
0x20: {  	[sflag:s14] =	ssyncset.done $0x0  }
0x21: {  	[sflag:s14] =	ssyncadd.s32 $0xFFFFF800  }
0x22: {  	_ =	swait.ge [sflag:s15], $0x4000  }
0x23: {  	[sflag:s15] =	ssyncset.done $0x0  }
0x24: {  	[sflag:s15] =	ssyncadd.s32 $0xFFFFC000  }
0x25: {  	[spmem:s2] =	stream.indirect.scatter.add.f32 [tilespmem:s13], [sflag:$0x6], $0x8, s3, s16, $0xb8;
	[tilespmem:$0x15400] =	vst v63  }
0x26: {  	_ =	swait.ge [sflag:s17], $0x4000  }
0x27: {  	[sflag:s17] =	ssyncset.done $0x0  }
0x28: {  	s20 =	simm.s32 @!p0 $0x3;
	[sflag:s17] =	ssyncadd.s32 $0xFFFFC000  }
0x29: {  	_ =	swait.ge @!p0 [sflag:s20], $0x800  }
0x2a: {  	[sflag:s20] =	ssyncset.done @!p0 $0x0  }
0x2b: {  	s21 =	simm.s32 @!p0 $0x4;
	[sflag:s20] =	ssyncadd.s32 @!p0 $0xFFFFF800  }
0x2c: {  	_ =	swait.ge @!p0 [sflag:s21], $0x4000  }
0x2d: {  	[sflag:s21] =	ssyncset.done @!p0 $0x0  }
0x2e: {  	s20 =	sadd.s32 $0x40, s10;
	[sflag:s21] =	ssyncadd.s32 @!p0 $0xFFFFC000  }
0x2f: {  	[spmem:s2] =	stream.indirect.scatter.add.f32 @!p0 [tilespmem:s22], [sflag:$0x5], $0x8, s19, s19, $0xb8;
	[tilespmem:$0x15400] =	vst v63  }
0x30: {  	s21 =	smov.u32 s9;
	s19 =	simm.s32 $0x20000;
	s22 =	simm.s32 @!p0 $0x5  }
.LBB2_2:
0x31: {  	_ =	swait.ge @!p0 [sflag:s22], $0x4000  }
0x32: {  	s21 =	sadd.s32 $0x4000, s21;
	s23 =	smov.u32 s19;
	s19 =	sadd.s32 $0x20000, s19  }
0x33: {  	p2 =	sgt.u32 s20, $0xC34;
	p1 =	sne.s32 s19, $0x620000;
	[sflag:s22] =	ssyncset.done @!p0 $0x0  }
0x34: {  	s24 =	sadd.s32 s23, s8;
	s25 =	simm.s32 @!p2 $0x0;
	[sflag:s22] =	ssyncadd.s32 @!p0 $0xFFFFC000  }
0x35: {  	[tilespmem:s3], [sflag:$0x1] =	stream.linear.gather [hbm4b:s21+s3], $0x800, $0x38;
	[tilespmem:$0x15400] =	vst v63  }
0x36: {  	s26 =	simm.s32 @!p2 $0x800;
	s23 =	sadd.s32 @!p2 s23, s8;
	s22 =	sadd.s32 @!p2 $0x2000, s21  }
0x37: {  	[tilespmem:s13], [sflag:$0x2] =	stream.linear.gather [hbm4b:s24+s3], $0x4000, $0x38;
	[tilespmem:$0x15400] =	vst v63  }
0x38: {  	s23 =	sadd.s32 @!p2 $0x10000, s23;
	p0 =	por p2, p2;
	s24 =	simm.s32 @!p2 $0x5000  }
0x39: {  	[tilespmem:s26], [sflag:$0x3] =	stream.linear.gather @!p0 [hbm4b:s22+s25], $0x800, $0x38;
	[tilespmem:$0x15400] =	vst v63  }
0x3a: {  	_ = 	snop  }
0x3b: {  	[tilespmem:s24], [sflag:$0x4] =	stream.linear.gather @!p0 [hbm4b:s23+s25], $0x4000, $0x38;
	[tilespmem:$0x15400] =	vst v63  }
0x3c: {  	_ =	swait.ge [sflag:s14], $0x800  }
0x3d: {  	[sflag:s14] =	ssyncset.done $0x0  }
0x3e: {  	[sflag:s14] =	ssyncadd.s32 $0xFFFFF800  }
0x3f: {  	_ =	swait.ge [sflag:s15], $0x4000  }
0x40: {  	[sflag:s15] =	ssyncset.done $0x0  }
0x41: {  	[sflag:s15] =	ssyncadd.s32 $0xFFFFC000  }
0x42: {  	[spmem:s2] =	stream.indirect.scatter.add.f32 [tilespmem:s13], [sflag:$0x6], $0x8, s3, s16, $0xb8;
	[tilespmem:$0x15400] =	vst v63  }
0x43: {  	_ =	swait.ge [sflag:s17], $0x4000  }
0x44: {  	s22 =	simm.s32 @!p0 $0x3;
	[sflag:s17] =	ssyncset.done $0x0  }
0x45: {  	[sflag:s17] =	ssyncadd.s32 $0xFFFFC000  }
0x46: {  	_ =	swait.ge @!p0 [sflag:s22], $0x800  }
0x47: {  	s23 =	simm.s32 @!p0 $0x4;
	[sflag:s22] =	ssyncset.done @!p0 $0x0  }
.Ltmp0:
0x48: {  	[sflag:s22] =	ssyncadd.s32 @!p0 $0xFFFFF800;
	(pc) =	sbr.rel @p1 .LBB2_2-.Ltmp0, $4  }
0x49: {  	_ =	swait.ge @!p0 [sflag:s23], $0x4000  }
0x4a: {  	[sflag:s23] =	ssyncset.done @!p0 $0x0  }
0x4b: {  	s20 =	sadd.s32 $0x40, s20;
	s22 =	simm.s32 @!p0 $0x5;
	[sflag:s23] =	ssyncadd.s32 @!p0 $0xFFFFC000  }
0x4c: {  	[spmem:s2] =	stream.indirect.scatter.add.f32 @!p0 [tilespmem:s24], [sflag:$0x5], $0x8, s26, s26, $0xb8;
	[tilespmem:$0x15400] =	vst v63  }
0x4d: {  	_ =	swait.ge @!p0 [sflag:s22], $0x4000  }
0x4e: {  	s18 =	sadd.s32 $0x1, s18;
	[sflag:s22] =	ssyncset.done @!p0 $0x0  }
0x4f: {  	[sflag:s22] =	ssyncadd.s32 @!p0 $0xFFFFC000;
	p0 =	sne.s32 s18, s7  }
.Ltmp1:
0x50: {  	[bflag:$0x0] =	sbarrier.arrive $0xFFFF;
	(pc) =	sbr.rel @p0 .LBB2_1-.Ltmp1, $4  }
0x51: {  	[hbm:s6], [sflag:s5] =	dma.local [spmem:s11], $0x1880  }
0x52: {  	_ =	swait.ge [sflag:s12], $0x1880  }
0x53: {  	[sflag:s12] =	ssyncset.done $0x0  }
0x54: {  	[sflag:s12] =	ssyncadd.s32 $0xFFFFE780  }
0x55: {  	_ =	sfence.sel $0x180000  }
0x56: {  	[bflag:$0x0] =	sbarrier.arrive $0xFFFF  }
0x57: {  	p0 =	sne.s32 s1, $0x0;
	_ =	strace $0x9000004A  }
0x58: {  	s0 =	sadd.s32 @!p0 $0x100000, s0;
	[bflag:$0x2] =	sbarrier.arrive $0xFFFF  }
0x59: {  	[sflag:s0] =	ssyncadd.tile.s32 @!p0 $0x1;
	_ =	shalt  }
.Lfunc_end2:
_tile_overlayer_lowered:
.L_overlay_start_2:
0x5a: {  	(tag) =	ssettag $0x2  }
0x5b: {  	s0 =	rddreg [dreg:$0x0];
	s2 =	stileid.u32  }
0x5c: {  	s1 =	rddreg [dreg:$0x1];
	p0 =	sne.s32 s2, $0x0  }
0x5d: {  	s3 =	rddreg [dreg:$0x2];
	[bflag:$0x3] =	sbarrier.arrive $0xFFFF;
	s2 =	simm.s32 @!p0 $0x1C05  }
0x5e: {  	[timem:s3], [sflag:s2] =	dma.local @!p0 [hbm:s0], s1  }
0x5f: {  	s0 =	simm.s32 @!p0 $0x5  }
0x60: {  	_ =	swait.ge @!p0 [sflag:s0], s1  }
0x61: {  	s1 =	ssub.s32 @!p0 $0x0, s1;
	[sflag:s0] =	ssyncset.done @!p0 $0x0  }
0x62: {  	[sflag:s0] =	ssyncadd.s32 @!p0 s1  }
0x63: {  	[bflag:$0x3] =	sbarrier.arrive $0xFFFF  }
0x64: {  	_ =	shalt  }

// kernel: kernel.18.cloned.1.call-start
scs
__scs_entry_jumppad:
0x0: {  	(pc) =	sbr.rel $0x88, $3  }
0x1: {  	(tag) =	ssettag $0x0;
	lr =	simm.s32 $0x1  }
0x2: {  	[smem:$0x3F80] =	sst lr;
	_ =	strace $0xD0000000  }
0x3: {  	_ = 	snop  }
0x4: {  	_ = 	snop  }
0x5: {  	_ = 	snop  }
0x6: {  	_ = 	snop  }
0x7: {  	_ = 	snop  }
__scs_overlays_trampoline_lowered:
0x8: {  	[smem:$0x3F8F] =	sst s0  }
0x9: {  	[smem:$0x3F90] =	sst s1  }
0xa: {  	[smem:$0x3F91] =	sst s2  }
0xb: {  	[smem:$0x3F92] =	sst s3  }
0xc: {  	[smem:$0x3F93] =	sst s4  }
0xd: {  	[smem:$0x3F94] =	sst s5  }
0xe: {  	[smem:$0x3F95] =	sst s6  }
0xf: {  	[smem:$0x3F96] =	sst s7  }
0x10: {  	[smem:$0x3F97] =	sst s8  }
0x11: {  	[smem:$0x3F98] =	sst s9;
	s0 =	simm.s32 @!p0 $0x0  }
0x12: {  	s1 =	sld [smem:$0x3F7E];
	s0 =	simm.s32 @p0 $0x1  }
0x13: {  	[smem:$0x3F99] =	sst s0;
	s0 =	simm.s32 @!p1 $0x0  }
0x14: {  	s2 =	sld [smem:$0x3F7D];
	s0 =	simm.s32 @p1 $0x1  }
0x15: {  	[smem:$0x3F9A] =	sst s0;
	s0 =	simm.s32 @!p2 $0x0  }
0x16: {  	s3 =	sld [smem:$0x3FDB];
	s0 =	simm.s32 @p2 $0x1  }
0x17: {  	s4 =	simm.s32 $0x1BF5;
	[smem:$0x3F9C] =	sst s0  }
0x18: {  	s0 =	sld [smem:$0x3F7F];
	_ =	swait.ge [sflag:s4], $0x0  }
0x19: {  	s7 =	sld [smem:$0x3F80]  }
0x1a: {  	s8 =	sadd.s32 $0xFFFFE003, lr  }
0x1b: {  	s9 =	sadd.s32 $0xFFFFFEF7, lr;
	s5 =	simm.s32 $0xFFFFFFFF;
	p2 =	slt.u32 s8, $0xFFFFF086  }
0x1c: {  	p1 =	slt.u32 s9, $0xF7A;
	s5 =	simm.s32 @!p2 $0x0  }
0x1d: {  	s5 =	simm.s32 @p1 $0x1;
	p0 =	seq.s32 s7, s2  }
0x1e: {  	s7 =	smul.u32 @!p0 $0xF7A, s2;
	p2 =	seq.s32 @!p0 s5, $0x0  }
0x1f: {  	s9 =	smul.u32 $0xF7A, s1;
	s8 =	simm.s32 @!p0 $0x1BF5;
	p2 =	por !p2, p0  }
0x20: {  	[sflag:s8] =	ssyncset.s32 @!p0 $0xFFFFF086;
	s6 =	sadd.s32 @!p0 s3, s7;
	s7 =	simm.s32 @!p0 $0x108  }
0x21: {  	s3 =	sadd.s32 s3, s9;
	s6 =	sadd.s32 @!p0 $0x88, s6;
	s7 =	simm.s32 @p2 $0x1082  }
0x22: {  	[simem:s7], [sflag:s8] =	dma.local @!p0 [hbm:s6], $0xF7A  }
0x23: {  	s9 =	sor.u32 $0xD0000000, s2;
	s6 =	simm.s32 $0x108;
	_ =	swait.ge @!p0 [sflag:s8], $0x0  }
0x24: {  	s3 =	sadd.s32 $0x88, s3;
	s6 =	simm.s32 @!p1 $0x1082;
	[sflag:s4] =	ssyncset.s32 $0xFFFFF086  }
0x25: {  	[simem:s6], [sflag:s4] =	dma.local [hbm:s3], $0xF7A  }
0x26: {  	[smem:$0x3F80] =	sst s1;
	(tag) =	ssettag s2;
	_ =	strace s9  }
0x27: {  	s1 =	sld [smem:$0x3F90]  }
0x28: {  	s2 =	sld [smem:$0x3F91]  }
0x29: {  	s4 =	sld [smem:$0x3F93]  }
0x2a: {  	p0 =	seq.s32 s5, $0x0;
	s5 =	sld [smem:$0x3F94]  }
0x2b: {  	s6 =	sld [smem:$0x3F95]  }
0x2c: {  	s7 =	sld [smem:$0x3F96]  }
0x2d: {  	s3 =	simm.s32 $0x108;
	s8 =	sld [smem:$0x3F97]  }
0x2e: {  	s3 =	simm.s32 @!p0 $0x1082;
	s9 =	sld [smem:$0x3F98]  }
0x2f: {  	lr =	sadd.s32 s0, s3;
	s0 =	sld [smem:$0x3F8F]  }
0x30: {  	s3 =	sld [smem:$0x3F92]  }
0x31: {  	[smem:$0x3F9B] =	sst s10  }
0x32: {  	s10 =	sld [smem:$0x3F99];
	_ =	sdelay $0x3  }
0x33: {  	p0 =	seq.s32 s10, $0x1;
	s10 =	sld [smem:$0x3F9B];
	_ =	sdelay $0x3  }
0x34: {  	[smem:$0x3F9B] =	sst s10  }
0x35: {  	s10 =	sld [smem:$0x3F9A];
	_ =	sdelay $0x3  }
0x36: {  	p1 =	seq.s32 s10, $0x1;
	s10 =	sld [smem:$0x3F9B];
	_ =	sdelay $0x3  }
0x37: {  	[smem:$0x3F9B] =	sst s10  }
0x38: {  	s10 =	sld [smem:$0x3F9C]  }
0x39: {  	_ = 	snop;
	(pc) =	sbr.ind lr, $3  }
0x3a: {  	_ = 	snop  }
0x3b: {  	_ = 	snop  }
0x3c: {  	p2 =	seq.s32 s10, $0x1;
	s10 =	sld [smem:$0x3F9B]  }
0x3d: {  	_ =	shalt  }
0x3e: {  	_ =	shalt  }
0x3f: {  	_ =	shalt  }
0x40: {  	_ =	shalt  }
0x41: {  	_ =	shalt  }
0x42: {  	_ =	shalt  }
0x43: {  	_ =	shalt  }
0x44: {  	_ =	shalt  }
0x45: {  	_ =	shalt  }
0x46: {  	_ =	shalt  }
0x47: {  	_ =	shalt  }
0x48: {  	_ =	shalt  }
0x49: {  	_ =	shalt  }
0x4a: {  	_ =	shalt  }
0x4b: {  	_ =	shalt  }
0x4c: {  	_ =	shalt  }
0x4d: {  	_ =	shalt  }
0x4e: {  	_ =	shalt  }
0x4f: {  	_ =	shalt  }
0x50: {  	_ =	shalt  }
0x51: {  	_ =	shalt  }
0x52: {  	_ =	shalt  }
0x53: {  	_ =	shalt  }
0x54: {  	_ =	shalt  }
0x55: {  	_ =	shalt  }
0x56: {  	_ =	shalt  }
0x57: {  	_ =	shalt  }
0x58: {  	_ =	shalt  }
0x59: {  	_ =	shalt  }
0x5a: {  	_ =	shalt  }
0x5b: {  	_ =	shalt  }
0x5c: {  	_ =	shalt  }
0x5d: {  	_ =	shalt  }
0x5e: {  	_ =	shalt  }
0x5f: {  	_ =	shalt  }
0x60: {  	_ =	shalt  }
0x61: {  	_ =	shalt  }
0x62: {  	_ =	shalt  }
0x63: {  	_ =	shalt  }
0x64: {  	_ =	shalt  }
0x65: {  	_ =	shalt  }
0x66: {  	_ =	shalt  }
0x67: {  	_ =	shalt  }
0x68: {  	_ =	shalt  }
0x69: {  	_ =	shalt  }
0x6a: {  	_ =	shalt  }
0x6b: {  	_ =	shalt  }
0x6c: {  	_ =	shalt  }
0x6d: {  	_ =	shalt  }
0x6e: {  	_ =	shalt  }
0x6f: {  	_ =	shalt  }
0x70: {  	_ =	shalt  }
0x71: {  	_ =	shalt  }
0x72: {  	_ =	shalt  }
0x73: {  	_ =	shalt  }
0x74: {  	_ =	shalt  }
0x75: {  	_ =	shalt  }
0x76: {  	_ =	shalt  }
0x77: {  	_ =	shalt  }
0x78: {  	_ =	shalt  }
0x79: {  	_ =	shalt  }
0x7a: {  	_ =	shalt  }
0x7b: {  	_ =	shalt  }
0x7c: {  	_ =	shalt  }
0x7d: {  	_ =	shalt  }
0x7e: {  	_ =	shalt  }
0x7f: {  	_ =	shalt  }
0x80: {  	_ =	shalt  }
0x81: {  	_ =	shalt  }
0x82: {  	_ =	shalt  }
0x83: {  	_ =	shalt  }
0x84: {  	_ =	shalt  }
0x85: {  	_ =	shalt  }
0x86: {  	_ =	shalt  }
0x87: {  	_ =	shalt  }
.Lfunc_end0:
.L_simem_size_0:
called_computation.2_lowered:
.L_overlay_start_0:
0x88: {  	s2 =	sld [smem:$0x3FD9]  }
0x89: {  	s3 =	sld [smem:$0x3FFE];
	_ =	sdelay $0x1  }
0x8a: {  	s1 =	srdreg.scid  }
0x8b: {  	s0 =	sand.u32 $0x1, s1  }
0x8c: {  	s17 =	sshll.u32 s0, $0xA;
	s2 =	sadd.s32 s3, s2  }
0x8d: {  	s2 =	sadd.s32 s2, s17  }
0x8e: {  	[smem:$0x3FA7] =	sst s2  }
0x8f: {  	_ = 	snop  }
0x90: {  	s2 =	sld [smem:$0x3FD0];
	(tm) =	ssettm $0x1  }
0x91: {  	s18 =	sld [smem:$0x3FFB];
	_ =	sdelay $0x3  }
0x92: {  	_ =	strace s18  }
0x93: {  	s3 =	sld [smem:$0x3FFC];
	_ =	sdelay $0x3  }
0x94: {  	_ =	strace s3  }
0x95: {  	s3 =	sld [smem:$0x3FFD];
	_ =	sdelay $0x3  }
0x96: {  	_ =	strace s3  }
0x97: {  	_ =	strace $0x8FFFFFFF  }
0x98: {  	s19 =	sld [smem:$0x3FDB];
	_ =	sdelay $0x1  }
0x99: {  	s4 =	simm.s32 $_scs_section_size  }
0x9a: {  	s5 =	simm.s32 $_size__tile_overlayer_lowered;
	s6 =	simm.s32 $_tile_overlayer_lowered  }
0x9b: {  	s22 =	simm.s32 $0x1BFF;
	s21 =	sshll.u32 s6, $0x1;
	s3 =	sadd.s32 s4, s19  }
0x9c: {  	s7 =	simm.s32 $0x0;
	s20 =	sshll.u32 s5, $0x1;
	s5 =	sadd.s32 s21, s3  }
0x9d: {  	[timem:s7], [sflag:s22] =	dma.local [hbm:s5], s20  }
0x9e: {  	_ =	swait.ge [sflag:s22], s20  }
0x9f: {  	s4 =	ssub.s32 $0x0, s20;
	[sflag:s22] =	ssyncset.done $0x0  }
0xa0: {  	[sflag:s22] =	ssyncadd.s32 s4;
	_ =	sdelay $0x1  }
0xa1: {  	s23 =	simm.s32 $0x1B8B  }
0xa2: {  	_ =	swait.ge [sflag:s23], $0x1  }
0xa3: {  	[sflag:s23] =	ssyncset.done $0x0  }
0xa4: {  	s25 =	simm.s32 $0x1B8E;
	s24 =	sld [smem:$0x3FFE];
	[sflag:s23] =	ssyncadd.s32 $0xFFFFFFFF  }
0xa5: {  	s26 =	simm.s32 $execute0_lowered;
	[smem:$0x3FD2] =	sst s25  }
0xa6: {  	s5 =	sshll.u32 s26, $0x1;
	_ =	strace $0x8000004C;
	[dreg:$0x1] =	wrdreg $0xFFFFFFFF  }
0xa7: {  	s28 =	simm.s32 $_size_execute0_lowered;
	s3 =	sadd.s32 s3, s5;
	[dreg:$0x0] =	wrdreg $0x0  }
0xa8: {  	s5 =	sshll.u32 s28, $0x1;
	[dreg:$0x2] =	wrdreg s3  }
0xa9: {  	[dreg:$0x3] =	wrdreg s5  }
0xaa: {  	[dreg:$0x4] =	wrdreg $0xC0  }
0xab: {  	_ =	task [dreg:s7], $0x5FFFF  }
0xac: {  	[dreg:$0x1] =	wrdreg $0xFFFFFFFF  }
0xad: {  	[dreg:$0x0] =	wrdreg $0x60  }
0xae: {  	[dreg:$0x2] =	wrdreg s2  }
0xaf: {  	[dreg:$0x3] =	wrdreg s24  }
0xb0: {  	[dreg:$0x4] =	wrdreg $0x9  }
0xb1: {  	_ =	task.clear_ibuf [dreg:s7], $0x5FFFF;
	_ =	strace $0x9000004C  }
0xb2: {  	s29 =	simm.s32 $0x9;
	_ =	strace $0x8000004E  }
0xb3: {  	_ =	swait.ge [sflag:s29], $0x1  }
0xb4: {  	[sflag:s29] =	ssyncadd.s32 $0xFFFFFFFF  }
0xb5: {  	_ =	strace $0x9000004E  }
0xb6: {  	_ =	sfence  }
0xb7: {  	s30 =	sld [smem:$0x0];
	_ =	sdelay $0x2  }
0xb8: {  	s31 =	sshll.u32 s1, $0xD;
	s1 =	sshrl.u32 s1, $0x2  }
0xb9: {  	s3 =	sand.u32 $0x4000, s31;
	s1 =	sadd.s32 s1, s30  }
0xba: {  	s0 =	sor.u32 s3, s0;
	s1 =	sshll.u32 s1, $0x11  }
0xbb: {  	s0 =	sor.u32 s1, s0  }
0xbc: {  	s0 =	sadd.s32 $0x8F2B, s0  }
0xbd: {  	[sflag:s0] =	ssyncadd.remote.s32 $0x1  }
0xbe: {  	_ =	sfence.sel $0xFFFF  }
0xbf: {  	[dreg:$0x0] =	wrdreg $0xFFFFFFFF;
	(pc) =	sbr.abs _section_cstart, $3  }
0xc0: {  	[dreg:$0x1] =	wrdreg $0xFFFFFFFF  }
0xc1: {  	_ =	task.clear_ibuf [dreg:s7], $0x2FFFF;
	_ =	strace $0x9FFFFFFF  }
0xc2: {  	(tm) =	ssettm $0x7FFFFFFF  }
0xc3: {  	_ =	shalt  }
tec
execute0_lowered:
.L_overlay_start_1:
0x0: {  	(tag) =	ssettag $0x1  }
0x1: {  	s1 =	rddreg [dreg:$0x0]  }
0x2: {  	s4 =	rddreg [dreg:$0x1]  }
0x3: {  	s0 =	rddreg [dreg:$0x2]  }
0x4: {  	s3 =	simm.s32 $0x0;
	s5 =	srdreg.scid;
	s2 =	stileid.u32  }
0x5: {  	s30 =	simm.s32 $0x800;
	s31 =	simm.s32 $0x2000;
	s13 =	simm.s32 $0x6000  }
0x6: {  	[smem:$0x7FF] =	sst s3;
	s10 =	sand.u32 $0x1, s5;
	s28 =	sshll.u32 s2, $0x9  }
0x7: {  	s6 =	sshll.u32 s2, $0xC;
	s12 =	sshll.u32 s2, $0x1;
	_ =	strace $0x8000004D  }
0x8: {  	s7 =	ssub.s32 $0x2, s10;
	s6 =	sadd.s32 s6, s4;
	[dreg:$0x3] =	wrdreg s30  }
0x9: {  	s9 =	sshll.u32 s10, $0xB;
	s11 =	sadd.s32 s28, s4;
	[dreg:$0x4] =	wrdreg s31  }
0xa: {  	[dreg:$0x5] =	wrdreg s13;
	s13 =	simm.s32 $0x0;
	s8 =	sshrl.u32 s7, $0x1  }
0xb: {  	s6 =	sadd.s32 s9, s6;
	s9 =	sadd.s32 $0x253600, s11;
	s29 =	ssub.s32 s7, s8  }
0xc: {  	s5 =	sadd.s32 $0xE8B600, s6;
	s6 =	sadd.s32 $0x870E00, s6;
	s7 =	sshll.u32 s10, $0x8  }
0xd: {  	s8 =	sadd.s32 $0x316C00, s11;
	s10 =	sor.u32 s10, s12;
	s11 =	simm.s32 $0x3  }
0xe: {  	s12 =	simm.s32 $0x4;
	s4 =	smax.u32 s29, $0x1;
	s10 =	sor.u32 $0x20, s10  }
.LBB2_1:
0xf: {  	s14 =	sadd.s32 s9, s7;
	p0 =	sgt.u32 s10, $0xC34  }
0x10: {  	[tilespmem:s3], [sflag:$0x1] =	stream.linear.gather [hbm4b:s14+s3], $0x800, $0x38;
	[tilespmem:$0x12000] =	vst v63  }
0x11: {  	s15 =	rddreg [dreg:$0x3];
	s26 =	sadd.s32 s8, s7;
	s14 =	simm.s32 @p0 $0x1  }
0x12: {  	[tilespmem:s15], [sflag:$0x2] =	stream.linear.gather [hbm4b:s26+s3], $0x800, $0x38;
	[tilespmem:$0x12000] =	vst v63  }
0x13: {  	_ =	swait.ge @p0 [sflag:s14], $0x800  }
0x14: {  	[sflag:s14] =	ssyncset.done @p0 $0x0  }
0x15: {  	s15 =	simm.s32 @p0 $0x2;
	[sflag:s14] =	ssyncadd.s32 @p0 $0xFFFFF800  }
0x16: {  	_ =	swait.ge @p0 [sflag:s15], $0x800  }
0x17: {  	s16 =	simm.s32 @p0 $0x800;
	[sflag:s15] =	ssyncset.done @p0 $0x0  }
0x18: {  	s17 =	simm.s32 @p0 $0x0;
	s14 =	simm.s32 @p0 $0x2000;
	[sflag:s15] =	ssyncadd.s32 @p0 $0xFFFFF800  }
0x19: {  	[tilespmem:s14], [sflag:$0x3] =	stream.indirect.gather @p0 [hbm4b:s1+s16], $0x8, s17, s16, $0xb8;
	[tilespmem:$0x12000] =	vst v63  }
0x1a: {  	s15 =	sadd.s32 @!p0 s8, s7;
	s14 =	sadd.s32 @!p0 s9, s7;
	s17 =	simm.s32 @p0 $0x6000  }
0x1b: {  	[tilespmem:s17], [sflag:$0x4] =	stream.indirect.gather @p0 [hbm4b:s1+s16], $0x8, s16, s16, $0xb8;
	[tilespmem:$0x12000] =	vst v63  }
0x1c: {  	s14 =	sadd.s32 @!p0 $0x2000, s14;
	s16 =	simm.s32 @!p0 $0x0;
	s17 =	simm.s32 @!p0 $0x1000  }
0x1d: {  	[tilespmem:s17], [sflag:$0x5] =	stream.linear.gather @!p0 [hbm4b:s14+s16], $0x800, $0x38;
	[tilespmem:$0x12000] =	vst v63  }
0x1e: {  	s18 =	simm.s32 @!p0 $0x1;
	s14 =	sadd.s32 @!p0 $0x2000, s15;
	s15 =	simm.s32 @!p0 $0x1800  }
0x1f: {  	[tilespmem:s15], [sflag:$0x6] =	stream.linear.gather @!p0 [hbm4b:s14+s16], $0x800, $0x38;
	[tilespmem:$0x12000] =	vst v63  }
0x20: {  	_ =	swait.ge @!p0 [sflag:s18], $0x800  }
0x21: {  	[sflag:s18] =	ssyncset.done @!p0 $0x0  }
0x22: {  	s14 =	simm.s32 @!p0 $0x2;
	[sflag:s18] =	ssyncadd.s32 @!p0 $0xFFFFF800  }
0x23: {  	_ =	swait.ge @!p0 [sflag:s14], $0x800  }
0x24: {  	[sflag:s14] =	ssyncset.done @!p0 $0x0  }
0x25: {  	s19 =	simm.s32 @!p0 $0x2000;
	s18 =	simm.s32 @!p0 $0x800;
	[sflag:s14] =	ssyncadd.s32 @!p0 $0xFFFFF800  }
0x26: {  	[tilespmem:s19], [sflag:$0x3] =	stream.indirect.gather @!p0 [hbm4b:s1+s18], $0x8, s16, s18, $0xb8;
	[tilespmem:$0x12000] =	vst v63  }
0x27: {  	s14 =	simm.s32 @!p0 $0x6000;
	s19 =	simm.s32 @!p0 $0x5  }
0x28: {  	[tilespmem:s14], [sflag:$0x4] =	stream.indirect.gather @!p0 [hbm4b:s1+s18], $0x8, s18, s18, $0xb8;
	[tilespmem:$0x12000] =	vst v63  }
0x29: {  	_ =	swait.ge @!p0 [sflag:s19], $0x800  }
0x2a: {  	[sflag:s19] =	ssyncset.done @!p0 $0x0  }
0x2b: {  	s14 =	simm.s32 @!p0 $0x6;
	[sflag:s19] =	ssyncadd.s32 @!p0 $0xFFFFF800  }
0x2c: {  	_ =	swait.ge @!p0 [sflag:s14], $0x800  }
0x2d: {  	[sflag:s14] =	ssyncset.done @!p0 $0x0  }
0x2e: {  	s19 =	simm.s32 @!p0 $0xA000;
	[sflag:s14] =	ssyncadd.s32 @!p0 $0xFFFFF800  }
0x2f: {  	[tilespmem:s19], [sflag:$0x7] =	stream.indirect.gather @!p0 [hbm4b:s1+s18], $0x8, s17, s18, $0xb8;
	[tilespmem:$0x12000] =	vst v63  }
0x30: {  	s14 =	simm.s32 @!p0 $0xE000  }
0x31: {  	[tilespmem:s14], [sflag:$0x8] =	stream.indirect.gather @!p0 [hbm4b:s1+s18], $0x8, s15, s18, $0xb8;
	[tilespmem:$0x12000] =	vst v63  }
0x32: {  	_ =	swait.ge [sflag:s11], $0x4000  }
0x33: {  	[sflag:s11] =	ssyncset.done $0x0  }
0x34: {  	[sflag:s11] =	ssyncadd.s32 $0xFFFFC000  }
0x35: {  	_ =	swait.ge [sflag:s12], $0x4000  }
0x36: {  	[sflag:s12] =	ssyncset.done $0x0  }
0x37: {  	s29 =	sadd.s32 $0x0, s6;
	s28 =	rddreg [dreg:$0x4];
	[sflag:s12] =	ssyncadd.s32 $0xFFFFC000  }
0x38: {  	[hbm4b:s29+s3] =	stream.linear.scatter [tilespmem:s28], [sflag:$0x9], $0x4000, $0x38;
	[tilespmem:$0x12000] =	vst v63  }
0x39: {  	s31 =	sadd.s32 $0x0, s5;
	s17 =	simm.s32 @!p0 $0x7;
	s30 =	rddreg [dreg:$0x5]  }
0x3a: {  	[hbm4b:s31+s3] =	stream.linear.scatter [tilespmem:s30], [sflag:$0xA], $0x4000, $0x38;
	[tilespmem:$0x12000] =	vst v63  }
0x3b: {  	_ =	swait.ge @!p0 [sflag:s17], $0x4000  }
0x3c: {  	[sflag:s17] =	ssyncset.done @!p0 $0x0  }
0x3d: {  	s15 =	simm.s32 @!p0 $0x8;
	[sflag:s17] =	ssyncadd.s32 @!p0 $0xFFFFC000  }
0x3e: {  	_ =	swait.ge @!p0 [sflag:s15], $0x4000  }
0x3f: {  	s17 =	sadd.s32 @!p0 $0x0, s6;
	[sflag:s15] =	ssyncset.done @!p0 $0x0  }
0x40: {  	s18 =	sadd.s32 @!p0 $0x0, s5;
	s17 =	sadd.s32 @!p0 $0x10000, s17;
	[sflag:s15] =	ssyncadd.s32 @!p0 $0xFFFFC000  }
0x41: {  	[hbm4b:s17+s16] =	stream.linear.scatter @!p0 [tilespmem:s19], [sflag:$0xB], $0x4000, $0x38;
	[tilespmem:$0x12000] =	vst v63  }
0x42: {  	s15 =	sadd.s32 @!p0 $0x10000, s18;
	s17 =	simm.s32 @!p0 $0x9  }
0x43: {  	[hbm4b:s15+s16] =	stream.linear.scatter @!p0 [tilespmem:s14], [sflag:$0xC], $0x4000, $0x38;
	[tilespmem:$0x12000] =	vst v63  }
0x44: {  	_ =	swait.ge @!p0 [sflag:s17], $0x4000  }
0x45: {  	[sflag:s17] =	ssyncset.done @!p0 $0x0  }
0x46: {  	s14 =	simm.s32 @!p0 $0xA;
	[sflag:s17] =	ssyncadd.s32 @!p0 $0xFFFFC000  }
0x47: {  	_ =	swait.ge @!p0 [sflag:s14], $0x4000  }
0x48: {  	s15 =	simm.s32 @!p0 $0xB;
	[sflag:s14] =	ssyncset.done @!p0 $0x0  }
0x49: {  	s15 =	simm.s32 @p0 $0x9;
	[sflag:s14] =	ssyncadd.s32 @!p0 $0xFFFFC000  }
0x4a: {  	s18 =	simm.s32 @!p0 $0xC;
	_ =	swait.ge [sflag:s15], $0x4000  }
0x4b: {  	s18 =	simm.s32 @p0 $0xA;
	[sflag:s15] =	ssyncset.done $0x0  }
0x4c: {  	s16 =	sadd.s32 $0x40, s10;
	s17 =	smov.u32 s8;
	[sflag:s15] =	ssyncadd.s32 $0xFFFFC000  }
0x4d: {  	s14 =	simm.s32 $0x20000;
	s15 =	sadd.s32 $0x4000, s9;
	_ =	swait.ge [sflag:s18], $0x4000  }
.LBB2_2:
0x4e: {  	[sflag:s18] =	ssyncset.done $0x0;
	s17 =	sadd.s32 $0x4000, s17  }
0x4f: {  	s19 =	sadd.s32 s15, s7;
	p1 =	sgt.u32 s16, $0xC34;
	[sflag:s18] =	ssyncadd.s32 $0xFFFFC000  }
0x50: {  	[tilespmem:s3], [sflag:$0x1] =	stream.linear.gather [hbm4b:s19+s3], $0x800, $0x38;
	[tilespmem:$0x12000] =	vst v63  }
0x51: {  	s21 =	rddreg [dreg:$0x3];
	s25 =	sadd.s32 s17, s7;
	s18 =	simm.s32 @p1 $0x1  }
0x52: {  	[tilespmem:s21], [sflag:$0x2] =	stream.linear.gather [hbm4b:s25+s3], $0x800, $0x38;
	[tilespmem:$0x12000] =	vst v63  }
0x53: {  	_ =	swait.ge @p1 [sflag:s18], $0x800  }
0x54: {  	s19 =	sadd.s32 @!p1 s15, s7;
	[sflag:s18] =	ssyncset.done @p1 $0x0  }
0x55: {  	s24 =	sadd.s32 @!p1 $0x2000, s19;
	s19 =	simm.s32 @p1 $0x2;
	[sflag:s18] =	ssyncadd.s32 @p1 $0xFFFFF800  }
0x56: {  	s20 =	smov.u32 s14;
	s23 =	simm.s32 @p1 $0x2000;
	_ =	swait.ge @p1 [sflag:s19], $0x800  }
0x57: {  	s26 =	simm.s32 @p1 $0x800;
	s18 =	sadd.s32 @!p1 s20, s5;
	[sflag:s19] =	ssyncset.done @p1 $0x0  }
0x58: {  	s22 =	sadd.s32 @!p1 $0x10000, s18;
	s18 =	simm.s32 @p1 $0x0;
	[sflag:s19] =	ssyncadd.s32 @p1 $0xFFFFF800  }
0x59: {  	[tilespmem:s23], [sflag:$0x3] =	stream.indirect.gather @p1 [hbm4b:s1+s26], $0x8, s18, s26, $0xb8;
	[tilespmem:$0x12000] =	vst v63  }
0x5a: {  	s28 =	simm.s32 @p1 $0x6000  }
0x5b: {  	[tilespmem:s28], [sflag:$0x4] =	stream.indirect.gather @p1 [hbm4b:s1+s26], $0x8, s26, s26, $0xb8;
	[tilespmem:$0x12000] =	vst v63  }
0x5c: {  	s29 =	simm.s32 @!p1 $0x1000;
	s21 =	sadd.s32 @!p1 s17, s7;
	s23 =	simm.s32 @!p1 $0x0  }
0x5d: {  	[tilespmem:s29], [sflag:$0x5] =	stream.linear.gather @!p1 [hbm4b:s24+s23], $0x800, $0x38;
	[tilespmem:$0x12000] =	vst v63  }
0x5e: {  	s25 =	sadd.s32 @!p1 $0x2000, s21;
	s26 =	simm.s32 @!p1 $0x1800;
	s24 =	simm.s32 @!p1 $0x1  }
0x5f: {  	[tilespmem:s26], [sflag:$0x6] =	stream.linear.gather @!p1 [hbm4b:s25+s23], $0x800, $0x38;
	[tilespmem:$0x12000] =	vst v63  }
0x60: {  	_ =	swait.ge @!p1 [sflag:s24], $0x800  }
0x61: {  	[sflag:s24] =	ssyncset.done @!p1 $0x0  }
0x62: {  	s25 =	simm.s32 @!p1 $0x2;
	[sflag:s24] =	ssyncadd.s32 @!p1 $0xFFFFF800  }
0x63: {  	_ =	swait.ge @!p1 [sflag:s25], $0x800  }
0x64: {  	[sflag:s25] =	ssyncset.done @!p1 $0x0  }
0x65: {  	s28 =	simm.s32 @!p1 $0x2000;
	s24 =	simm.s32 @!p1 $0x800;
	[sflag:s25] =	ssyncadd.s32 @!p1 $0xFFFFF800  }
0x66: {  	[tilespmem:s28], [sflag:$0x3] =	stream.indirect.gather @!p1 [hbm4b:s1+s24], $0x8, s23, s24, $0xb8;
	[tilespmem:$0x12000] =	vst v63  }
0x67: {  	s25 =	simm.s32 @!p1 $0x6000;
	s28 =	simm.s32 @!p1 $0x5  }
0x68: {  	[tilespmem:s25], [sflag:$0x4] =	stream.indirect.gather @!p1 [hbm4b:s1+s24], $0x8, s24, s24, $0xb8;
	[tilespmem:$0x12000] =	vst v63  }
0x69: {  	_ =	swait.ge @!p1 [sflag:s28], $0x800  }
0x6a: {  	[sflag:s28] =	ssyncset.done @!p1 $0x0  }
0x6b: {  	s25 =	simm.s32 @!p1 $0x6;
	[sflag:s28] =	ssyncadd.s32 @!p1 $0xFFFFF800  }
0x6c: {  	_ =	swait.ge @!p1 [sflag:s25], $0x800  }
0x6d: {  	[sflag:s25] =	ssyncset.done @!p1 $0x0  }
0x6e: {  	s28 =	simm.s32 @!p1 $0xA000;
	[sflag:s25] =	ssyncadd.s32 @!p1 $0xFFFFF800  }
0x6f: {  	[tilespmem:s28], [sflag:$0x7] =	stream.indirect.gather @!p1 [hbm4b:s1+s24], $0x8, s29, s24, $0xb8;
	[tilespmem:$0x12000] =	vst v63  }
0x70: {  	s25 =	simm.s32 @!p1 $0xE000  }
0x71: {  	[tilespmem:s25], [sflag:$0x8] =	stream.indirect.gather @!p1 [hbm4b:s1+s24], $0x8, s26, s24, $0xb8;
	[tilespmem:$0x12000] =	vst v63  }
0x72: {  	_ =	swait.ge [sflag:s11], $0x4000  }
0x73: {  	[sflag:s11] =	ssyncset.done $0x0  }
0x74: {  	[sflag:s11] =	ssyncadd.s32 $0xFFFFC000  }
0x75: {  	_ =	swait.ge [sflag:s12], $0x4000  }
0x76: {  	s30 =	sadd.s32 s20, s6;
	[sflag:s12] =	ssyncset.done $0x0  }
0x77: {  	s21 =	sadd.s32 @!p1 s20, s6;
	s26 =	rddreg [dreg:$0x4];
	[sflag:s12] =	ssyncadd.s32 $0xFFFFC000  }
0x78: {  	[hbm4b:s30+s3] =	stream.linear.scatter [tilespmem:s26], [sflag:$0x9], $0x4000, $0x38;
	[tilespmem:$0x12000] =	vst v63  }
0x79: {  	s20 =	sadd.s32 s20, s5;
	s24 =	simm.s32 @!p1 $0x7;
	s31 =	rddreg [dreg:$0x5]  }
0x7a: {  	[hbm4b:s20+s3] =	stream.linear.scatter [tilespmem:s31], [sflag:$0xA], $0x4000, $0x38;
	[tilespmem:$0x12000] =	vst v63  }
0x7b: {  	_ =	swait.ge @!p1 [sflag:s24], $0x4000  }
0x7c: {  	[sflag:s24] =	ssyncset.done @!p1 $0x0  }
0x7d: {  	s20 =	simm.s32 @!p1 $0x8;
	[sflag:s24] =	ssyncadd.s32 @!p1 $0xFFFFC000  }
0x7e: {  	_ =	swait.ge @!p1 [sflag:s20], $0x4000  }
0x7f: {  	[sflag:s20] =	ssyncset.done @!p1 $0x0  }
0x80: {  	s21 =	sadd.s32 @!p1 $0x10000, s21;
	[sflag:s20] =	ssyncadd.s32 @!p1 $0xFFFFC000  }
0x81: {  	[hbm4b:s21+s23] =	stream.linear.scatter @!p1 [tilespmem:s28], [sflag:$0xB], $0x4000, $0x38;
	[tilespmem:$0x12000] =	vst v63  }
0x82: {  	s20 =	simm.s32 @!p1 $0x9  }
0x83: {  	[hbm4b:s22+s23] =	stream.linear.scatter @!p1 [tilespmem:s25], [sflag:$0xC], $0x4000, $0x38;
	[tilespmem:$0x12000] =	vst v63  }
0x84: {  	_ =	swait.ge @!p1 [sflag:s20], $0x4000  }
0x85: {  	[sflag:s20] =	ssyncset.done @!p1 $0x0  }
0x86: {  	s21 =	simm.s32 @!p1 $0xA;
	[sflag:s20] =	ssyncadd.s32 @!p1 $0xFFFFC000  }
0x87: {  	s14 =	sadd.s32 $0x20000, s14;
	_ =	swait.ge @!p1 [sflag:s21], $0x4000  }
0x88: {  	p0 =	sne.s32 s14, $0x620000;
	s19 =	simm.s32 @!p1 $0xB;
	[sflag:s21] =	ssyncset.done @!p1 $0x0  }
.Ltmp0:
0x89: {  	s19 =	simm.s32 @p1 $0x9;
	[sflag:s21] =	ssyncadd.s32 @!p1 $0xFFFFC000;
	(pc) =	sbr.rel @p0 .LBB2_2-.Ltmp0, $4  }
0x8a: {  	_ =	swait.ge [sflag:s19], $0x4000  }
0x8b: {  	s18 =	simm.s32 @!p1 $0xC;
	[sflag:s19] =	ssyncset.done $0x0  }
0x8c: {  	s18 =	simm.s32 @p1 $0xA;
	[sflag:s19] =	ssyncadd.s32 $0xFFFFC000  }
0x8d: {  	s16 =	sadd.s32 $0x40, s16;
	s15 =	sadd.s32 $0x4000, s15;
	_ =	swait.ge [sflag:s18], $0x4000  }
0x8e: {  	s13 =	sadd.s32 $0x1, s13  }
0x8f: {  	p0 =	sne.s32 s13, s4  }
.Ltmp1:
0x90: {  	_ = 	snop;
	(pc) =	sbr.rel @p0 .LBB2_1-.Ltmp1, $3  }
0x91: {  	_ =	sdelay $0x1  }
0x92: {  	[sflag:s18] =	ssyncset.done $0x0  }
0x93: {  	[sflag:s18] =	ssyncadd.s32 $0xFFFFC000  }
0x94: {  	_ =	sfence.sel $0x180000  }
0x95: {  	[bflag:$0x0] =	sbarrier.arrive $0xFFFF  }
0x96: {  	p0 =	sne.s32 s2, $0x0;
	_ =	strace $0x9000004D  }
0x97: {  	s0 =	sadd.s32 @!p0 $0x100000, s0;
	[bflag:$0x2] =	sbarrier.arrive $0xFFFF  }
0x98: {  	[sflag:s0] =	ssyncadd.tile.s32 @!p0 $0x1;
	_ =	shalt  }
.Lfunc_end2:
_tile_overlayer_lowered:
.L_overlay_start_2:
0x99: {  	(tag) =	ssettag $0x2  }
0x9a: {  	s0 =	rddreg [dreg:$0x0];
	s2 =	stileid.u32  }
0x9b: {  	s1 =	rddreg [dreg:$0x1];
	p0 =	sne.s32 s2, $0x0  }
0x9c: {  	s3 =	rddreg [dreg:$0x2];
	[bflag:$0x3] =	sbarrier.arrive $0xFFFF;
	s2 =	simm.s32 @!p0 $0x1C0D  }
0x9d: {  	[timem:s3], [sflag:s2] =	dma.local @!p0 [hbm:s0], s1  }
0x9e: {  	s0 =	simm.s32 @!p0 $0xD  }
0x9f: {  	_ =	swait.ge @!p0 [sflag:s0], s1  }
0xa0: {  	s1 =	ssub.s32 @!p0 $0x0, s1;
	[sflag:s0] =	ssyncset.done @!p0 $0x0  }
0xa1: {  	[sflag:s0] =	ssyncadd.s32 @!p0 s1  }
0xa2: {  	[bflag:$0x3] =	sbarrier.arrive $0xFFFF  }
0xa3: {  	_ =	shalt  }

// kernel: kernel.21.cloned.1.call-start
scs
__scs_entry_jumppad:
0x0: {  	(pc) =	sbr.rel $0x88, $3  }
0x1: {  	(tag) =	ssettag $0x0;
	lr =	simm.s32 $0x1  }
0x2: {  	[smem:$0x3F80] =	sst lr;
	_ =	strace $0xD0000000  }
0x3: {  	_ = 	snop  }
0x4: {  	_ = 	snop  }
0x5: {  	_ = 	snop  }
0x6: {  	_ = 	snop  }
0x7: {  	_ = 	snop  }
__scs_overlays_trampoline_lowered:
0x8: {  	[smem:$0x3F8F] =	sst s0  }
0x9: {  	[smem:$0x3F90] =	sst s1  }
0xa: {  	[smem:$0x3F91] =	sst s2  }
0xb: {  	[smem:$0x3F92] =	sst s3  }
0xc: {  	[smem:$0x3F93] =	sst s4  }
0xd: {  	[smem:$0x3F94] =	sst s5  }
0xe: {  	[smem:$0x3F95] =	sst s6  }
0xf: {  	[smem:$0x3F96] =	sst s7  }
0x10: {  	[smem:$0x3F97] =	sst s8  }
0x11: {  	[smem:$0x3F98] =	sst s9;
	s0 =	simm.s32 @!p0 $0x0  }
0x12: {  	s1 =	sld [smem:$0x3F7E];
	s0 =	simm.s32 @p0 $0x1  }
0x13: {  	[smem:$0x3F99] =	sst s0;
	s0 =	simm.s32 @!p1 $0x0  }
0x14: {  	s2 =	sld [smem:$0x3F7D];
	s0 =	simm.s32 @p1 $0x1  }
0x15: {  	[smem:$0x3F9A] =	sst s0;
	s0 =	simm.s32 @!p2 $0x0  }
0x16: {  	s3 =	sld [smem:$0x3FDB];
	s0 =	simm.s32 @p2 $0x1  }
0x17: {  	s4 =	simm.s32 $0x1BF5;
	[smem:$0x3F9C] =	sst s0  }
0x18: {  	s0 =	sld [smem:$0x3F7F];
	_ =	swait.ge [sflag:s4], $0x0  }
0x19: {  	s7 =	sld [smem:$0x3F80]  }
0x1a: {  	s8 =	sadd.s32 $0xFFFFE003, lr  }
0x1b: {  	s9 =	sadd.s32 $0xFFFFFEF7, lr;
	s5 =	simm.s32 $0xFFFFFFFF;
	p2 =	slt.u32 s8, $0xFFFFF086  }
0x1c: {  	p1 =	slt.u32 s9, $0xF7A;
	s5 =	simm.s32 @!p2 $0x0  }
0x1d: {  	s5 =	simm.s32 @p1 $0x1;
	p0 =	seq.s32 s7, s2  }
0x1e: {  	s7 =	smul.u32 @!p0 $0xF7A, s2;
	p2 =	seq.s32 @!p0 s5, $0x0  }
0x1f: {  	s9 =	smul.u32 $0xF7A, s1;
	s8 =	simm.s32 @!p0 $0x1BF5;
	p2 =	por !p2, p0  }
0x20: {  	[sflag:s8] =	ssyncset.s32 @!p0 $0xFFFFF086;
	s6 =	sadd.s32 @!p0 s3, s7;
	s7 =	simm.s32 @!p0 $0x108  }
0x21: {  	s3 =	sadd.s32 s3, s9;
	s6 =	sadd.s32 @!p0 $0x88, s6;
	s7 =	simm.s32 @p2 $0x1082  }
0x22: {  	[simem:s7], [sflag:s8] =	dma.local @!p0 [hbm:s6], $0xF7A  }
0x23: {  	s9 =	sor.u32 $0xD0000000, s2;
	s6 =	simm.s32 $0x108;
	_ =	swait.ge @!p0 [sflag:s8], $0x0  }
0x24: {  	s3 =	sadd.s32 $0x88, s3;
	s6 =	simm.s32 @!p1 $0x1082;
	[sflag:s4] =	ssyncset.s32 $0xFFFFF086  }
0x25: {  	[simem:s6], [sflag:s4] =	dma.local [hbm:s3], $0xF7A  }
0x26: {  	[smem:$0x3F80] =	sst s1;
	(tag) =	ssettag s2;
	_ =	strace s9  }
0x27: {  	s1 =	sld [smem:$0x3F90]  }
0x28: {  	s2 =	sld [smem:$0x3F91]  }
0x29: {  	s4 =	sld [smem:$0x3F93]  }
0x2a: {  	p0 =	seq.s32 s5, $0x0;
	s5 =	sld [smem:$0x3F94]  }
0x2b: {  	s6 =	sld [smem:$0x3F95]  }
0x2c: {  	s7 =	sld [smem:$0x3F96]  }
0x2d: {  	s3 =	simm.s32 $0x108;
	s8 =	sld [smem:$0x3F97]  }
0x2e: {  	s3 =	simm.s32 @!p0 $0x1082;
	s9 =	sld [smem:$0x3F98]  }
0x2f: {  	lr =	sadd.s32 s0, s3;
	s0 =	sld [smem:$0x3F8F]  }
0x30: {  	s3 =	sld [smem:$0x3F92]  }
0x31: {  	[smem:$0x3F9B] =	sst s10  }
0x32: {  	s10 =	sld [smem:$0x3F99];
	_ =	sdelay $0x3  }
0x33: {  	p0 =	seq.s32 s10, $0x1;
	s10 =	sld [smem:$0x3F9B];
	_ =	sdelay $0x3  }
0x34: {  	[smem:$0x3F9B] =	sst s10  }
0x35: {  	s10 =	sld [smem:$0x3F9A];
	_ =	sdelay $0x3  }
0x36: {  	p1 =	seq.s32 s10, $0x1;
	s10 =	sld [smem:$0x3F9B];
	_ =	sdelay $0x3  }
0x37: {  	[smem:$0x3F9B] =	sst s10  }
0x38: {  	s10 =	sld [smem:$0x3F9C]  }
0x39: {  	_ = 	snop;
	(pc) =	sbr.ind lr, $3  }
0x3a: {  	_ = 	snop  }
0x3b: {  	_ = 	snop  }
0x3c: {  	p2 =	seq.s32 s10, $0x1;
	s10 =	sld [smem:$0x3F9B]  }
0x3d: {  	_ =	shalt  }
0x3e: {  	_ =	shalt  }
0x3f: {  	_ =	shalt  }
0x40: {  	_ =	shalt  }
0x41: {  	_ =	shalt  }
0x42: {  	_ =	shalt  }
0x43: {  	_ =	shalt  }
0x44: {  	_ =	shalt  }
0x45: {  	_ =	shalt  }
0x46: {  	_ =	shalt  }
0x47: {  	_ =	shalt  }
0x48: {  	_ =	shalt  }
0x49: {  	_ =	shalt  }
0x4a: {  	_ =	shalt  }
0x4b: {  	_ =	shalt  }
0x4c: {  	_ =	shalt  }
0x4d: {  	_ =	shalt  }
0x4e: {  	_ =	shalt  }
0x4f: {  	_ =	shalt  }
0x50: {  	_ =	shalt  }
0x51: {  	_ =	shalt  }
0x52: {  	_ =	shalt  }
0x53: {  	_ =	shalt  }
0x54: {  	_ =	shalt  }
0x55: {  	_ =	shalt  }
0x56: {  	_ =	shalt  }
0x57: {  	_ =	shalt  }
0x58: {  	_ =	shalt  }
0x59: {  	_ =	shalt  }
0x5a: {  	_ =	shalt  }
0x5b: {  	_ =	shalt  }
0x5c: {  	_ =	shalt  }
0x5d: {  	_ =	shalt  }
0x5e: {  	_ =	shalt  }
0x5f: {  	_ =	shalt  }
0x60: {  	_ =	shalt  }
0x61: {  	_ =	shalt  }
0x62: {  	_ =	shalt  }
0x63: {  	_ =	shalt  }
0x64: {  	_ =	shalt  }
0x65: {  	_ =	shalt  }
0x66: {  	_ =	shalt  }
0x67: {  	_ =	shalt  }
0x68: {  	_ =	shalt  }
0x69: {  	_ =	shalt  }
0x6a: {  	_ =	shalt  }
0x6b: {  	_ =	shalt  }
0x6c: {  	_ =	shalt  }
0x6d: {  	_ =	shalt  }
0x6e: {  	_ =	shalt  }
0x6f: {  	_ =	shalt  }
0x70: {  	_ =	shalt  }
0x71: {  	_ =	shalt  }
0x72: {  	_ =	shalt  }
0x73: {  	_ =	shalt  }
0x74: {  	_ =	shalt  }
0x75: {  	_ =	shalt  }
0x76: {  	_ =	shalt  }
0x77: {  	_ =	shalt  }
0x78: {  	_ =	shalt  }
0x79: {  	_ =	shalt  }
0x7a: {  	_ =	shalt  }
0x7b: {  	_ =	shalt  }
0x7c: {  	_ =	shalt  }
0x7d: {  	_ =	shalt  }
0x7e: {  	_ =	shalt  }
0x7f: {  	_ =	shalt  }
0x80: {  	_ =	shalt  }
0x81: {  	_ =	shalt  }
0x82: {  	_ =	shalt  }
0x83: {  	_ =	shalt  }
0x84: {  	_ =	shalt  }
0x85: {  	_ =	shalt  }
0x86: {  	_ =	shalt  }
0x87: {  	_ =	shalt  }
.Lfunc_end0:
.L_simem_size_0:
called_computation.3_lowered:
.L_overlay_start_0:
0x88: {  	s2 =	sld [smem:$0x3FD9]  }
0x89: {  	s3 =	sld [smem:$0x3FFE];
	_ =	sdelay $0x1  }
0x8a: {  	s1 =	srdreg.scid  }
0x8b: {  	s0 =	sand.u32 $0x1, s1  }
0x8c: {  	s17 =	sshll.u32 s0, $0xA;
	s2 =	sadd.s32 s3, s2  }
0x8d: {  	s2 =	sadd.s32 s2, s17  }
0x8e: {  	[smem:$0x3FA7] =	sst s2  }
0x8f: {  	_ = 	snop  }
0x90: {  	s2 =	sld [smem:$0x3FD0];
	(tm) =	ssettm $0x1  }
0x91: {  	s18 =	sld [smem:$0x3FFB];
	_ =	sdelay $0x3  }
0x92: {  	_ =	strace s18  }
0x93: {  	s3 =	sld [smem:$0x3FFC];
	_ =	sdelay $0x3  }
0x94: {  	_ =	strace s3  }
0x95: {  	s3 =	sld [smem:$0x3FFD];
	_ =	sdelay $0x3  }
0x96: {  	_ =	strace s3  }
0x97: {  	_ =	strace $0x8FFFFFFF  }
0x98: {  	s19 =	sld [smem:$0x3FDB];
	_ =	sdelay $0x1  }
0x99: {  	s4 =	simm.s32 $_scs_section_size  }
0x9a: {  	s5 =	simm.s32 $_size__tile_overlayer_lowered;
	s6 =	simm.s32 $_tile_overlayer_lowered  }
0x9b: {  	s22 =	simm.s32 $0x1BFF;
	s21 =	sshll.u32 s6, $0x1;
	s3 =	sadd.s32 s4, s19  }
0x9c: {  	s7 =	simm.s32 $0x0;
	s20 =	sshll.u32 s5, $0x1;
	s5 =	sadd.s32 s21, s3  }
0x9d: {  	[timem:s7], [sflag:s22] =	dma.local [hbm:s5], s20  }
0x9e: {  	_ =	swait.ge [sflag:s22], s20  }
0x9f: {  	s4 =	ssub.s32 $0x0, s20;
	[sflag:s22] =	ssyncset.done $0x0  }
0xa0: {  	[sflag:s22] =	ssyncadd.s32 s4;
	_ =	sdelay $0x1  }
0xa1: {  	s23 =	simm.s32 $0x1B8B  }
0xa2: {  	_ =	swait.ge [sflag:s23], $0x1  }
0xa3: {  	[sflag:s23] =	ssyncset.done $0x0  }
0xa4: {  	s25 =	simm.s32 $0x1B8E;
	s24 =	sld [smem:$0x3FFE];
	[sflag:s23] =	ssyncadd.s32 $0xFFFFFFFF  }
0xa5: {  	s26 =	simm.s32 $execute0_lowered;
	[smem:$0x3FD2] =	sst s25  }
0xa6: {  	s5 =	sshll.u32 s26, $0x1;
	_ =	strace $0x8000004F;
	[dreg:$0x1] =	wrdreg $0xFFFFFFFF  }
0xa7: {  	s28 =	simm.s32 $_size_execute0_lowered;
	s3 =	sadd.s32 s3, s5;
	[dreg:$0x0] =	wrdreg $0x0  }
0xa8: {  	s5 =	sshll.u32 s28, $0x1;
	[dreg:$0x2] =	wrdreg s3  }
0xa9: {  	[dreg:$0x3] =	wrdreg s5  }
0xaa: {  	[dreg:$0x4] =	wrdreg $0xC0  }
0xab: {  	_ =	task [dreg:s7], $0x5FFFF  }
0xac: {  	[dreg:$0x1] =	wrdreg $0xFFFFFFFF  }
0xad: {  	[dreg:$0x0] =	wrdreg $0x60  }
0xae: {  	[dreg:$0x2] =	wrdreg s24  }
0xaf: {  	[dreg:$0x3] =	wrdreg s2  }
0xb0: {  	[dreg:$0x4] =	wrdreg $0x90000  }
0xb1: {  	[dreg:$0x5] =	wrdreg $0x9  }
0xb2: {  	_ =	task.clear_ibuf [dreg:s7], $0x6FFFF;
	_ =	strace $0x9000004F  }
0xb3: {  	s29 =	simm.s32 $0x9;
	_ =	strace $0x80000051  }
0xb4: {  	_ =	swait.ge [sflag:s29], $0x1  }
0xb5: {  	[sflag:s29] =	ssyncadd.s32 $0xFFFFFFFF  }
0xb6: {  	_ =	strace $0x90000051  }
0xb7: {  	_ =	sfence  }
0xb8: {  	s30 =	sld [smem:$0x0];
	_ =	sdelay $0x2  }
0xb9: {  	s31 =	sshll.u32 s1, $0xD;
	s1 =	sshrl.u32 s1, $0x2  }
0xba: {  	s3 =	sand.u32 $0x4000, s31;
	s1 =	sadd.s32 s1, s30  }
0xbb: {  	s0 =	sor.u32 s3, s0;
	s1 =	sshll.u32 s1, $0x11  }
0xbc: {  	s0 =	sor.u32 s1, s0  }
0xbd: {  	s0 =	sadd.s32 $0x8F2B, s0  }
0xbe: {  	[sflag:s0] =	ssyncadd.remote.s32 $0x1  }
0xbf: {  	_ =	sfence.sel $0xFFFF  }
0xc0: {  	[dreg:$0x0] =	wrdreg $0xFFFFFFFF;
	(pc) =	sbr.abs _section_cstart, $3  }
0xc1: {  	[dreg:$0x1] =	wrdreg $0xFFFFFFFF  }
0xc2: {  	_ =	task.clear_ibuf [dreg:s7], $0x2FFFF;
	_ =	strace $0x9FFFFFFF  }
0xc3: {  	(tm) =	ssettm $0x7FFFFFFF  }
tec
execute0_lowered:
.L_overlay_start_1:
0x0: {  	(tag) =	ssettag $0x1  }
0x1: {  	s4 =	rddreg [dreg:$0x0]  }
0x2: {  	s6 =	rddreg [dreg:$0x1]  }
0x3: {  	s2 =	rddreg [dreg:$0x2]  }
0x4: {  	s0 =	rddreg [dreg:$0x3]  }
0x5: {  	s3 =	simm.s32 $0x0;
	s1 =	stileid.u32;
	s7 =	srdreg.scid  }
0x6: {  	s15 =	simm.s32 $0x2;
	s16 =	simm.s32 $0x800;
	s17 =	simm.s32 $0x6  }
0x7: {  	s18 =	simm.s32 $0x0;
	[smem:$0x7FF] =	sst s3;
	s5 =	sshll.u32 s1, $0xC  }
0x8: {  	s8 =	sshll.u32 s1, $0x9;
	s9 =	smul.u32 $0xC400, s1;
	s10 =	sand.u32 $0x1, s7  }
0x9: {  	s26 =	sshll.u32 s1, $0x1;
	s28 =	sshll.u32 s1, $0x6;
	_ =	strace $0x80000050  }
0xa: {  	s11 =	sadd.s32 s5, s4;
	s8 =	sadd.s32 s8, s4;
	s23 =	ssub.s32 $0x2, s10  }
0xb: {  	s13 =	smul.u32 $0xC4000, s10;
	s5 =	sor.u32 $0x1C05, s28;
	s29 =	sshll.u32 s10, $0xB  }
0xc: {  	s30 =	sshll.u32 s10, $0x8;
	s10 =	sor.u32 s10, s26;
	s24 =	sshrl.u32 s9, $0x3  }
0xd: {  	s12 =	sshrl.u32 s23, $0x1;
	s14 =	sadd.s32 s9, s2;
	s31 =	sadd.s32 s30, s8  }
0xe: {  	s10 =	sor.u32 $0x20, s10;
	s4 =	sadd.s32 s24, s4;
	s25 =	ssub.s32 s23, s12  }
0xf: {  	s9 =	sadd.s32 s9, s13;
	s12 =	simm.s32 $0x5;
	s13 =	simm.s32 $0x1000  }
0x10: {  	s4 =	sadd.s32 $0x432E00, s4;
	s9 =	sshrl.u32 s9, $0x3;
	s7 =	smax.u32 s25, $0x1  }
0x11: {  	s6 =	sadd.s32 s6, s9;
	s9 =	sadd.s32 s29, s11;
	s11 =	sshrl.u32 s14, $0x3  }
0x12: {  	s14 =	simm.s32 $0x1;
	s8 =	sadd.s32 $0x1F52E00, s9;
	s9 =	sadd.s32 $0x253600, s31  }
.LBB2_1:
0x13: {  	[spmem:s11], [sflag:s5] =	dma.local [hbm:s4], $0x1880  }
0x14: {  	_ =	swait.ge [sflag:s12], $0x1880  }
0x15: {  	[sflag:s12] =	ssyncset.done $0x0  }
0x16: {  	[sflag:s12] =	ssyncadd.s32 $0xFFFFE780  }
0x17: {  	p1 =	sgt.u32 s10, $0xC34;
	[bflag:$0x0] =	sbarrier.arrive $0xFFFF  }
0x18: {  	[tilespmem:s3], [sflag:$0x1] =	stream.linear.gather [hbm4b:s9+s3], $0x800, $0x38;
	[tilespmem:$0x15400] =	vst v63  }
0x19: {  	s19 =	sadd.s32 $0x0, s8;
	s20 =	simm.s32 @!p1 $0x0;
	s21 =	sadd.s32 @!p1 $0x2000, s9  }
0x1a: {  	[tilespmem:s13], [sflag:$0x2] =	stream.linear.gather [hbm4b:s19+s3], $0x4000, $0x38;
	[tilespmem:$0x15400] =	vst v63  }
0x1b: {  	s22 =	sadd.s32 @!p1 $0x0, s8;
	p0 =	por p1, p1;
	s19 =	simm.s32 @!p1 $0x800  }
0x1c: {  	[tilespmem:s19], [sflag:$0x3] =	stream.linear.gather @!p0 [hbm4b:s21+s20], $0x800, $0x38;
	[tilespmem:$0x15400] =	vst v63  }
0x1d: {  	s21 =	sadd.s32 @!p1 $0x10000, s22;
	s22 =	simm.s32 @!p1 $0x5000  }
0x1e: {  	[tilespmem:s22], [sflag:$0x4] =	stream.linear.gather @!p0 [hbm4b:s21+s20], $0x4000, $0x38;
	[tilespmem:$0x15400] =	vst v63  }
0x1f: {  	_ =	swait.ge [sflag:s14], $0x800  }
0x20: {  	[sflag:s14] =	ssyncset.done $0x0  }
0x21: {  	[sflag:s14] =	ssyncadd.s32 $0xFFFFF800  }
0x22: {  	_ =	swait.ge [sflag:s15], $0x4000  }
0x23: {  	[sflag:s15] =	ssyncset.done $0x0  }
0x24: {  	[sflag:s15] =	ssyncadd.s32 $0xFFFFC000  }
0x25: {  	[spmem:s2] =	stream.indirect.scatter.add.f32 [tilespmem:s13], [sflag:$0x6], $0x8, s3, s16, $0xb8;
	[tilespmem:$0x15400] =	vst v63  }
0x26: {  	_ =	swait.ge [sflag:s17], $0x4000  }
0x27: {  	[sflag:s17] =	ssyncset.done $0x0  }
0x28: {  	s20 =	simm.s32 @!p0 $0x3;
	[sflag:s17] =	ssyncadd.s32 $0xFFFFC000  }
0x29: {  	_ =	swait.ge @!p0 [sflag:s20], $0x800  }
0x2a: {  	[sflag:s20] =	ssyncset.done @!p0 $0x0  }
0x2b: {  	s21 =	simm.s32 @!p0 $0x4;
	[sflag:s20] =	ssyncadd.s32 @!p0 $0xFFFFF800  }
0x2c: {  	_ =	swait.ge @!p0 [sflag:s21], $0x4000  }
0x2d: {  	[sflag:s21] =	ssyncset.done @!p0 $0x0  }
0x2e: {  	s20 =	sadd.s32 $0x40, s10;
	[sflag:s21] =	ssyncadd.s32 @!p0 $0xFFFFC000  }
0x2f: {  	[spmem:s2] =	stream.indirect.scatter.add.f32 @!p0 [tilespmem:s22], [sflag:$0x5], $0x8, s19, s19, $0xb8;
	[tilespmem:$0x15400] =	vst v63  }
0x30: {  	s21 =	smov.u32 s9;
	s19 =	simm.s32 $0x20000;
	s22 =	simm.s32 @!p0 $0x5  }
.LBB2_2:
0x31: {  	_ =	swait.ge @!p0 [sflag:s22], $0x4000  }
0x32: {  	s21 =	sadd.s32 $0x4000, s21;
	s23 =	smov.u32 s19;
	s19 =	sadd.s32 $0x20000, s19  }
0x33: {  	p2 =	sgt.u32 s20, $0xC34;
	p1 =	sne.s32 s19, $0x620000;
	[sflag:s22] =	ssyncset.done @!p0 $0x0  }
0x34: {  	s24 =	sadd.s32 s23, s8;
	s25 =	simm.s32 @!p2 $0x0;
	[sflag:s22] =	ssyncadd.s32 @!p0 $0xFFFFC000  }
0x35: {  	[tilespmem:s3], [sflag:$0x1] =	stream.linear.gather [hbm4b:s21+s3], $0x800, $0x38;
	[tilespmem:$0x15400] =	vst v63  }
0x36: {  	s26 =	simm.s32 @!p2 $0x800;
	s23 =	sadd.s32 @!p2 s23, s8;
	s22 =	sadd.s32 @!p2 $0x2000, s21  }
0x37: {  	[tilespmem:s13], [sflag:$0x2] =	stream.linear.gather [hbm4b:s24+s3], $0x4000, $0x38;
	[tilespmem:$0x15400] =	vst v63  }
0x38: {  	s23 =	sadd.s32 @!p2 $0x10000, s23;
	p0 =	por p2, p2;
	s24 =	simm.s32 @!p2 $0x5000  }
0x39: {  	[tilespmem:s26], [sflag:$0x3] =	stream.linear.gather @!p0 [hbm4b:s22+s25], $0x800, $0x38;
	[tilespmem:$0x15400] =	vst v63  }
0x3a: {  	_ = 	snop  }
0x3b: {  	[tilespmem:s24], [sflag:$0x4] =	stream.linear.gather @!p0 [hbm4b:s23+s25], $0x4000, $0x38;
	[tilespmem:$0x15400] =	vst v63  }
0x3c: {  	_ =	swait.ge [sflag:s14], $0x800  }
0x3d: {  	[sflag:s14] =	ssyncset.done $0x0  }
0x3e: {  	[sflag:s14] =	ssyncadd.s32 $0xFFFFF800  }
0x3f: {  	_ =	swait.ge [sflag:s15], $0x4000  }
0x40: {  	[sflag:s15] =	ssyncset.done $0x0  }
0x41: {  	[sflag:s15] =	ssyncadd.s32 $0xFFFFC000  }
0x42: {  	[spmem:s2] =	stream.indirect.scatter.add.f32 [tilespmem:s13], [sflag:$0x6], $0x8, s3, s16, $0xb8;
	[tilespmem:$0x15400] =	vst v63  }
0x43: {  	_ =	swait.ge [sflag:s17], $0x4000  }
0x44: {  	s22 =	simm.s32 @!p0 $0x3;
	[sflag:s17] =	ssyncset.done $0x0  }
0x45: {  	[sflag:s17] =	ssyncadd.s32 $0xFFFFC000  }
0x46: {  	_ =	swait.ge @!p0 [sflag:s22], $0x800  }
0x47: {  	s23 =	simm.s32 @!p0 $0x4;
	[sflag:s22] =	ssyncset.done @!p0 $0x0  }
.Ltmp0:
0x48: {  	[sflag:s22] =	ssyncadd.s32 @!p0 $0xFFFFF800;
	(pc) =	sbr.rel @p1 .LBB2_2-.Ltmp0, $4  }
0x49: {  	_ =	swait.ge @!p0 [sflag:s23], $0x4000  }
0x4a: {  	[sflag:s23] =	ssyncset.done @!p0 $0x0  }
0x4b: {  	s20 =	sadd.s32 $0x40, s20;
	s22 =	simm.s32 @!p0 $0x5;
	[sflag:s23] =	ssyncadd.s32 @!p0 $0xFFFFC000  }
0x4c: {  	[spmem:s2] =	stream.indirect.scatter.add.f32 @!p0 [tilespmem:s24], [sflag:$0x5], $0x8, s26, s26, $0xb8;
	[tilespmem:$0x15400] =	vst v63  }
0x4d: {  	_ =	swait.ge @!p0 [sflag:s22], $0x4000  }
0x4e: {  	s18 =	sadd.s32 $0x1, s18;
	[sflag:s22] =	ssyncset.done @!p0 $0x0  }
0x4f: {  	[sflag:s22] =	ssyncadd.s32 @!p0 $0xFFFFC000;
	p0 =	sne.s32 s18, s7  }
.Ltmp1:
0x50: {  	[bflag:$0x0] =	sbarrier.arrive $0xFFFF;
	(pc) =	sbr.rel @p0 .LBB2_1-.Ltmp1, $4  }
0x51: {  	[hbm:s6], [sflag:s5] =	dma.local [spmem:s11], $0x1880  }
0x52: {  	_ =	swait.ge [sflag:s12], $0x1880  }
0x53: {  	[sflag:s12] =	ssyncset.done $0x0  }
0x54: {  	[sflag:s12] =	ssyncadd.s32 $0xFFFFE780  }
0x55: {  	_ =	sfence.sel $0x180000  }
0x56: {  	[bflag:$0x0] =	sbarrier.arrive $0xFFFF  }
0x57: {  	p0 =	sne.s32 s1, $0x0;
	_ =	strace $0x90000050  }
0x58: {  	s0 =	sadd.s32 @!p0 $0x100000, s0;
	[bflag:$0x2] =	sbarrier.arrive $0xFFFF  }
0x59: {  	[sflag:s0] =	ssyncadd.tile.s32 @!p0 $0x1;
	_ =	shalt  }
.Lfunc_end2:
_tile_overlayer_lowered:
.L_overlay_start_2:
0x5a: {  	(tag) =	ssettag $0x2  }
0x5b: {  	s0 =	rddreg [dreg:$0x0];
	s2 =	stileid.u32  }
0x5c: {  	s1 =	rddreg [dreg:$0x1];
	p0 =	sne.s32 s2, $0x0  }
0x5d: {  	s3 =	rddreg [dreg:$0x2];
	[bflag:$0x3] =	sbarrier.arrive $0xFFFF;
	s2 =	simm.s32 @!p0 $0x1C05  }
0x5e: {  	[timem:s3], [sflag:s2] =	dma.local @!p0 [hbm:s0], s1  }
0x5f: {  	s0 =	simm.s32 @!p0 $0x5  }
0x60: {  	_ =	swait.ge @!p0 [sflag:s0], s1  }
0x61: {  	s1 =	ssub.s32 @!p0 $0x0, s1;
	[sflag:s0] =	ssyncset.done @!p0 $0x0  }
0x62: {  	[sflag:s0] =	ssyncadd.s32 @!p0 s1  }
0x63: {  	[bflag:$0x3] =	sbarrier.arrive $0xFFFF  }
0x64: {  	_ =	shalt  }

// kernel: kernel.24.cloned.1.call-start
scs
__scs_entry_jumppad:
0x0: {  	(pc) =	sbr.rel $0x88, $3  }
0x1: {  	(tag) =	ssettag $0x0;
	lr =	simm.s32 $0x1  }
0x2: {  	[smem:$0x3F80] =	sst lr;
	_ =	strace $0xD0000000  }
0x3: {  	_ = 	snop  }
0x4: {  	_ = 	snop  }
0x5: {  	_ = 	snop  }
0x6: {  	_ = 	snop  }
0x7: {  	_ = 	snop  }
__scs_overlays_trampoline_lowered:
0x8: {  	[smem:$0x3F8F] =	sst s0  }
0x9: {  	[smem:$0x3F90] =	sst s1  }
0xa: {  	[smem:$0x3F91] =	sst s2  }
0xb: {  	[smem:$0x3F92] =	sst s3  }
0xc: {  	[smem:$0x3F93] =	sst s4  }
0xd: {  	[smem:$0x3F94] =	sst s5  }
0xe: {  	[smem:$0x3F95] =	sst s6  }
0xf: {  	[smem:$0x3F96] =	sst s7  }
0x10: {  	[smem:$0x3F97] =	sst s8  }
0x11: {  	[smem:$0x3F98] =	sst s9;
	s0 =	simm.s32 @!p0 $0x0  }
0x12: {  	s1 =	sld [smem:$0x3F7E];
	s0 =	simm.s32 @p0 $0x1  }
0x13: {  	[smem:$0x3F99] =	sst s0;
	s0 =	simm.s32 @!p1 $0x0  }
0x14: {  	s2 =	sld [smem:$0x3F7D];
	s0 =	simm.s32 @p1 $0x1  }
0x15: {  	[smem:$0x3F9A] =	sst s0;
	s0 =	simm.s32 @!p2 $0x0  }
0x16: {  	s3 =	sld [smem:$0x3FDB];
	s0 =	simm.s32 @p2 $0x1  }
0x17: {  	s4 =	simm.s32 $0x1BF5;
	[smem:$0x3F9C] =	sst s0  }
0x18: {  	s0 =	sld [smem:$0x3F7F];
	_ =	swait.ge [sflag:s4], $0x0  }
0x19: {  	s7 =	sld [smem:$0x3F80]  }
0x1a: {  	s8 =	sadd.s32 $0xFFFFE003, lr  }
0x1b: {  	s9 =	sadd.s32 $0xFFFFFEF7, lr;
	s5 =	simm.s32 $0xFFFFFFFF;
	p2 =	slt.u32 s8, $0xFFFFF086  }
0x1c: {  	p1 =	slt.u32 s9, $0xF7A;
	s5 =	simm.s32 @!p2 $0x0  }
0x1d: {  	s5 =	simm.s32 @p1 $0x1;
	p0 =	seq.s32 s7, s2  }
0x1e: {  	s7 =	smul.u32 @!p0 $0xF7A, s2;
	p2 =	seq.s32 @!p0 s5, $0x0  }
0x1f: {  	s9 =	smul.u32 $0xF7A, s1;
	s8 =	simm.s32 @!p0 $0x1BF5;
	p2 =	por !p2, p0  }
0x20: {  	[sflag:s8] =	ssyncset.s32 @!p0 $0xFFFFF086;
	s6 =	sadd.s32 @!p0 s3, s7;
	s7 =	simm.s32 @!p0 $0x108  }
0x21: {  	s3 =	sadd.s32 s3, s9;
	s6 =	sadd.s32 @!p0 $0x88, s6;
	s7 =	simm.s32 @p2 $0x1082  }
0x22: {  	[simem:s7], [sflag:s8] =	dma.local @!p0 [hbm:s6], $0xF7A  }
0x23: {  	s9 =	sor.u32 $0xD0000000, s2;
	s6 =	simm.s32 $0x108;
	_ =	swait.ge @!p0 [sflag:s8], $0x0  }
0x24: {  	s3 =	sadd.s32 $0x88, s3;
	s6 =	simm.s32 @!p1 $0x1082;
	[sflag:s4] =	ssyncset.s32 $0xFFFFF086  }
0x25: {  	[simem:s6], [sflag:s4] =	dma.local [hbm:s3], $0xF7A  }
0x26: {  	[smem:$0x3F80] =	sst s1;
	(tag) =	ssettag s2;
	_ =	strace s9  }
0x27: {  	s1 =	sld [smem:$0x3F90]  }
0x28: {  	s2 =	sld [smem:$0x3F91]  }
0x29: {  	s4 =	sld [smem:$0x3F93]  }
0x2a: {  	p0 =	seq.s32 s5, $0x0;
	s5 =	sld [smem:$0x3F94]  }
0x2b: {  	s6 =	sld [smem:$0x3F95]  }
0x2c: {  	s7 =	sld [smem:$0x3F96]  }
0x2d: {  	s3 =	simm.s32 $0x108;
	s8 =	sld [smem:$0x3F97]  }
0x2e: {  	s3 =	simm.s32 @!p0 $0x1082;
	s9 =	sld [smem:$0x3F98]  }
0x2f: {  	lr =	sadd.s32 s0, s3;
	s0 =	sld [smem:$0x3F8F]  }
0x30: {  	s3 =	sld [smem:$0x3F92]  }
0x31: {  	[smem:$0x3F9B] =	sst s10  }
0x32: {  	s10 =	sld [smem:$0x3F99];
	_ =	sdelay $0x3  }
0x33: {  	p0 =	seq.s32 s10, $0x1;
	s10 =	sld [smem:$0x3F9B];
	_ =	sdelay $0x3  }
0x34: {  	[smem:$0x3F9B] =	sst s10  }
0x35: {  	s10 =	sld [smem:$0x3F9A];
	_ =	sdelay $0x3  }
0x36: {  	p1 =	seq.s32 s10, $0x1;
	s10 =	sld [smem:$0x3F9B];
	_ =	sdelay $0x3  }
0x37: {  	[smem:$0x3F9B] =	sst s10  }
0x38: {  	s10 =	sld [smem:$0x3F9C]  }
0x39: {  	_ = 	snop;
	(pc) =	sbr.ind lr, $3  }
0x3a: {  	_ = 	snop  }
0x3b: {  	_ = 	snop  }
0x3c: {  	p2 =	seq.s32 s10, $0x1;
	s10 =	sld [smem:$0x3F9B]  }
0x3d: {  	_ =	shalt  }
0x3e: {  	_ =	shalt  }
0x3f: {  	_ =	shalt  }
0x40: {  	_ =	shalt  }
0x41: {  	_ =	shalt  }
0x42: {  	_ =	shalt  }
0x43: {  	_ =	shalt  }
0x44: {  	_ =	shalt  }
0x45: {  	_ =	shalt  }
0x46: {  	_ =	shalt  }
0x47: {  	_ =	shalt  }
0x48: {  	_ =	shalt  }
0x49: {  	_ =	shalt  }
0x4a: {  	_ =	shalt  }
0x4b: {  	_ =	shalt  }
0x4c: {  	_ =	shalt  }
0x4d: {  	_ =	shalt  }
0x4e: {  	_ =	shalt  }
0x4f: {  	_ =	shalt  }
0x50: {  	_ =	shalt  }
0x51: {  	_ =	shalt  }
0x52: {  	_ =	shalt  }
0x53: {  	_ =	shalt  }
0x54: {  	_ =	shalt  }
0x55: {  	_ =	shalt  }
0x56: {  	_ =	shalt  }
0x57: {  	_ =	shalt  }
0x58: {  	_ =	shalt  }
0x59: {  	_ =	shalt  }
0x5a: {  	_ =	shalt  }
0x5b: {  	_ =	shalt  }
0x5c: {  	_ =	shalt  }
0x5d: {  	_ =	shalt  }
0x5e: {  	_ =	shalt  }
0x5f: {  	_ =	shalt  }
0x60: {  	_ =	shalt  }
0x61: {  	_ =	shalt  }
0x62: {  	_ =	shalt  }
0x63: {  	_ =	shalt  }
0x64: {  	_ =	shalt  }
0x65: {  	_ =	shalt  }
0x66: {  	_ =	shalt  }
0x67: {  	_ =	shalt  }
0x68: {  	_ =	shalt  }
0x69: {  	_ =	shalt  }
0x6a: {  	_ =	shalt  }
0x6b: {  	_ =	shalt  }
0x6c: {  	_ =	shalt  }
0x6d: {  	_ =	shalt  }
0x6e: {  	_ =	shalt  }
0x6f: {  	_ =	shalt  }
0x70: {  	_ =	shalt  }
0x71: {  	_ =	shalt  }
0x72: {  	_ =	shalt  }
0x73: {  	_ =	shalt  }
0x74: {  	_ =	shalt  }
0x75: {  	_ =	shalt  }
0x76: {  	_ =	shalt  }
0x77: {  	_ =	shalt  }
0x78: {  	_ =	shalt  }
0x79: {  	_ =	shalt  }
0x7a: {  	_ =	shalt  }
0x7b: {  	_ =	shalt  }
0x7c: {  	_ =	shalt  }
0x7d: {  	_ =	shalt  }
0x7e: {  	_ =	shalt  }
0x7f: {  	_ =	shalt  }
0x80: {  	_ =	shalt  }
0x81: {  	_ =	shalt  }
0x82: {  	_ =	shalt  }
0x83: {  	_ =	shalt  }
0x84: {  	_ =	shalt  }
0x85: {  	_ =	shalt  }
0x86: {  	_ =	shalt  }
0x87: {  	_ =	shalt  }
.Lfunc_end0:
.L_simem_size_0:
called_computation.4_lowered:
.L_overlay_start_0:
0x88: {  	s2 =	sld [smem:$0x3FD9]  }
0x89: {  	s3 =	sld [smem:$0x3FFE];
	_ =	sdelay $0x1  }
0x8a: {  	s1 =	srdreg.scid  }
0x8b: {  	s0 =	sand.u32 $0x1, s1  }
0x8c: {  	s16 =	sshll.u32 s0, $0xA;
	s2 =	sadd.s32 s3, s2  }
0x8d: {  	s2 =	sadd.s32 s2, s16  }
0x8e: {  	[smem:$0x3FA7] =	sst s2  }
0x8f: {  	_ = 	snop  }
0x90: {  	(tm) =	ssettm $0x1  }
0x91: {  	s17 =	sld [smem:$0x3FFB];
	_ =	sdelay $0x3  }
0x92: {  	_ =	strace s17  }
0x93: {  	s2 =	sld [smem:$0x3FFC];
	_ =	sdelay $0x3  }
0x94: {  	_ =	strace s2  }
0x95: {  	s2 =	sld [smem:$0x3FFD];
	_ =	sdelay $0x3  }
0x96: {  	_ =	strace s2  }
0x97: {  	_ =	strace $0x8FFFFFFF  }
0x98: {  	s18 =	sld [smem:$0x3FDB];
	_ =	sdelay $0x1  }
0x99: {  	s19 =	simm.s32 $_scs_section_size  }
0x9a: {  	s4 =	simm.s32 $_size__tile_overlayer_lowered;
	s5 =	simm.s32 $_tile_overlayer_lowered  }
0x9b: {  	s22 =	simm.s32 $0x1BFF;
	s21 =	sshll.u32 s5, $0x1;
	s2 =	sadd.s32 s19, s18  }
0x9c: {  	s6 =	simm.s32 $0x0;
	s20 =	sshll.u32 s4, $0x1;
	s4 =	sadd.s32 s21, s2  }
0x9d: {  	[timem:s6], [sflag:s22] =	dma.local [hbm:s4], s20  }
0x9e: {  	_ =	swait.ge [sflag:s22], s20  }
0x9f: {  	s3 =	ssub.s32 $0x0, s20;
	[sflag:s22] =	ssyncset.done $0x0  }
0xa0: {  	[sflag:s22] =	ssyncadd.s32 s3;
	_ =	sdelay $0x1  }
0xa1: {  	s23 =	simm.s32 $0x1B8B  }
0xa2: {  	_ =	swait.ge [sflag:s23], $0x1  }
0xa3: {  	[sflag:s23] =	ssyncset.done $0x0  }
0xa4: {  	s25 =	simm.s32 $0x1B8E;
	s24 =	sld [smem:$0x3FFE];
	[sflag:s23] =	ssyncadd.s32 $0xFFFFFFFF  }
0xa5: {  	s26 =	simm.s32 $execute0_lowered;
	[smem:$0x3FD2] =	sst s25  }
0xa6: {  	s4 =	sshll.u32 s26, $0x1;
	_ =	strace $0x80000052;
	[dreg:$0x1] =	wrdreg $0xFFFFFFFF  }
0xa7: {  	s28 =	simm.s32 $_size_execute0_lowered;
	s2 =	sadd.s32 s2, s4;
	[dreg:$0x0] =	wrdreg $0x0  }
0xa8: {  	s4 =	sshll.u32 s28, $0x1;
	[dreg:$0x2] =	wrdreg s2  }
0xa9: {  	[dreg:$0x3] =	wrdreg s4  }
0xaa: {  	[dreg:$0x4] =	wrdreg $0xC0  }
0xab: {  	_ =	task [dreg:s6], $0x5FFFF  }
0xac: {  	[dreg:$0x1] =	wrdreg $0xFFFFFFFF  }
0xad: {  	[dreg:$0x0] =	wrdreg $0x60  }
0xae: {  	[dreg:$0x2] =	wrdreg s24  }
0xaf: {  	[dreg:$0x3] =	wrdreg $0x9  }
0xb0: {  	_ =	task.clear_ibuf [dreg:s6], $0x4FFFF;
	_ =	strace $0x90000052  }
0xb1: {  	s29 =	simm.s32 $0x9;
	_ =	strace $0x80000054  }
0xb2: {  	_ =	swait.ge [sflag:s29], $0x1  }
0xb3: {  	[sflag:s29] =	ssyncadd.s32 $0xFFFFFFFF  }
0xb4: {  	_ =	strace $0x90000054  }
0xb5: {  	_ =	sfence  }
0xb6: {  	s30 =	sld [smem:$0x0];
	_ =	sdelay $0x2  }
0xb7: {  	s31 =	sshll.u32 s1, $0xD;
	s1 =	sshrl.u32 s1, $0x2  }
0xb8: {  	s3 =	sand.u32 $0x4000, s31;
	s1 =	sadd.s32 s1, s30  }
0xb9: {  	s0 =	sor.u32 s3, s0;
	s1 =	sshll.u32 s1, $0x11  }
0xba: {  	s0 =	sor.u32 s1, s0  }
0xbb: {  	s0 =	sadd.s32 $0x8F2B, s0  }
0xbc: {  	[sflag:s0] =	ssyncadd.remote.s32 $0x1  }
0xbd: {  	_ =	sfence.sel $0xFFFF  }
0xbe: {  	[dreg:$0x0] =	wrdreg $0xFFFFFFFF;
	(pc) =	sbr.abs _section_cstart, $3  }
0xbf: {  	[dreg:$0x1] =	wrdreg $0xFFFFFFFF  }
0xc0: {  	_ =	task.clear_ibuf [dreg:s6], $0x2FFFF;
	_ =	strace $0x9FFFFFFF  }
0xc1: {  	(tm) =	ssettm $0x7FFFFFFF  }
tec
execute0_lowered:
.L_overlay_start_1:
0x0: {  	(tag) =	ssettag $0x1  }
0x1: {  	s4 =	rddreg [dreg:$0x0]  }
0x2: {  	s0 =	rddreg [dreg:$0x1];
	s1 =	simm.s32 $0x0  }
0x3: {  	s5 =	srdreg.scid;
	s2 =	stileid.u32;
	s30 =	simm.s32 $0x800  }
0x4: {  	s31 =	simm.s32 $0x2000;
	s13 =	simm.s32 $0x6000;
	[smem:$0x7FF] =	sst s1  }
0x5: {  	s3 =	sadd.s32 $0x9600, s4;
	s10 =	sand.u32 $0x1, s5;
	s28 =	sshll.u32 s2, $0x9  }
0x6: {  	s6 =	sshll.u32 s2, $0xC;
	s12 =	sshll.u32 s2, $0x1;
	_ =	strace $0x80000053  }
0x7: {  	s7 =	ssub.s32 $0x2, s10;
	s6 =	sadd.s32 s6, s4;
	[dreg:$0x2] =	wrdreg s30  }
0x8: {  	s9 =	sshll.u32 s10, $0xB;
	s11 =	sadd.s32 s28, s4;
	[dreg:$0x3] =	wrdreg s31  }
0x9: {  	[dreg:$0x4] =	wrdreg s13;
	s13 =	simm.s32 $0x0;
	s8 =	sshrl.u32 s7, $0x1  }
0xa: {  	s6 =	sadd.s32 s9, s6;
	s9 =	sadd.s32 $0x253600, s11;
	s29 =	ssub.s32 s7, s8  }
0xb: {  	s5 =	sadd.s32 $0xA4D600, s6;
	s6 =	sadd.s32 $0x432E00, s6;
	s7 =	sshll.u32 s10, $0x8  }
0xc: {  	s8 =	sadd.s32 $0x316C00, s11;
	s10 =	sor.u32 s10, s12;
	s11 =	simm.s32 $0x3  }
0xd: {  	s12 =	simm.s32 $0x4;
	s4 =	smax.u32 s29, $0x1;
	s10 =	sor.u32 $0x20, s10  }
.LBB2_1:
0xe: {  	s14 =	sadd.s32 s9, s7;
	p0 =	sgt.u32 s10, $0xC34  }
0xf: {  	[tilespmem:s1], [sflag:$0x1] =	stream.linear.gather [hbm4b:s14+s1], $0x800, $0x38;
	[tilespmem:$0x12000] =	vst v63  }
0x10: {  	s15 =	rddreg [dreg:$0x2];
	s26 =	sadd.s32 s8, s7;
	s14 =	simm.s32 @p0 $0x1  }
0x11: {  	[tilespmem:s15], [sflag:$0x2] =	stream.linear.gather [hbm4b:s26+s1], $0x800, $0x38;
	[tilespmem:$0x12000] =	vst v63  }
0x12: {  	_ =	swait.ge @p0 [sflag:s14], $0x800  }
0x13: {  	[sflag:s14] =	ssyncset.done @p0 $0x0  }
0x14: {  	s15 =	simm.s32 @p0 $0x2;
	[sflag:s14] =	ssyncadd.s32 @p0 $0xFFFFF800  }
0x15: {  	_ =	swait.ge @p0 [sflag:s15], $0x800  }
0x16: {  	s16 =	simm.s32 @p0 $0x800;
	[sflag:s15] =	ssyncset.done @p0 $0x0  }
0x17: {  	s17 =	simm.s32 @p0 $0x0;
	s14 =	simm.s32 @p0 $0x2000;
	[sflag:s15] =	ssyncadd.s32 @p0 $0xFFFFF800  }
0x18: {  	[tilespmem:s14], [sflag:$0x3] =	stream.indirect.gather @p0 [hbm4b:s3+s16], $0x8, s17, s16, $0xb8;
	[tilespmem:$0x12000] =	vst v63  }
0x19: {  	s15 =	sadd.s32 @!p0 s8, s7;
	s14 =	sadd.s32 @!p0 s9, s7;
	s17 =	simm.s32 @p0 $0x6000  }
0x1a: {  	[tilespmem:s17], [sflag:$0x4] =	stream.indirect.gather @p0 [hbm4b:s3+s16], $0x8, s16, s16, $0xb8;
	[tilespmem:$0x12000] =	vst v63  }
0x1b: {  	s14 =	sadd.s32 @!p0 $0x2000, s14;
	s16 =	simm.s32 @!p0 $0x0;
	s17 =	simm.s32 @!p0 $0x1000  }
0x1c: {  	[tilespmem:s17], [sflag:$0x5] =	stream.linear.gather @!p0 [hbm4b:s14+s16], $0x800, $0x38;
	[tilespmem:$0x12000] =	vst v63  }
0x1d: {  	s18 =	simm.s32 @!p0 $0x1;
	s14 =	sadd.s32 @!p0 $0x2000, s15;
	s15 =	simm.s32 @!p0 $0x1800  }
0x1e: {  	[tilespmem:s15], [sflag:$0x6] =	stream.linear.gather @!p0 [hbm4b:s14+s16], $0x800, $0x38;
	[tilespmem:$0x12000] =	vst v63  }
0x1f: {  	_ =	swait.ge @!p0 [sflag:s18], $0x800  }
0x20: {  	[sflag:s18] =	ssyncset.done @!p0 $0x0  }
0x21: {  	s14 =	simm.s32 @!p0 $0x2;
	[sflag:s18] =	ssyncadd.s32 @!p0 $0xFFFFF800  }
0x22: {  	_ =	swait.ge @!p0 [sflag:s14], $0x800  }
0x23: {  	[sflag:s14] =	ssyncset.done @!p0 $0x0  }
0x24: {  	s19 =	simm.s32 @!p0 $0x2000;
	s18 =	simm.s32 @!p0 $0x800;
	[sflag:s14] =	ssyncadd.s32 @!p0 $0xFFFFF800  }
0x25: {  	[tilespmem:s19], [sflag:$0x3] =	stream.indirect.gather @!p0 [hbm4b:s3+s18], $0x8, s16, s18, $0xb8;
	[tilespmem:$0x12000] =	vst v63  }
0x26: {  	s14 =	simm.s32 @!p0 $0x6000;
	s19 =	simm.s32 @!p0 $0x5  }
0x27: {  	[tilespmem:s14], [sflag:$0x4] =	stream.indirect.gather @!p0 [hbm4b:s3+s18], $0x8, s18, s18, $0xb8;
	[tilespmem:$0x12000] =	vst v63  }
0x28: {  	_ =	swait.ge @!p0 [sflag:s19], $0x800  }
0x29: {  	[sflag:s19] =	ssyncset.done @!p0 $0x0  }
0x2a: {  	s14 =	simm.s32 @!p0 $0x6;
	[sflag:s19] =	ssyncadd.s32 @!p0 $0xFFFFF800  }
0x2b: {  	_ =	swait.ge @!p0 [sflag:s14], $0x800  }
0x2c: {  	[sflag:s14] =	ssyncset.done @!p0 $0x0  }
0x2d: {  	s19 =	simm.s32 @!p0 $0xA000;
	[sflag:s14] =	ssyncadd.s32 @!p0 $0xFFFFF800  }
0x2e: {  	[tilespmem:s19], [sflag:$0x7] =	stream.indirect.gather @!p0 [hbm4b:s3+s18], $0x8, s17, s18, $0xb8;
	[tilespmem:$0x12000] =	vst v63  }
0x2f: {  	s14 =	simm.s32 @!p0 $0xE000  }
0x30: {  	[tilespmem:s14], [sflag:$0x8] =	stream.indirect.gather @!p0 [hbm4b:s3+s18], $0x8, s15, s18, $0xb8;
	[tilespmem:$0x12000] =	vst v63  }
0x31: {  	_ =	swait.ge [sflag:s11], $0x4000  }
0x32: {  	[sflag:s11] =	ssyncset.done $0x0  }
0x33: {  	[sflag:s11] =	ssyncadd.s32 $0xFFFFC000  }
0x34: {  	_ =	swait.ge [sflag:s12], $0x4000  }
0x35: {  	[sflag:s12] =	ssyncset.done $0x0  }
0x36: {  	s29 =	sadd.s32 $0x0, s6;
	s28 =	rddreg [dreg:$0x3];
	[sflag:s12] =	ssyncadd.s32 $0xFFFFC000  }
0x37: {  	[hbm4b:s29+s1] =	stream.linear.scatter [tilespmem:s28], [sflag:$0x9], $0x4000, $0x38;
	[tilespmem:$0x12000] =	vst v63  }
0x38: {  	s31 =	sadd.s32 $0x0, s5;
	s17 =	simm.s32 @!p0 $0x7;
	s30 =	rddreg [dreg:$0x4]  }
0x39: {  	[hbm4b:s31+s1] =	stream.linear.scatter [tilespmem:s30], [sflag:$0xA], $0x4000, $0x38;
	[tilespmem:$0x12000] =	vst v63  }
0x3a: {  	_ =	swait.ge @!p0 [sflag:s17], $0x4000  }
0x3b: {  	[sflag:s17] =	ssyncset.done @!p0 $0x0  }
0x3c: {  	s15 =	simm.s32 @!p0 $0x8;
	[sflag:s17] =	ssyncadd.s32 @!p0 $0xFFFFC000  }
0x3d: {  	_ =	swait.ge @!p0 [sflag:s15], $0x4000  }
0x3e: {  	s17 =	sadd.s32 @!p0 $0x0, s6;
	[sflag:s15] =	ssyncset.done @!p0 $0x0  }
0x3f: {  	s18 =	sadd.s32 @!p0 $0x0, s5;
	s17 =	sadd.s32 @!p0 $0x10000, s17;
	[sflag:s15] =	ssyncadd.s32 @!p0 $0xFFFFC000  }
0x40: {  	[hbm4b:s17+s16] =	stream.linear.scatter @!p0 [tilespmem:s19], [sflag:$0xB], $0x4000, $0x38;
	[tilespmem:$0x12000] =	vst v63  }
0x41: {  	s15 =	sadd.s32 @!p0 $0x10000, s18;
	s17 =	simm.s32 @!p0 $0x9  }
0x42: {  	[hbm4b:s15+s16] =	stream.linear.scatter @!p0 [tilespmem:s14], [sflag:$0xC], $0x4000, $0x38;
	[tilespmem:$0x12000] =	vst v63  }
0x43: {  	_ =	swait.ge @!p0 [sflag:s17], $0x4000  }
0x44: {  	[sflag:s17] =	ssyncset.done @!p0 $0x0  }
0x45: {  	s14 =	simm.s32 @!p0 $0xA;
	[sflag:s17] =	ssyncadd.s32 @!p0 $0xFFFFC000  }
0x46: {  	_ =	swait.ge @!p0 [sflag:s14], $0x4000  }
0x47: {  	s15 =	simm.s32 @!p0 $0xB;
	[sflag:s14] =	ssyncset.done @!p0 $0x0  }
0x48: {  	s15 =	simm.s32 @p0 $0x9;
	[sflag:s14] =	ssyncadd.s32 @!p0 $0xFFFFC000  }
0x49: {  	s18 =	simm.s32 @!p0 $0xC;
	_ =	swait.ge [sflag:s15], $0x4000  }
0x4a: {  	s18 =	simm.s32 @p0 $0xA;
	[sflag:s15] =	ssyncset.done $0x0  }
0x4b: {  	s16 =	sadd.s32 $0x40, s10;
	s17 =	smov.u32 s8;
	[sflag:s15] =	ssyncadd.s32 $0xFFFFC000  }
0x4c: {  	s14 =	simm.s32 $0x20000;
	s15 =	sadd.s32 $0x4000, s9;
	_ =	swait.ge [sflag:s18], $0x4000  }
.LBB2_2:
0x4d: {  	[sflag:s18] =	ssyncset.done $0x0;
	s17 =	sadd.s32 $0x4000, s17  }
0x4e: {  	s19 =	sadd.s32 s15, s7;
	p1 =	sgt.u32 s16, $0xC34;
	[sflag:s18] =	ssyncadd.s32 $0xFFFFC000  }
0x4f: {  	[tilespmem:s1], [sflag:$0x1] =	stream.linear.gather [hbm4b:s19+s1], $0x800, $0x38;
	[tilespmem:$0x12000] =	vst v63  }
0x50: {  	s21 =	rddreg [dreg:$0x2];
	s25 =	sadd.s32 s17, s7;
	s18 =	simm.s32 @p1 $0x1  }
0x51: {  	[tilespmem:s21], [sflag:$0x2] =	stream.linear.gather [hbm4b:s25+s1], $0x800, $0x38;
	[tilespmem:$0x12000] =	vst v63  }
0x52: {  	_ =	swait.ge @p1 [sflag:s18], $0x800  }
0x53: {  	s19 =	sadd.s32 @!p1 s15, s7;
	[sflag:s18] =	ssyncset.done @p1 $0x0  }
0x54: {  	s24 =	sadd.s32 @!p1 $0x2000, s19;
	s19 =	simm.s32 @p1 $0x2;
	[sflag:s18] =	ssyncadd.s32 @p1 $0xFFFFF800  }
0x55: {  	s20 =	smov.u32 s14;
	s23 =	simm.s32 @p1 $0x2000;
	_ =	swait.ge @p1 [sflag:s19], $0x800  }
0x56: {  	s26 =	simm.s32 @p1 $0x800;
	s18 =	sadd.s32 @!p1 s20, s5;
	[sflag:s19] =	ssyncset.done @p1 $0x0  }
0x57: {  	s22 =	sadd.s32 @!p1 $0x10000, s18;
	s18 =	simm.s32 @p1 $0x0;
	[sflag:s19] =	ssyncadd.s32 @p1 $0xFFFFF800  }
0x58: {  	[tilespmem:s23], [sflag:$0x3] =	stream.indirect.gather @p1 [hbm4b:s3+s26], $0x8, s18, s26, $0xb8;
	[tilespmem:$0x12000] =	vst v63  }
0x59: {  	s28 =	simm.s32 @p1 $0x6000  }
0x5a: {  	[tilespmem:s28], [sflag:$0x4] =	stream.indirect.gather @p1 [hbm4b:s3+s26], $0x8, s26, s26, $0xb8;
	[tilespmem:$0x12000] =	vst v63  }
0x5b: {  	s29 =	simm.s32 @!p1 $0x1000;
	s21 =	sadd.s32 @!p1 s17, s7;
	s23 =	simm.s32 @!p1 $0x0  }
0x5c: {  	[tilespmem:s29], [sflag:$0x5] =	stream.linear.gather @!p1 [hbm4b:s24+s23], $0x800, $0x38;
	[tilespmem:$0x12000] =	vst v63  }
0x5d: {  	s25 =	sadd.s32 @!p1 $0x2000, s21;
	s26 =	simm.s32 @!p1 $0x1800;
	s24 =	simm.s32 @!p1 $0x1  }
0x5e: {  	[tilespmem:s26], [sflag:$0x6] =	stream.linear.gather @!p1 [hbm4b:s25+s23], $0x800, $0x38;
	[tilespmem:$0x12000] =	vst v63  }
0x5f: {  	_ =	swait.ge @!p1 [sflag:s24], $0x800  }
0x60: {  	[sflag:s24] =	ssyncset.done @!p1 $0x0  }
0x61: {  	s25 =	simm.s32 @!p1 $0x2;
	[sflag:s24] =	ssyncadd.s32 @!p1 $0xFFFFF800  }
0x62: {  	_ =	swait.ge @!p1 [sflag:s25], $0x800  }
0x63: {  	[sflag:s25] =	ssyncset.done @!p1 $0x0  }
0x64: {  	s28 =	simm.s32 @!p1 $0x2000;
	s24 =	simm.s32 @!p1 $0x800;
	[sflag:s25] =	ssyncadd.s32 @!p1 $0xFFFFF800  }
0x65: {  	[tilespmem:s28], [sflag:$0x3] =	stream.indirect.gather @!p1 [hbm4b:s3+s24], $0x8, s23, s24, $0xb8;
	[tilespmem:$0x12000] =	vst v63  }
0x66: {  	s25 =	simm.s32 @!p1 $0x6000;
	s28 =	simm.s32 @!p1 $0x5  }
0x67: {  	[tilespmem:s25], [sflag:$0x4] =	stream.indirect.gather @!p1 [hbm4b:s3+s24], $0x8, s24, s24, $0xb8;
	[tilespmem:$0x12000] =	vst v63  }
0x68: {  	_ =	swait.ge @!p1 [sflag:s28], $0x800  }
0x69: {  	[sflag:s28] =	ssyncset.done @!p1 $0x0  }
0x6a: {  	s25 =	simm.s32 @!p1 $0x6;
	[sflag:s28] =	ssyncadd.s32 @!p1 $0xFFFFF800  }
0x6b: {  	_ =	swait.ge @!p1 [sflag:s25], $0x800  }
0x6c: {  	[sflag:s25] =	ssyncset.done @!p1 $0x0  }
0x6d: {  	s28 =	simm.s32 @!p1 $0xA000;
	[sflag:s25] =	ssyncadd.s32 @!p1 $0xFFFFF800  }
0x6e: {  	[tilespmem:s28], [sflag:$0x7] =	stream.indirect.gather @!p1 [hbm4b:s3+s24], $0x8, s29, s24, $0xb8;
	[tilespmem:$0x12000] =	vst v63  }
0x6f: {  	s25 =	simm.s32 @!p1 $0xE000  }
0x70: {  	[tilespmem:s25], [sflag:$0x8] =	stream.indirect.gather @!p1 [hbm4b:s3+s24], $0x8, s26, s24, $0xb8;
	[tilespmem:$0x12000] =	vst v63  }
0x71: {  	_ =	swait.ge [sflag:s11], $0x4000  }
0x72: {  	[sflag:s11] =	ssyncset.done $0x0  }
0x73: {  	[sflag:s11] =	ssyncadd.s32 $0xFFFFC000  }
0x74: {  	_ =	swait.ge [sflag:s12], $0x4000  }
0x75: {  	s30 =	sadd.s32 s20, s6;
	[sflag:s12] =	ssyncset.done $0x0  }
0x76: {  	s21 =	sadd.s32 @!p1 s20, s6;
	s26 =	rddreg [dreg:$0x3];
	[sflag:s12] =	ssyncadd.s32 $0xFFFFC000  }
0x77: {  	[hbm4b:s30+s1] =	stream.linear.scatter [tilespmem:s26], [sflag:$0x9], $0x4000, $0x38;
	[tilespmem:$0x12000] =	vst v63  }
0x78: {  	s20 =	sadd.s32 s20, s5;
	s24 =	simm.s32 @!p1 $0x7;
	s31 =	rddreg [dreg:$0x4]  }
0x79: {  	[hbm4b:s20+s1] =	stream.linear.scatter [tilespmem:s31], [sflag:$0xA], $0x4000, $0x38;
	[tilespmem:$0x12000] =	vst v63  }
0x7a: {  	_ =	swait.ge @!p1 [sflag:s24], $0x4000  }
0x7b: {  	[sflag:s24] =	ssyncset.done @!p1 $0x0  }
0x7c: {  	s20 =	simm.s32 @!p1 $0x8;
	[sflag:s24] =	ssyncadd.s32 @!p1 $0xFFFFC000  }
0x7d: {  	_ =	swait.ge @!p1 [sflag:s20], $0x4000  }
0x7e: {  	[sflag:s20] =	ssyncset.done @!p1 $0x0  }
0x7f: {  	s21 =	sadd.s32 @!p1 $0x10000, s21;
	[sflag:s20] =	ssyncadd.s32 @!p1 $0xFFFFC000  }
0x80: {  	[hbm4b:s21+s23] =	stream.linear.scatter @!p1 [tilespmem:s28], [sflag:$0xB], $0x4000, $0x38;
	[tilespmem:$0x12000] =	vst v63  }
0x81: {  	s20 =	simm.s32 @!p1 $0x9  }
0x82: {  	[hbm4b:s22+s23] =	stream.linear.scatter @!p1 [tilespmem:s25], [sflag:$0xC], $0x4000, $0x38;
	[tilespmem:$0x12000] =	vst v63  }
0x83: {  	_ =	swait.ge @!p1 [sflag:s20], $0x4000  }
0x84: {  	[sflag:s20] =	ssyncset.done @!p1 $0x0  }
0x85: {  	s21 =	simm.s32 @!p1 $0xA;
	[sflag:s20] =	ssyncadd.s32 @!p1 $0xFFFFC000  }
0x86: {  	s14 =	sadd.s32 $0x20000, s14;
	_ =	swait.ge @!p1 [sflag:s21], $0x4000  }
0x87: {  	p0 =	sne.s32 s14, $0x620000;
	s19 =	simm.s32 @!p1 $0xB;
	[sflag:s21] =	ssyncset.done @!p1 $0x0  }
.Ltmp0:
0x88: {  	s19 =	simm.s32 @p1 $0x9;
	[sflag:s21] =	ssyncadd.s32 @!p1 $0xFFFFC000;
	(pc) =	sbr.rel @p0 .LBB2_2-.Ltmp0, $4  }
0x89: {  	_ =	swait.ge [sflag:s19], $0x4000  }
0x8a: {  	s18 =	simm.s32 @!p1 $0xC;
	[sflag:s19] =	ssyncset.done $0x0  }
0x8b: {  	s18 =	simm.s32 @p1 $0xA;
	[sflag:s19] =	ssyncadd.s32 $0xFFFFC000  }
0x8c: {  	s16 =	sadd.s32 $0x40, s16;
	s15 =	sadd.s32 $0x4000, s15;
	_ =	swait.ge [sflag:s18], $0x4000  }
0x8d: {  	s13 =	sadd.s32 $0x1, s13  }
0x8e: {  	p0 =	sne.s32 s13, s4  }
.Ltmp1:
0x8f: {  	_ = 	snop;
	(pc) =	sbr.rel @p0 .LBB2_1-.Ltmp1, $3  }
0x90: {  	_ =	sdelay $0x1  }
0x91: {  	[sflag:s18] =	ssyncset.done $0x0  }
0x92: {  	[sflag:s18] =	ssyncadd.s32 $0xFFFFC000  }
0x93: {  	_ =	sfence.sel $0x180000  }
0x94: {  	[bflag:$0x0] =	sbarrier.arrive $0xFFFF  }
0x95: {  	p0 =	sne.s32 s2, $0x0;
	_ =	strace $0x90000053  }
0x96: {  	s0 =	sadd.s32 @!p0 $0x100000, s0;
	[bflag:$0x2] =	sbarrier.arrive $0xFFFF  }
0x97: {  	[sflag:s0] =	ssyncadd.tile.s32 @!p0 $0x1;
	_ =	shalt  }
.Lfunc_end2:
_tile_overlayer_lowered:
.L_overlay_start_2:
0x98: {  	(tag) =	ssettag $0x2  }
0x99: {  	s0 =	rddreg [dreg:$0x0];
	s2 =	stileid.u32  }
0x9a: {  	s1 =	rddreg [dreg:$0x1];
	p0 =	sne.s32 s2, $0x0  }
0x9b: {  	s3 =	rddreg [dreg:$0x2];
	[bflag:$0x3] =	sbarrier.arrive $0xFFFF;
	s2 =	simm.s32 @!p0 $0x1C0D  }
0x9c: {  	[timem:s3], [sflag:s2] =	dma.local @!p0 [hbm:s0], s1  }
0x9d: {  	s0 =	simm.s32 @!p0 $0xD  }
0x9e: {  	_ =	swait.ge @!p0 [sflag:s0], s1  }
0x9f: {  	s1 =	ssub.s32 @!p0 $0x0, s1;
	[sflag:s0] =	ssyncset.done @!p0 $0x0  }
0xa0: {  	[sflag:s0] =	ssyncadd.s32 @!p0 s1  }
0xa1: {  	[bflag:$0x3] =	sbarrier.arrive $0xFFFF  }
0xa2: {  	_ =	shalt  }

</sc_bundles>
